<compile_context>
chip_gen: v7x
topology: tpu7x:2x2x1
jax: 0.10.2.dev20260603
libtpu: 0.0.44.dev20260713+nightly
codegen_flags: <defaults>
</compile_context>

<pallas_src>
import functools
import jax
import jax.numpy as jnp
from jax import lax
from jax.experimental import pallas as pl
from jax.experimental.pallas import tpu as pltpu
from jax.experimental.pallas import tpu_sc as plsc

_PERM4 = (7, 4, 2, 5)

_NC = 2
_NS = 16
_NW = _NC * _NS
_CHUNK = 64
_NBUF = 3


def _make_sc_kernel(n):
    rows_per_w = n // _NW
    n_chunks = rows_per_w // _CHUNK
    mesh = plsc.VectorSubcoreMesh(core_axis_name="c", subcore_axis_name="s")

    @functools.partial(
        pl.kernel,
        mesh=mesh,
        compiler_params=pltpu.CompilerParams(
            use_tc_tiling_on_sc=True,
            disable_bounds_checks=True,
            disable_semaphore_checks=True,
            skip_device_barrier=True,
        ),
        out_type=jax.ShapeDtypeStruct((n, 4, 128), jnp.float32),
        scratch_types=[
            pltpu.VMEM((_NBUF, _CHUNK, 4, 128), jnp.float32),
            pltpu.VMEM_SHARED((_NS, 2, _CHUNK // 2, 4, 128), jnp.float32),
            pltpu.SemaphoreType.DMA,
            pltpu.SemaphoreType.DMA,
            pltpu.SemaphoreType.DMA,
            pltpu.SemaphoreType.DMA,
        ],
    )
    def sc_select(x_hbm, out_hbm, buf, spbuf, sem_in, sem_out, sem_spg, sem_sps):
        sid = lax.axis_index("s")
        wid = sid * _NC + lax.axis_index("c")
        base = wid * rows_per_w

        def fire_gathers(ci, b):
            row0 = base + ci * _CHUNK
            for k, p in enumerate(_PERM4):
                pltpu.async_copy(
                    x_hbm.at[pl.ds(row0, _CHUNK), pl.ds(p, 1), :],
                    buf.at[b, :, pl.ds(k, 1), :],
                    sem_in,
                )

        def wait_gathers():
            for _ in range(4):
                pltpu.make_async_copy(
                    x_hbm.at[pl.ds(0, _CHUNK), pl.ds(0, 1), :],
                    buf.at[0, :, pl.ds(0, 1), :],
                    sem_in,
                ).wait()

        def fire_scatter(ci, b):
            row0 = base + ci * _CHUNK
            pltpu.async_copy(buf.at[b], out_hbm.at[pl.ds(row0, _CHUNK)], sem_out)

        def wait_scatter():
            pltpu.make_async_copy(
                buf.at[0], out_hbm.at[pl.ds(0, _CHUNK)], sem_out
            ).wait()

        n_stream = n_chunks - 2
        sp_half = _CHUNK // 2
        sp_base = n_stream * _CHUNK

        def sp_fire_gathers(j):
            row0 = base + sp_base + j * sp_half
            for k, p in enumerate(_PERM4):
                pltpu.async_copy(
                    x_hbm.at[pl.ds(row0, sp_half), pl.ds(p, 1), :],
                    spbuf.at[sid, j % 2, :, pl.ds(k, 1), :],
                    sem_spg,
                )

        def sp_wait_gathers():
            for _ in range(4):
                pltpu.make_async_copy(
                    x_hbm.at[pl.ds(0, sp_half), pl.ds(0, 1), :],
                    spbuf.at[sid, 0, :, pl.ds(0, 1), :],
                    sem_spg,
                ).wait()

        def sp_fire_scatter(j):
            row0 = base + sp_base + j * sp_half
            pltpu.async_copy(
                spbuf.at[sid, j % 2], out_hbm.at[pl.ds(row0, sp_half)], sem_sps
            )

        def sp_wait_scatter():
            pltpu.make_async_copy(
                spbuf.at[sid, 0], out_hbm.at[pl.ds(0, sp_half)], sem_sps
            ).wait()

        sp_fire_gathers(0)
        sp_fire_gathers(1)

        fire_gathers(0, 0)
        fire_gathers(1, 1)
        for ci in range(n_stream):
            b = ci % _NBUF
            if ci + 2 < n_stream:
                if ci >= 1:
                    wait_scatter()
                fire_gathers(ci + 2, (ci + 2) % _NBUF)
            wait_gathers()
            fire_scatter(ci, b)
            if ci == 1:
                sp_wait_gathers()
                sp_wait_gathers()
                sp_fire_scatter(0)
                sp_fire_scatter(1)
            elif ci == 3:
                sp_wait_scatter()
                sp_wait_scatter()
                sp_fire_gathers(2)
                sp_fire_gathers(3)
            elif ci == 5:
                sp_wait_gathers()
                sp_wait_gathers()
                sp_fire_scatter(2)
                sp_fire_scatter(3)
        for _ in range(3):
            wait_scatter()
        sp_wait_scatter()
        sp_wait_scatter()

    return sc_select


def kernel(inputs):
    n = inputs.shape[0]
    out = _make_sc_kernel(n)(inputs)
    return out.reshape(n, 1, 512)

# --- scband reference (transcript-rebuilt; emitter-appended) ---
"""Pipeline reference for scband-random-drop-layer-22617297781062 (READ-ONLY COPY).

The authoritative reference and input builder live on the scoring server;
editing this copy changes nothing except your own understanding.
"""

import jax, jax.numpy as jnp
import numpy as np

ROWS = 4  # number of rows selected when rows == 8 (first 4 of the shuffled range)


def setup_inputs(seed: int = 0) -> dict:
    key = jax.random.key(seed)
    inputs = jax.random.normal(key, (16384, 8, 128), dtype=jnp.float32)
    return {"inputs": inputs}


def reference(inputs):
    # Faithful translation of RandomDropLayer.call for rows == 8:
    #   rand = tf.random.shuffle(tf.range(8))
    #   select = concat([inputs[:, rand[i]:rand[i]+1] for i in range(4)], axis=-1)
    # Randomness uses a fixed key so the op is deterministic/jit-able.
    rows = 8
    perm = jax.random.permutation(jax.random.key(42), rows)
    slices = [jax.lax.dynamic_slice_in_dim(inputs, perm[i], 1, axis=1) for i in range(4)]
    select = jnp.concatenate(slices, axis=-1)
    return select

if __name__ == "__main__":
    import jax
    _d = setup_inputs()
    print(jax.jit(kernel)(*tuple(_d.values())))

</pallas_src>

<mosaic_0001>
#map = affine_map<(d0, d1) -> (0, 0, 0)>
module attributes {stable_mosaic.version = 14 : i64} {
  func.func @sc_select(%arg0: i32, %arg1: i32, %arg2: memref<16384x8x128xf32, #tpu.memory_space<hbm>>, %arg3: memref<16384x4x128xf32, #tpu.memory_space<hbm>>, %arg4: memref<3x64x4x128xf32, #tpu.memory_space<vmem>>, %arg5: memref<16x2x32x4x128xf32, #tpu.memory_space<vmem_shared>>, %arg6: memref<!tpu.dma_semaphore, #tpu.memory_space<semaphore_mem>>, %arg7: memref<!tpu.dma_semaphore, #tpu.memory_space<semaphore_mem>>, %arg8: memref<!tpu.dma_semaphore, #tpu.memory_space<semaphore_mem>>, %arg9: memref<!tpu.dma_semaphore, #tpu.memory_space<semaphore_mem>>) attributes {dimension_semantics = [#tpu.dimension_semantics<core_parallel>, #tpu.dimension_semantics<subcore_parallel>], iteration_bounds = array<i64: 2, 16>, scalar_prefetch = 0 : i64, scratch_operands = 6 : i64, tpu.core_type = #tpu.core_type<sc_vector_subcore>, window_params = [{transform_indices = #map}, {transform_indices = #map}]} {
    %mul3A = arith.constant 2 : i32
    %mul3A_0 = arith.muli %arg1, %mul3A : i32
    %add3A = arith.addi %mul3A_0, %arg0 : i32
    %mul3A_1 = arith.constant 512 : i32
    %mul3A_2 = arith.muli %add3A, %mul3A_1 : i32
    %add3A_3 = arith.constant 384 : i32
    %add3A_4 = arith.addi %mul3A_2, %add3A_3 : i32
    %add3A_5 = arith.constant 0 : i32
    %add3A_6 = arith.addi %add3A_4, %add3A_5 : i32
    %dma_start3A = arith.constant 0 : i32
    %dma_start3A_7 = arith.constant 0 : i32
    %dma_start3A_8 = arith.constant 0 : i32
    %dma_start3A_9 = arith.constant 0 : i32
    %dma_start3A_10 = tpu.memref_slice %arg5[%arg1, %dma_start3A, %dma_start3A_7, %dma_start3A_8, %dma_start3A_9] : memref<16x2x32x4x128xf32, #tpu.memory_space<vmem_shared>> -> memref<1x1x32x1x128xf32, #tpu.memory_space<vmem_shared>>
    %dma_start3A_11 = tpu.memref_squeeze %dma_start3A_10 : memref<1x1x32x1x128xf32, #tpu.memory_space<vmem_shared>> -> memref<32x1x128xf32, #tpu.memory_space<vmem_shared>>
    %dma_start3A_12 = arith.constant 7 : i32
    %dma_start3A_13 = arith.constant 0 : i32
    %dma_start3A_14 = tpu.memref_slice %arg2[%add3A_6, %dma_start3A_12, %dma_start3A_13] : memref<16384x8x128xf32, #tpu.memory_space<hbm>> -> memref<32x1x128xf32, #tpu.memory_space<hbm>>
    tpu.enqueue_dma source(%dma_start3A_14 : memref<32x1x128xf32, #tpu.memory_space<hbm>>) target(%dma_start3A_11 : memref<32x1x128xf32, #tpu.memory_space<vmem_shared>>) target_semaphore(%arg8 : memref<!tpu.dma_semaphore, #tpu.memory_space<semaphore_mem>>)
    %dma_start3A_15 = arith.constant 0 : i32
    %dma_start3A_16 = arith.constant 0 : i32
    %dma_start3A_17 = arith.constant 1 : i32
    %dma_start3A_18 = arith.constant 0 : i32
    %dma_start3A_19 = tpu.memref_slice %arg5[%arg1, %dma_start3A_15, %dma_start3A_16, %dma_start3A_17, %dma_start3A_18] : memref<16x2x32x4x128xf32, #tpu.memory_space<vmem_shared>> -> memref<1x1x32x1x128xf32, #tpu.memory_space<vmem_shared>>
    %dma_start3A_20 = tpu.memref_squeeze %dma_start3A_19 : memref<1x1x32x1x128xf32, #tpu.memory_space<vmem_shared>> -> memref<32x1x128xf32, #tpu.memory_space<vmem_shared>>
    %dma_start3A_21 = arith.constant 4 : i32
    %dma_start3A_22 = arith.constant 0 : i32
    %dma_start3A_23 = tpu.memref_slice %arg2[%add3A_6, %dma_start3A_21, %dma_start3A_22] : memref<16384x8x128xf32, #tpu.memory_space<hbm>> -> memref<32x1x128xf32, #tpu.memory_space<hbm>>
    tpu.enqueue_dma source(%dma_start3A_23 : memref<32x1x128xf32, #tpu.memory_space<hbm>>) target(%dma_start3A_20 : memref<32x1x128xf32, #tpu.memory_space<vmem_shared>>) target_semaphore(%arg8 : memref<!tpu.dma_semaphore, #tpu.memory_space<semaphore_mem>>)
    %dma_start3A_24 = arith.constant 0 : i32
    %dma_start3A_25 = arith.constant 0 : i32
    %dma_start3A_26 = arith.constant 2 : i32
    %dma_start3A_27 = arith.constant 0 : i32
    %dma_start3A_28 = tpu.memref_slice %arg5[%arg1, %dma_start3A_24, %dma_start3A_25, %dma_start3A_26, %dma_start3A_27] : memref<16x2x32x4x128xf32, #tpu.memory_space<vmem_shared>> -> memref<1x1x32x1x128xf32, #tpu.memory_space<vmem_shared>>
    %dma_start3A_29 = tpu.memref_squeeze %dma_start3A_28 : memref<1x1x32x1x128xf32, #tpu.memory_space<vmem_shared>> -> memref<32x1x128xf32, #tpu.memory_space<vmem_shared>>
    %dma_start3A_30 = arith.constant 2 : i32
    %dma_start3A_31 = arith.constant 0 : i32
    %dma_start3A_32 = tpu.memref_slice %arg2[%add3A_6, %dma_start3A_30, %dma_start3A_31] : memref<16384x8x128xf32, #tpu.memory_space<hbm>> -> memref<32x1x128xf32, #tpu.memory_space<hbm>>
    tpu.enqueue_dma source(%dma_start3A_32 : memref<32x1x128xf32, #tpu.memory_space<hbm>>) target(%dma_start3A_29 : memref<32x1x128xf32, #tpu.memory_space<vmem_shared>>) target_semaphore(%arg8 : memref<!tpu.dma_semaphore, #tpu.memory_space<semaphore_mem>>)
    %dma_start3A_33 = arith.constant 0 : i32
    %dma_start3A_34 = arith.constant 0 : i32
    %dma_start3A_35 = arith.constant 3 : i32
    %dma_start3A_36 = arith.constant 0 : i32
    %dma_start3A_37 = tpu.memref_slice %arg5[%arg1, %dma_start3A_33, %dma_start3A_34, %dma_start3A_35, %dma_start3A_36] : memref<16x2x32x4x128xf32, #tpu.memory_space<vmem_shared>> -> memref<1x1x32x1x128xf32, #tpu.memory_space<vmem_shared>>
    %dma_start3A_38 = tpu.memref_squeeze %dma_start3A_37 : memref<1x1x32x1x128xf32, #tpu.memory_space<vmem_shared>> -> memref<32x1x128xf32, #tpu.memory_space<vmem_shared>>
    %dma_start3A_39 = arith.constant 5 : i32
    %dma_start3A_40 = arith.constant 0 : i32
    %dma_start3A_41 = tpu.memref_slice %arg2[%add3A_6, %dma_start3A_39, %dma_start3A_40] : memref<16384x8x128xf32, #tpu.memory_space<hbm>> -> memref<32x1x128xf32, #tpu.memory_space<hbm>>
    tpu.enqueue_dma source(%dma_start3A_41 : memref<32x1x128xf32, #tpu.memory_space<hbm>>) target(%dma_start3A_38 : memref<32x1x128xf32, #tpu.memory_space<vmem_shared>>) target_semaphore(%arg8 : memref<!tpu.dma_semaphore, #tpu.memory_space<semaphore_mem>>)
    %add3A_42 = arith.constant 384 : i32
    %add3A_43 = arith.addi %mul3A_2, %add3A_42 : i32
    %add3A_44 = arith.constant 32 : i32
    %add3A_45 = arith.addi %add3A_43, %add3A_44 : i32
    %dma_start3A_46 = arith.constant 1 : i32
    %dma_start3A_47 = arith.constant 0 : i32
    %dma_start3A_48 = arith.constant 0 : i32
    %dma_start3A_49 = arith.constant 0 : i32
    %dma_start3A_50 = tpu.memref_slice %arg5[%arg1, %dma_start3A_46, %dma_start3A_47, %dma_start3A_48, %dma_start3A_49] : memref<16x2x32x4x128xf32, #tpu.memory_space<vmem_shared>> -> memref<1x1x32x1x128xf32, #tpu.memory_space<vmem_shared>>
    %dma_start3A_51 = tpu.memref_squeeze %dma_start3A_50 : memref<1x1x32x1x128xf32, #tpu.memory_space<vmem_shared>> -> memref<32x1x128xf32, #tpu.memory_space<vmem_shared>>
    %dma_start3A_52 = arith.constant 7 : i32
    %dma_start3A_53 = arith.constant 0 : i32
    %dma_start3A_54 = tpu.memref_slice %arg2[%add3A_45, %dma_start3A_52, %dma_start3A_53] : memref<16384x8x128xf32, #tpu.memory_space<hbm>> -> memref<32x1x128xf32, #tpu.memory_space<hbm>>
    tpu.enqueue_dma source(%dma_start3A_54 : memref<32x1x128xf32, #tpu.memory_space<hbm>>) target(%dma_start3A_51 : memref<32x1x128xf32, #tpu.memory_space<vmem_shared>>) target_semaphore(%arg8 : memref<!tpu.dma_semaphore, #tpu.memory_space<semaphore_mem>>)
    %dma_start3A_55 = arith.constant 1 : i32
    %dma_start3A_56 = arith.constant 0 : i32
    %dma_start3A_57 = arith.constant 1 : i32
    %dma_start3A_58 = arith.constant 0 : i32
    %dma_start3A_59 = tpu.memref_slice %arg5[%arg1, %dma_start3A_55, %dma_start3A_56, %dma_start3A_57, %dma_start3A_58] : memref<16x2x32x4x128xf32, #tpu.memory_space<vmem_shared>> -> memref<1x1x32x1x128xf32, #tpu.memory_space<vmem_shared>>
    %dma_start3A_60 = tpu.memref_squeeze %dma_start3A_59 : memref<1x1x32x1x128xf32, #tpu.memory_space<vmem_shared>> -> memref<32x1x128xf32, #tpu.memory_space<vmem_shared>>
    %dma_start3A_61 = arith.constant 4 : i32
    %dma_start3A_62 = arith.constant 0 : i32
    %dma_start3A_63 = tpu.memref_slice %arg2[%add3A_45, %dma_start3A_61, %dma_start3A_62] : memref<16384x8x128xf32, #tpu.memory_space<hbm>> -> memref<32x1x128xf32, #tpu.memory_space<hbm>>
    tpu.enqueue_dma source(%dma_start3A_63 : memref<32x1x128xf32, #tpu.memory_space<hbm>>) target(%dma_start3A_60 : memref<32x1x128xf32, #tpu.memory_space<vmem_shared>>) target_semaphore(%arg8 : memref<!tpu.dma_semaphore, #tpu.memory_space<semaphore_mem>>)
    %dma_start3A_64 = arith.constant 1 : i32
    %dma_start3A_65 = arith.constant 0 : i32
    %dma_start3A_66 = arith.constant 2 : i32
    %dma_start3A_67 = arith.constant 0 : i32
    %dma_start3A_68 = tpu.memref_slice %arg5[%arg1, %dma_start3A_64, %dma_start3A_65, %dma_start3A_66, %dma_start3A_67] : memref<16x2x32x4x128xf32, #tpu.memory_space<vmem_shared>> -> memref<1x1x32x1x128xf32, #tpu.memory_space<vmem_shared>>
    %dma_start3A_69 = tpu.memref_squeeze %dma_start3A_68 : memref<1x1x32x1x128xf32, #tpu.memory_space<vmem_shared>> -> memref<32x1x128xf32, #tpu.memory_space<vmem_shared>>
    %dma_start3A_70 = arith.constant 2 : i32
    %dma_start3A_71 = arith.constant 0 : i32
    %dma_start3A_72 = tpu.memref_slice %arg2[%add3A_45, %dma_start3A_70, %dma_start3A_71] : memref<16384x8x128xf32, #tpu.memory_space<hbm>> -> memref<32x1x128xf32, #tpu.memory_space<hbm>>
    tpu.enqueue_dma source(%dma_start3A_72 : memref<32x1x128xf32, #tpu.memory_space<hbm>>) target(%dma_start3A_69 : memref<32x1x128xf32, #tpu.memory_space<vmem_shared>>) target_semaphore(%arg8 : memref<!tpu.dma_semaphore, #tpu.memory_space<semaphore_mem>>)
    %dma_start3A_73 = arith.constant 1 : i32
    %dma_start3A_74 = arith.constant 0 : i32
    %dma_start3A_75 = arith.constant 3 : i32
    %dma_start3A_76 = arith.constant 0 : i32
    %dma_start3A_77 = tpu.memref_slice %arg5[%arg1, %dma_start3A_73, %dma_start3A_74, %dma_start3A_75, %dma_start3A_76] : memref<16x2x32x4x128xf32, #tpu.memory_space<vmem_shared>> -> memref<1x1x32x1x128xf32, #tpu.memory_space<vmem_shared>>
    %dma_start3A_78 = tpu.memref_squeeze %dma_start3A_77 : memref<1x1x32x1x128xf32, #tpu.memory_space<vmem_shared>> -> memref<32x1x128xf32, #tpu.memory_space<vmem_shared>>
    %dma_start3A_79 = arith.constant 5 : i32
    %dma_start3A_80 = arith.constant 0 : i32
    %dma_start3A_81 = tpu.memref_slice %arg2[%add3A_45, %dma_start3A_79, %dma_start3A_80] : memref<16384x8x128xf32, #tpu.memory_space<hbm>> -> memref<32x1x128xf32, #tpu.memory_space<hbm>>
    tpu.enqueue_dma source(%dma_start3A_81 : memref<32x1x128xf32, #tpu.memory_space<hbm>>) target(%dma_start3A_78 : memref<32x1x128xf32, #tpu.memory_space<vmem_shared>>) target_semaphore(%arg8 : memref<!tpu.dma_semaphore, #tpu.memory_space<semaphore_mem>>)
    %add3A_82 = arith.constant 0 : i32
    %add3A_83 = arith.addi %mul3A_2, %add3A_82 : i32
    %dma_start3A_84 = arith.constant 0 : i32
    %dma_start3A_85 = arith.constant 0 : i32
    %dma_start3A_86 = arith.constant 0 : i32
    %dma_start3A_87 = arith.constant 0 : i32
    %dma_start3A_88 = tpu.memref_slice %arg4[%dma_start3A_84, %dma_start3A_85, %dma_start3A_86, %dma_start3A_87] : memref<3x64x4x128xf32, #tpu.memory_space<vmem>> -> memref<1x64x1x128xf32, #tpu.memory_space<vmem>>
    %dma_start3A_89 = tpu.memref_squeeze %dma_start3A_88 : memref<1x64x1x128xf32, #tpu.memory_space<vmem>> -> memref<64x1x128xf32, #tpu.memory_space<vmem>>
    %dma_start3A_90 = arith.constant 7 : i32
    %dma_start3A_91 = arith.constant 0 : i32
    %dma_start3A_92 = tpu.memref_slice %arg2[%add3A_83, %dma_start3A_90, %dma_start3A_91] : memref<16384x8x128xf32, #tpu.memory_space<hbm>> -> memref<64x1x128xf32, #tpu.memory_space<hbm>>
    %dma_start3A_93 = arith.constant 0 : i32
    %dma_start3A_94 = arith.constant 0 : i32
    %dma_start3A_95 = arith.constant 0 : i32
    %dma_start3A_96 = tpu.memref_slice %arg4[%dma_start3A_84, %dma_start3A_93, %dma_start3A_94, %dma_start3A_95] : memref<3x64x4x128xf32, #tpu.memory_space<vmem>> -> memref<1x64x1x128xf32, #tpu.memory_space<vmem>>
    %dma_start3A_97 = tpu.memref_squeeze %dma_start3A_96 : memref<1x64x1x128xf32, #tpu.memory_space<vmem>> -> memref<64x1x128xf32, #tpu.memory_space<vmem>>
    %dma_start3A_98 = arith.constant 7 : i32
    %dma_start3A_99 = arith.constant 0 : i32
    %dma_start3A_100 = tpu.memref_slice %arg2[%add3A_83, %dma_start3A_98, %dma_start3A_99] : memref<16384x8x128xf32, #tpu.memory_space<hbm>> -> memref<64x1x128xf32, #tpu.memory_space<hbm>>
    tpu.enqueue_dma source(%dma_start3A_100 : memref<64x1x128xf32, #tpu.memory_space<hbm>>) target(%dma_start3A_97 : memref<64x1x128xf32, #tpu.memory_space<vmem>>) target_semaphore(%arg6 : memref<!tpu.dma_semaphore, #tpu.memory_space<semaphore_mem>>)
    %dma_start3A_101 = arith.constant 0 : i32
    %dma_start3A_102 = arith.constant 0 : i32
    %dma_start3A_103 = arith.constant 1 : i32
    %dma_start3A_104 = arith.constant 0 : i32
    %dma_start3A_105 = tpu.memref_slice %arg4[%dma_start3A_101, %dma_start3A_102, %dma_start3A_103, %dma_start3A_104] : memref<3x64x4x128xf32, #tpu.memory_space<vmem>> -> memref<1x64x1x128xf32, #tpu.memory_space<vmem>>
    %dma_start3A_106 = tpu.memref_squeeze %dma_start3A_105 : memref<1x64x1x128xf32, #tpu.memory_space<vmem>> -> memref<64x1x128xf32, #tpu.memory_space<vmem>>
    %dma_start3A_107 = arith.constant 4 : i32
    %dma_start3A_108 = arith.constant 0 : i32
    %dma_start3A_109 = tpu.memref_slice %arg2[%add3A_83, %dma_start3A_107, %dma_start3A_108] : memref<16384x8x128xf32, #tpu.memory_space<hbm>> -> memref<64x1x128xf32, #tpu.memory_space<hbm>>
    %dma_start3A_110 = arith.constant 0 : i32
    %dma_start3A_111 = arith.constant 1 : i32
    %dma_start3A_112 = arith.constant 0 : i32
    %dma_start3A_113 = tpu.memref_slice %arg4[%dma_start3A_101, %dma_start3A_110, %dma_start3A_111, %dma_start3A_112] : memref<3x64x4x128xf32, #tpu.memory_space<vmem>> -> memref<1x64x1x128xf32, #tpu.memory_space<vmem>>
    %dma_start3A_114 = tpu.memref_squeeze %dma_start3A_113 : memref<1x64x1x128xf32, #tpu.memory_space<vmem>> -> memref<64x1x128xf32, #tpu.memory_space<vmem>>
    %dma_start3A_115 = arith.constant 4 : i32
    %dma_start3A_116 = arith.constant 0 : i32
    %dma_start3A_117 = tpu.memref_slice %arg2[%add3A_83, %dma_start3A_115, %dma_start3A_116] : memref<16384x8x128xf32, #tpu.memory_space<hbm>> -> memref<64x1x128xf32, #tpu.memory_space<hbm>>
    tpu.enqueue_dma source(%dma_start3A_117 : memref<64x1x128xf32, #tpu.memory_space<hbm>>) target(%dma_start3A_114 : memref<64x1x128xf32, #tpu.memory_space<vmem>>) target_semaphore(%arg6 : memref<!tpu.dma_semaphore, #tpu.memory_space<semaphore_mem>>)
    %dma_start3A_118 = arith.constant 0 : i32
    %dma_start3A_119 = arith.constant 0 : i32
    %dma_start3A_120 = arith.constant 2 : i32
    %dma_start3A_121 = arith.constant 0 : i32
    %dma_start3A_122 = tpu.memref_slice %arg4[%dma_start3A_118, %dma_start3A_119, %dma_start3A_120, %dma_start3A_121] : memref<3x64x4x128xf32, #tpu.memory_space<vmem>> -> memref<1x64x1x128xf32, #tpu.memory_space<vmem>>
    %dma_start3A_123 = tpu.memref_squeeze %dma_start3A_122 : memref<1x64x1x128xf32, #tpu.memory_space<vmem>> -> memref<64x1x128xf32, #tpu.memory_space<vmem>>
    %dma_start3A_124 = arith.constant 2 : i32
    %dma_start3A_125 = arith.constant 0 : i32
    %dma_start3A_126 = tpu.memref_slice %arg2[%add3A_83, %dma_start3A_124, %dma_start3A_125] : memref<16384x8x128xf32, #tpu.memory_space<hbm>> -> memref<64x1x128xf32, #tpu.memory_space<hbm>>
    %dma_start3A_127 = arith.constant 0 : i32
    %dma_start3A_128 = arith.constant 2 : i32
    %dma_start3A_129 = arith.constant 0 : i32
    %dma_start3A_130 = tpu.memref_slice %arg4[%dma_start3A_118, %dma_start3A_127, %dma_start3A_128, %dma_start3A_129] : memref<3x64x4x128xf32, #tpu.memory_space<vmem>> -> memref<1x64x1x128xf32, #tpu.memory_space<vmem>>
    %dma_start3A_131 = tpu.memref_squeeze %dma_start3A_130 : memref<1x64x1x128xf32, #tpu.memory_space<vmem>> -> memref<64x1x128xf32, #tpu.memory_space<vmem>>
    %dma_start3A_132 = arith.constant 2 : i32
    %dma_start3A_133 = arith.constant 0 : i32
    %dma_start3A_134 = tpu.memref_slice %arg2[%add3A_83, %dma_start3A_132, %dma_start3A_133] : memref<16384x8x128xf32, #tpu.memory_space<hbm>> -> memref<64x1x128xf32, #tpu.memory_space<hbm>>
    tpu.enqueue_dma source(%dma_start3A_134 : memref<64x1x128xf32, #tpu.memory_space<hbm>>) target(%dma_start3A_131 : memref<64x1x128xf32, #tpu.memory_space<vmem>>) target_semaphore(%arg6 : memref<!tpu.dma_semaphore, #tpu.memory_space<semaphore_mem>>)
    %dma_start3A_135 = arith.constant 0 : i32
    %dma_start3A_136 = arith.constant 0 : i32
    %dma_start3A_137 = arith.constant 3 : i32
    %dma_start3A_138 = arith.constant 0 : i32
    %dma_start3A_139 = tpu.memref_slice %arg4[%dma_start3A_135, %dma_start3A_136, %dma_start3A_137, %dma_start3A_138] : memref<3x64x4x128xf32, #tpu.memory_space<vmem>> -> memref<1x64x1x128xf32, #tpu.memory_space<vmem>>
    %dma_start3A_140 = tpu.memref_squeeze %dma_start3A_139 : memref<1x64x1x128xf32, #tpu.memory_space<vmem>> -> memref<64x1x128xf32, #tpu.memory_space<vmem>>
    %dma_start3A_141 = arith.constant 5 : i32
    %dma_start3A_142 = arith.constant 0 : i32
    %dma_start3A_143 = tpu.memref_slice %arg2[%add3A_83, %dma_start3A_141, %dma_start3A_142] : memref<16384x8x128xf32, #tpu.memory_space<hbm>> -> memref<64x1x128xf32, #tpu.memory_space<hbm>>
    %dma_start3A_144 = arith.constant 0 : i32
    %dma_start3A_145 = arith.constant 3 : i32
    %dma_start3A_146 = arith.constant 0 : i32
    %dma_start3A_147 = tpu.memref_slice %arg4[%dma_start3A_135, %dma_start3A_144, %dma_start3A_145, %dma_start3A_146] : memref<3x64x4x128xf32, #tpu.memory_space<vmem>> -> memref<1x64x1x128xf32, #tpu.memory_space<vmem>>
    %dma_start3A_148 = tpu.memref_squeeze %dma_start3A_147 : memref<1x64x1x128xf32, #tpu.memory_space<vmem>> -> memref<64x1x128xf32, #tpu.memory_space<vmem>>
    %dma_start3A_149 = arith.constant 5 : i32
    %dma_start3A_150 = arith.constant 0 : i32
    %dma_start3A_151 = tpu.memref_slice %arg2[%add3A_83, %dma_start3A_149, %dma_start3A_150] : memref<16384x8x128xf32, #tpu.memory_space<hbm>> -> memref<64x1x128xf32, #tpu.memory_space<hbm>>
    tpu.enqueue_dma source(%dma_start3A_151 : memref<64x1x128xf32, #tpu.memory_space<hbm>>) target(%dma_start3A_148 : memref<64x1x128xf32, #tpu.memory_space<vmem>>) target_semaphore(%arg6 : memref<!tpu.dma_semaphore, #tpu.memory_space<semaphore_mem>>)
    %add3A_152 = arith.constant 64 : i32
    %add3A_153 = arith.addi %mul3A_2, %add3A_152 : i32
    %dma_start3A_154 = arith.constant 1 : i32
    %dma_start3A_155 = arith.constant 0 : i32
    %dma_start3A_156 = arith.constant 0 : i32
    %dma_start3A_157 = arith.constant 0 : i32
    %dma_start3A_158 = tpu.memref_slice %arg4[%dma_start3A_154, %dma_start3A_155, %dma_start3A_156, %dma_start3A_157] : memref<3x64x4x128xf32, #tpu.memory_space<vmem>> -> memref<1x64x1x128xf32, #tpu.memory_space<vmem>>
    %dma_start3A_159 = tpu.memref_squeeze %dma_start3A_158 : memref<1x64x1x128xf32, #tpu.memory_space<vmem>> -> memref<64x1x128xf32, #tpu.memory_space<vmem>>
    %dma_start3A_160 = arith.constant 7 : i32
    %dma_start3A_161 = arith.constant 0 : i32
    %dma_start3A_162 = tpu.memref_slice %arg2[%add3A_153, %dma_start3A_160, %dma_start3A_161] : memref<16384x8x128xf32, #tpu.memory_space<hbm>> -> memref<64x1x128xf32, #tpu.memory_space<hbm>>
    %dma_start3A_163 = arith.constant 0 : i32
    %dma_start3A_164 = arith.constant 0 : i32
    %dma_start3A_165 = arith.constant 0 : i32
    %dma_start3A_166 = tpu.memref_slice %arg4[%dma_start3A_154, %dma_start3A_163, %dma_start3A_164, %dma_start3A_165] : memref<3x64x4x128xf32, #tpu.memory_space<vmem>> -> memref<1x64x1x128xf32, #tpu.memory_space<vmem>>
    %dma_start3A_167 = tpu.memref_squeeze %dma_start3A_166 : memref<1x64x1x128xf32, #tpu.memory_space<vmem>> -> memref<64x1x128xf32, #tpu.memory_space<vmem>>
    %dma_start3A_168 = arith.constant 7 : i32
    %dma_start3A_169 = arith.constant 0 : i32
    %dma_start3A_170 = tpu.memref_slice %arg2[%add3A_153, %dma_start3A_168, %dma_start3A_169] : memref<16384x8x128xf32, #tpu.memory_space<hbm>> -> memref<64x1x128xf32, #tpu.memory_space<hbm>>
    tpu.enqueue_dma source(%dma_start3A_170 : memref<64x1x128xf32, #tpu.memory_space<hbm>>) target(%dma_start3A_167 : memref<64x1x128xf32, #tpu.memory_space<vmem>>) target_semaphore(%arg6 : memref<!tpu.dma_semaphore, #tpu.memory_space<semaphore_mem>>)
    %dma_start3A_171 = arith.constant 1 : i32
    %dma_start3A_172 = arith.constant 0 : i32
    %dma_start3A_173 = arith.constant 1 : i32
    %dma_start3A_174 = arith.constant 0 : i32
    %dma_start3A_175 = tpu.memref_slice %arg4[%dma_start3A_171, %dma_start3A_172, %dma_start3A_173, %dma_start3A_174] : memref<3x64x4x128xf32, #tpu.memory_space<vmem>> -> memref<1x64x1x128xf32, #tpu.memory_space<vmem>>
    %dma_start3A_176 = tpu.memref_squeeze %dma_start3A_175 : memref<1x64x1x128xf32, #tpu.memory_space<vmem>> -> memref<64x1x128xf32, #tpu.memory_space<vmem>>
    %dma_start3A_177 = arith.constant 4 : i32
    %dma_start3A_178 = arith.constant 0 : i32
    %dma_start3A_179 = tpu.memref_slice %arg2[%add3A_153, %dma_start3A_177, %dma_start3A_178] : memref<16384x8x128xf32, #tpu.memory_space<hbm>> -> memref<64x1x128xf32, #tpu.memory_space<hbm>>
    %dma_start3A_180 = arith.constant 0 : i32
    %dma_start3A_181 = arith.constant 1 : i32
    %dma_start3A_182 = arith.constant 0 : i32
    %dma_start3A_183 = tpu.memref_slice %arg4[%dma_start3A_171, %dma_start3A_180, %dma_start3A_181, %dma_start3A_182] : memref<3x64x4x128xf32, #tpu.memory_space<vmem>> -> memref<1x64x1x128xf32, #tpu.memory_space<vmem>>
    %dma_start3A_184 = tpu.memref_squeeze %dma_start3A_183 : memref<1x64x1x128xf32, #tpu.memory_space<vmem>> -> memref<64x1x128xf32, #tpu.memory_space<vmem>>
    %dma_start3A_185 = arith.constant 4 : i32
    %dma_start3A_186 = arith.constant 0 : i32
    %dma_start3A_187 = tpu.memref_slice %arg2[%add3A_153, %dma_start3A_185, %dma_start3A_186] : memref<16384x8x128xf32, #tpu.memory_space<hbm>> -> memref<64x1x128xf32, #tpu.memory_space<hbm>>
    tpu.enqueue_dma source(%dma_start3A_187 : memref<64x1x128xf32, #tpu.memory_space<hbm>>) target(%dma_start3A_184 : memref<64x1x128xf32, #tpu.memory_space<vmem>>) target_semaphore(%arg6 : memref<!tpu.dma_semaphore, #tpu.memory_space<semaphore_mem>>)
    %dma_start3A_188 = arith.constant 1 : i32
    %dma_start3A_189 = arith.constant 0 : i32
    %dma_start3A_190 = arith.constant 2 : i32
    %dma_start3A_191 = arith.constant 0 : i32
    %dma_start3A_192 = tpu.memref_slice %arg4[%dma_start3A_188, %dma_start3A_189, %dma_start3A_190, %dma_start3A_191] : memref<3x64x4x128xf32, #tpu.memory_space<vmem>> -> memref<1x64x1x128xf32, #tpu.memory_space<vmem>>
    %dma_start3A_193 = tpu.memref_squeeze %dma_start3A_192 : memref<1x64x1x128xf32, #tpu.memory_space<vmem>> -> memref<64x1x128xf32, #tpu.memory_space<vmem>>
    %dma_start3A_194 = arith.constant 2 : i32
    %dma_start3A_195 = arith.constant 0 : i32
    %dma_start3A_196 = tpu.memref_slice %arg2[%add3A_153, %dma_start3A_194, %dma_start3A_195] : memref<16384x8x128xf32, #tpu.memory_space<hbm>> -> memref<64x1x128xf32, #tpu.memory_space<hbm>>
    %dma_start3A_197 = arith.constant 0 : i32
    %dma_start3A_198 = arith.constant 2 : i32
    %dma_start3A_199 = arith.constant 0 : i32
    %dma_start3A_200 = tpu.memref_slice %arg4[%dma_start3A_188, %dma_start3A_197, %dma_start3A_198, %dma_start3A_199] : memref<3x64x4x128xf32, #tpu.memory_space<vmem>> -> memref<1x64x1x128xf32, #tpu.memory_space<vmem>>
    %dma_start3A_201 = tpu.memref_squeeze %dma_start3A_200 : memref<1x64x1x128xf32, #tpu.memory_space<vmem>> -> memref<64x1x128xf32, #tpu.memory_space<vmem>>
    %dma_start3A_202 = arith.constant 2 : i32
    %dma_start3A_203 = arith.constant 0 : i32
    %dma_start3A_204 = tpu.memref_slice %arg2[%add3A_153, %dma_start3A_202, %dma_start3A_203] : memref<16384x8x128xf32, #tpu.memory_space<hbm>> -> memref<64x1x128xf32, #tpu.memory_space<hbm>>
    tpu.enqueue_dma source(%dma_start3A_204 : memref<64x1x128xf32, #tpu.memory_space<hbm>>) target(%dma_start3A_201 : memref<64x1x128xf32, #tpu.memory_space<vmem>>) target_semaphore(%arg6 : memref<!tpu.dma_semaphore, #tpu.memory_space<semaphore_mem>>)
    %dma_start3A_205 = arith.constant 1 : i32
    %dma_start3A_206 = arith.constant 0 : i32
    %dma_start3A_207 = arith.constant 3 : i32
    %dma_start3A_208 = arith.constant 0 : i32
    %dma_start3A_209 = tpu.memref_slice %arg4[%dma_start3A_205, %dma_start3A_206, %dma_start3A_207, %dma_start3A_208] : memref<3x64x4x128xf32, #tpu.memory_space<vmem>> -> memref<1x64x1x128xf32, #tpu.memory_space<vmem>>
    %dma_start3A_210 = tpu.memref_squeeze %dma_start3A_209 : memref<1x64x1x128xf32, #tpu.memory_space<vmem>> -> memref<64x1x128xf32, #tpu.memory_space<vmem>>
    %dma_start3A_211 = arith.constant 5 : i32
    %dma_start3A_212 = arith.constant 0 : i32
    %dma_start3A_213 = tpu.memref_slice %arg2[%add3A_153, %dma_start3A_211, %dma_start3A_212] : memref<16384x8x128xf32, #tpu.memory_space<hbm>> -> memref<64x1x128xf32, #tpu.memory_space<hbm>>
    %dma_start3A_214 = arith.constant 0 : i32
    %dma_start3A_215 = arith.constant 3 : i32
    %dma_start3A_216 = arith.constant 0 : i32
    %dma_start3A_217 = tpu.memref_slice %arg4[%dma_start3A_205, %dma_start3A_214, %dma_start3A_215, %dma_start3A_216] : memref<3x64x4x128xf32, #tpu.memory_space<vmem>> -> memref<1x64x1x128xf32, #tpu.memory_space<vmem>>
    %dma_start3A_218 = tpu.memref_squeeze %dma_start3A_217 : memref<1x64x1x128xf32, #tpu.memory_space<vmem>> -> memref<64x1x128xf32, #tpu.memory_space<vmem>>
    %dma_start3A_219 = arith.constant 5 : i32
    %dma_start3A_220 = arith.constant 0 : i32
    %dma_start3A_221 = tpu.memref_slice %arg2[%add3A_153, %dma_start3A_219, %dma_start3A_220] : memref<16384x8x128xf32, #tpu.memory_space<hbm>> -> memref<64x1x128xf32, #tpu.memory_space<hbm>>
    tpu.enqueue_dma source(%dma_start3A_221 : memref<64x1x128xf32, #tpu.memory_space<hbm>>) target(%dma_start3A_218 : memref<64x1x128xf32, #tpu.memory_space<vmem>>) target_semaphore(%arg6 : memref<!tpu.dma_semaphore, #tpu.memory_space<semaphore_mem>>)
    %add3A_222 = arith.constant 128 : i32
    %add3A_223 = arith.addi %mul3A_2, %add3A_222 : i32
    %dma_start3A_224 = arith.constant 2 : i32
    %dma_start3A_225 = arith.constant 0 : i32
    %dma_start3A_226 = arith.constant 0 : i32
    %dma_start3A_227 = arith.constant 0 : i32
    %dma_start3A_228 = tpu.memref_slice %arg4[%dma_start3A_224, %dma_start3A_225, %dma_start3A_226, %dma_start3A_227] : memref<3x64x4x128xf32, #tpu.memory_space<vmem>> -> memref<1x64x1x128xf32, #tpu.memory_space<vmem>>
    %dma_start3A_229 = tpu.memref_squeeze %dma_start3A_228 : memref<1x64x1x128xf32, #tpu.memory_space<vmem>> -> memref<64x1x128xf32, #tpu.memory_space<vmem>>
    %dma_start3A_230 = arith.constant 7 : i32
    %dma_start3A_231 = arith.constant 0 : i32
    %dma_start3A_232 = tpu.memref_slice %arg2[%add3A_223, %dma_start3A_230, %dma_start3A_231] : memref<16384x8x128xf32, #tpu.memory_space<hbm>> -> memref<64x1x128xf32, #tpu.memory_space<hbm>>
    %dma_start3A_233 = arith.constant 0 : i32
    %dma_start3A_234 = arith.constant 0 : i32
    %dma_start3A_235 = arith.constant 0 : i32
    %dma_start3A_236 = tpu.memref_slice %arg4[%dma_start3A_224, %dma_start3A_233, %dma_start3A_234, %dma_start3A_235] : memref<3x64x4x128xf32, #tpu.memory_space<vmem>> -> memref<1x64x1x128xf32, #tpu.memory_space<vmem>>
    %dma_start3A_237 = tpu.memref_squeeze %dma_start3A_236 : memref<1x64x1x128xf32, #tpu.memory_space<vmem>> -> memref<64x1x128xf32, #tpu.memory_space<vmem>>
    %dma_start3A_238 = arith.constant 7 : i32
    %dma_start3A_239 = arith.constant 0 : i32
    %dma_start3A_240 = tpu.memref_slice %arg2[%add3A_223, %dma_start3A_238, %dma_start3A_239] : memref<16384x8x128xf32, #tpu.memory_space<hbm>> -> memref<64x1x128xf32, #tpu.memory_space<hbm>>
    tpu.enqueue_dma source(%dma_start3A_240 : memref<64x1x128xf32, #tpu.memory_space<hbm>>) target(%dma_start3A_237 : memref<64x1x128xf32, #tpu.memory_space<vmem>>) target_semaphore(%arg6 : memref<!tpu.dma_semaphore, #tpu.memory_space<semaphore_mem>>)
    %dma_start3A_241 = arith.constant 2 : i32
    %dma_start3A_242 = arith.constant 0 : i32
    %dma_start3A_243 = arith.constant 1 : i32
    %dma_start3A_244 = arith.constant 0 : i32
    %dma_start3A_245 = tpu.memref_slice %arg4[%dma_start3A_241, %dma_start3A_242, %dma_start3A_243, %dma_start3A_244] : memref<3x64x4x128xf32, #tpu.memory_space<vmem>> -> memref<1x64x1x128xf32, #tpu.memory_space<vmem>>
    %dma_start3A_246 = tpu.memref_squeeze %dma_start3A_245 : memref<1x64x1x128xf32, #tpu.memory_space<vmem>> -> memref<64x1x128xf32, #tpu.memory_space<vmem>>
    %dma_start3A_247 = arith.constant 4 : i32
    %dma_start3A_248 = arith.constant 0 : i32
    %dma_start3A_249 = tpu.memref_slice %arg2[%add3A_223, %dma_start3A_247, %dma_start3A_248] : memref<16384x8x128xf32, #tpu.memory_space<hbm>> -> memref<64x1x128xf32, #tpu.memory_space<hbm>>
    %dma_start3A_250 = arith.constant 0 : i32
    %dma_start3A_251 = arith.constant 1 : i32
    %dma_start3A_252 = arith.constant 0 : i32
    %dma_start3A_253 = tpu.memref_slice %arg4[%dma_start3A_241, %dma_start3A_250, %dma_start3A_251, %dma_start3A_252] : memref<3x64x4x128xf32, #tpu.memory_space<vmem>> -> memref<1x64x1x128xf32, #tpu.memory_space<vmem>>
    %dma_start3A_254 = tpu.memref_squeeze %dma_start3A_253 : memref<1x64x1x128xf32, #tpu.memory_space<vmem>> -> memref<64x1x128xf32, #tpu.memory_space<vmem>>
    %dma_start3A_255 = arith.constant 4 : i32
    %dma_start3A_256 = arith.constant 0 : i32
    %dma_start3A_257 = tpu.memref_slice %arg2[%add3A_223, %dma_start3A_255, %dma_start3A_256] : memref<16384x8x128xf32, #tpu.memory_space<hbm>> -> memref<64x1x128xf32, #tpu.memory_space<hbm>>
    tpu.enqueue_dma source(%dma_start3A_257 : memref<64x1x128xf32, #tpu.memory_space<hbm>>) target(%dma_start3A_254 : memref<64x1x128xf32, #tpu.memory_space<vmem>>) target_semaphore(%arg6 : memref<!tpu.dma_semaphore, #tpu.memory_space<semaphore_mem>>)
    %dma_start3A_258 = arith.constant 2 : i32
    %dma_start3A_259 = arith.constant 0 : i32
    %dma_start3A_260 = arith.constant 2 : i32
    %dma_start3A_261 = arith.constant 0 : i32
    %dma_start3A_262 = tpu.memref_slice %arg4[%dma_start3A_258, %dma_start3A_259, %dma_start3A_260, %dma_start3A_261] : memref<3x64x4x128xf32, #tpu.memory_space<vmem>> -> memref<1x64x1x128xf32, #tpu.memory_space<vmem>>
    %dma_start3A_263 = tpu.memref_squeeze %dma_start3A_262 : memref<1x64x1x128xf32, #tpu.memory_space<vmem>> -> memref<64x1x128xf32, #tpu.memory_space<vmem>>
    %dma_start3A_264 = arith.constant 2 : i32
    %dma_start3A_265 = arith.constant 0 : i32
    %dma_start3A_266 = tpu.memref_slice %arg2[%add3A_223, %dma_start3A_264, %dma_start3A_265] : memref<16384x8x128xf32, #tpu.memory_space<hbm>> -> memref<64x1x128xf32, #tpu.memory_space<hbm>>
    %dma_start3A_267 = arith.constant 0 : i32
    %dma_start3A_268 = arith.constant 2 : i32
    %dma_start3A_269 = arith.constant 0 : i32
    %dma_start3A_270 = tpu.memref_slice %arg4[%dma_start3A_258, %dma_start3A_267, %dma_start3A_268, %dma_start3A_269] : memref<3x64x4x128xf32, #tpu.memory_space<vmem>> -> memref<1x64x1x128xf32, #tpu.memory_space<vmem>>
    %dma_start3A_271 = tpu.memref_squeeze %dma_start3A_270 : memref<1x64x1x128xf32, #tpu.memory_space<vmem>> -> memref<64x1x128xf32, #tpu.memory_space<vmem>>
    %dma_start3A_272 = arith.constant 2 : i32
    %dma_start3A_273 = arith.constant 0 : i32
    %dma_start3A_274 = tpu.memref_slice %arg2[%add3A_223, %dma_start3A_272, %dma_start3A_273] : memref<16384x8x128xf32, #tpu.memory_space<hbm>> -> memref<64x1x128xf32, #tpu.memory_space<hbm>>
    tpu.enqueue_dma source(%dma_start3A_274 : memref<64x1x128xf32, #tpu.memory_space<hbm>>) target(%dma_start3A_271 : memref<64x1x128xf32, #tpu.memory_space<vmem>>) target_semaphore(%arg6 : memref<!tpu.dma_semaphore, #tpu.memory_space<semaphore_mem>>)
    %dma_start3A_275 = arith.constant 2 : i32
    %dma_start3A_276 = arith.constant 0 : i32
    %dma_start3A_277 = arith.constant 3 : i32
    %dma_start3A_278 = arith.constant 0 : i32
    %dma_start3A_279 = tpu.memref_slice %arg4[%dma_start3A_275, %dma_start3A_276, %dma_start3A_277, %dma_start3A_278] : memref<3x64x4x128xf32, #tpu.memory_space<vmem>> -> memref<1x64x1x128xf32, #tpu.memory_space<vmem>>
    %dma_start3A_280 = tpu.memref_squeeze %dma_start3A_279 : memref<1x64x1x128xf32, #tpu.memory_space<vmem>> -> memref<64x1x128xf32, #tpu.memory_space<vmem>>
    %dma_start3A_281 = arith.constant 5 : i32
    %dma_start3A_282 = arith.constant 0 : i32
    %dma_start3A_283 = tpu.memref_slice %arg2[%add3A_223, %dma_start3A_281, %dma_start3A_282] : memref<16384x8x128xf32, #tpu.memory_space<hbm>> -> memref<64x1x128xf32, #tpu.memory_space<hbm>>
    %dma_start3A_284 = arith.constant 0 : i32
    %dma_start3A_285 = arith.constant 3 : i32
    %dma_start3A_286 = arith.constant 0 : i32
    %dma_start3A_287 = tpu.memref_slice %arg4[%dma_start3A_275, %dma_start3A_284, %dma_start3A_285, %dma_start3A_286] : memref<3x64x4x128xf32, #tpu.memory_space<vmem>> -> memref<1x64x1x128xf32, #tpu.memory_space<vmem>>
    %dma_start3A_288 = tpu.memref_squeeze %dma_start3A_287 : memref<1x64x1x128xf32, #tpu.memory_space<vmem>> -> memref<64x1x128xf32, #tpu.memory_space<vmem>>
    %dma_start3A_289 = arith.constant 5 : i32
    %dma_start3A_290 = arith.constant 0 : i32
    %dma_start3A_291 = tpu.memref_slice %arg2[%add3A_223, %dma_start3A_289, %dma_start3A_290] : memref<16384x8x128xf32, #tpu.memory_space<hbm>> -> memref<64x1x128xf32, #tpu.memory_space<hbm>>
    tpu.enqueue_dma source(%dma_start3A_291 : memref<64x1x128xf32, #tpu.memory_space<hbm>>) target(%dma_start3A_288 : memref<64x1x128xf32, #tpu.memory_space<vmem>>) target_semaphore(%arg6 : memref<!tpu.dma_semaphore, #tpu.memory_space<semaphore_mem>>)
    %dma_wait3A = arith.constant 0 : i32
    %dma_wait3A_292 = arith.constant 0 : i32
    %dma_wait3A_293 = arith.constant 0 : i32
    %dma_wait3A_294 = arith.constant 0 : i32
    %dma_wait3A_295 = tpu.memref_slice %arg4[%dma_wait3A, %dma_wait3A_292, %dma_wait3A_293, %dma_wait3A_294] : memref<3x64x4x128xf32, #tpu.memory_space<vmem>> -> memref<1x64x1x128xf32, #tpu.memory_space<vmem>>
    %dma_wait3A_296 = tpu.memref_squeeze %dma_wait3A_295 : memref<1x64x1x128xf32, #tpu.memory_space<vmem>> -> memref<64x1x128xf32, #tpu.memory_space<vmem>>
    %dma_wait3A_297 = arith.constant 0 : i32
    %dma_wait3A_298 = arith.constant 0 : i32
    %dma_wait3A_299 = arith.constant 0 : i32
    %dma_wait3A_300 = tpu.memref_slice %arg2[%dma_wait3A_297, %dma_wait3A_298, %dma_wait3A_299] : memref<16384x8x128xf32, #tpu.memory_space<hbm>> -> memref<64x1x128xf32, #tpu.memory_space<hbm>>
    %dma_wait3A_301 = arith.constant 0 : i32
    %dma_wait3A_302 = arith.constant 0 : i32
    %dma_wait3A_303 = arith.constant 0 : i32
    %dma_wait3A_304 = tpu.memref_slice %arg4[%dma_wait3A, %dma_wait3A_301, %dma_wait3A_302, %dma_wait3A_303] : memref<3x64x4x128xf32, #tpu.memory_space<vmem>> -> memref<1x64x1x128xf32, #tpu.memory_space<vmem>>
    %dma_wait3A_305 = tpu.memref_squeeze %dma_wait3A_304 : memref<1x64x1x128xf32, #tpu.memory_space<vmem>> -> memref<64x1x128xf32, #tpu.memory_space<vmem>>
    %dma_wait3A_306 = arith.constant 0 : i32
    %dma_wait3A_307 = arith.constant 0 : i32
    %dma_wait3A_308 = arith.constant 0 : i32
    %dma_wait3A_309 = tpu.memref_slice %arg2[%dma_wait3A_306, %dma_wait3A_307, %dma_wait3A_308] : memref<16384x8x128xf32, #tpu.memory_space<hbm>> -> memref<64x1x128xf32, #tpu.memory_space<hbm>>
    tpu.wait_dma2 semaphore(%arg6 : memref<!tpu.dma_semaphore, #tpu.memory_space<semaphore_mem>>) src(%dma_wait3A_309 : memref<64x1x128xf32, #tpu.memory_space<hbm>>) dst(%dma_wait3A_305 : memref<64x1x128xf32, #tpu.memory_space<vmem>>)
    %dma_wait3A_310 = arith.constant 0 : i32
    %dma_wait3A_311 = arith.constant 0 : i32
    %dma_wait3A_312 = arith.constant 0 : i32
    %dma_wait3A_313 = arith.constant 0 : i32
    %dma_wait3A_314 = tpu.memref_slice %arg4[%dma_wait3A_310, %dma_wait3A_311, %dma_wait3A_312, %dma_wait3A_313] : memref<3x64x4x128xf32, #tpu.memory_space<vmem>> -> memref<1x64x1x128xf32, #tpu.memory_space<vmem>>
    %dma_wait3A_315 = tpu.memref_squeeze %dma_wait3A_314 : memref<1x64x1x128xf32, #tpu.memory_space<vmem>> -> memref<64x1x128xf32, #tpu.memory_space<vmem>>
    %dma_wait3A_316 = arith.constant 0 : i32
    %dma_wait3A_317 = arith.constant 0 : i32
    %dma_wait3A_318 = arith.constant 0 : i32
    %dma_wait3A_319 = tpu.memref_slice %arg2[%dma_wait3A_316, %dma_wait3A_317, %dma_wait3A_318] : memref<16384x8x128xf32, #tpu.memory_space<hbm>> -> memref<64x1x128xf32, #tpu.memory_space<hbm>>
    %dma_wait3A_320 = arith.constant 0 : i32
    %dma_wait3A_321 = arith.constant 0 : i32
    %dma_wait3A_322 = arith.constant 0 : i32
    %dma_wait3A_323 = tpu.memref_slice %arg4[%dma_wait3A_310, %dma_wait3A_320, %dma_wait3A_321, %dma_wait3A_322] : memref<3x64x4x128xf32, #tpu.memory_space<vmem>> -> memref<1x64x1x128xf32, #tpu.memory_space<vmem>>
    %dma_wait3A_324 = tpu.memref_squeeze %dma_wait3A_323 : memref<1x64x1x128xf32, #tpu.memory_space<vmem>> -> memref<64x1x128xf32, #tpu.memory_space<vmem>>
    %dma_wait3A_325 = arith.constant 0 : i32
    %dma_wait3A_326 = arith.constant 0 : i32
    %dma_wait3A_327 = arith.constant 0 : i32
    %dma_wait3A_328 = tpu.memref_slice %arg2[%dma_wait3A_325, %dma_wait3A_326, %dma_wait3A_327] : memref<16384x8x128xf32, #tpu.memory_space<hbm>> -> memref<64x1x128xf32, #tpu.memory_space<hbm>>
    tpu.wait_dma2 semaphore(%arg6 : memref<!tpu.dma_semaphore, #tpu.memory_space<semaphore_mem>>) src(%dma_wait3A_328 : memref<64x1x128xf32, #tpu.memory_space<hbm>>) dst(%dma_wait3A_324 : memref<64x1x128xf32, #tpu.memory_space<vmem>>)
    %dma_wait3A_329 = arith.constant 0 : i32
    %dma_wait3A_330 = arith.constant 0 : i32
    %dma_wait3A_331 = arith.constant 0 : i32
    %dma_wait3A_332 = arith.constant 0 : i32
    %dma_wait3A_333 = tpu.memref_slice %arg4[%dma_wait3A_329, %dma_wait3A_330, %dma_wait3A_331, %dma_wait3A_332] : memref<3x64x4x128xf32, #tpu.memory_space<vmem>> -> memref<1x64x1x128xf32, #tpu.memory_space<vmem>>
    %dma_wait3A_334 = tpu.memref_squeeze %dma_wait3A_333 : memref<1x64x1x128xf32, #tpu.memory_space<vmem>> -> memref<64x1x128xf32, #tpu.memory_space<vmem>>
    %dma_wait3A_335 = arith.constant 0 : i32
    %dma_wait3A_336 = arith.constant 0 : i32
    %dma_wait3A_337 = arith.constant 0 : i32
    %dma_wait3A_338 = tpu.memref_slice %arg2[%dma_wait3A_335, %dma_wait3A_336, %dma_wait3A_337] : memref<16384x8x128xf32, #tpu.memory_space<hbm>> -> memref<64x1x128xf32, #tpu.memory_space<hbm>>
    %dma_wait3A_339 = arith.constant 0 : i32
    %dma_wait3A_340 = arith.constant 0 : i32
    %dma_wait3A_341 = arith.constant 0 : i32
    %dma_wait3A_342 = tpu.memref_slice %arg4[%dma_wait3A_329, %dma_wait3A_339, %dma_wait3A_340, %dma_wait3A_341] : memref<3x64x4x128xf32, #tpu.memory_space<vmem>> -> memref<1x64x1x128xf32, #tpu.memory_space<vmem>>
    %dma_wait3A_343 = tpu.memref_squeeze %dma_wait3A_342 : memref<1x64x1x128xf32, #tpu.memory_space<vmem>> -> memref<64x1x128xf32, #tpu.memory_space<vmem>>
    %dma_wait3A_344 = arith.constant 0 : i32
    %dma_wait3A_345 = arith.constant 0 : i32
    %dma_wait3A_346 = arith.constant 0 : i32
    %dma_wait3A_347 = tpu.memref_slice %arg2[%dma_wait3A_344, %dma_wait3A_345, %dma_wait3A_346] : memref<16384x8x128xf32, #tpu.memory_space<hbm>> -> memref<64x1x128xf32, #tpu.memory_space<hbm>>
    tpu.wait_dma2 semaphore(%arg6 : memref<!tpu.dma_semaphore, #tpu.memory_space<semaphore_mem>>) src(%dma_wait3A_347 : memref<64x1x128xf32, #tpu.memory_space<hbm>>) dst(%dma_wait3A_343 : memref<64x1x128xf32, #tpu.memory_space<vmem>>)
    %dma_wait3A_348 = arith.constant 0 : i32
    %dma_wait3A_349 = arith.constant 0 : i32
    %dma_wait3A_350 = arith.constant 0 : i32
    %dma_wait3A_351 = arith.constant 0 : i32
    %dma_wait3A_352 = tpu.memref_slice %arg4[%dma_wait3A_348, %dma_wait3A_349, %dma_wait3A_350, %dma_wait3A_351] : memref<3x64x4x128xf32, #tpu.memory_space<vmem>> -> memref<1x64x1x128xf32, #tpu.memory_space<vmem>>
    %dma_wait3A_353 = tpu.memref_squeeze %dma_wait3A_352 : memref<1x64x1x128xf32, #tpu.memory_space<vmem>> -> memref<64x1x128xf32, #tpu.memory_space<vmem>>
    %dma_wait3A_354 = arith.constant 0 : i32
    %dma_wait3A_355 = arith.constant 0 : i32
    %dma_wait3A_356 = arith.constant 0 : i32
    %dma_wait3A_357 = tpu.memref_slice %arg2[%dma_wait3A_354, %dma_wait3A_355, %dma_wait3A_356] : memref<16384x8x128xf32, #tpu.memory_space<hbm>> -> memref<64x1x128xf32, #tpu.memory_space<hbm>>
    %dma_wait3A_358 = arith.constant 0 : i32
    %dma_wait3A_359 = arith.constant 0 : i32
    %dma_wait3A_360 = arith.constant 0 : i32
    %dma_wait3A_361 = tpu.memref_slice %arg4[%dma_wait3A_348, %dma_wait3A_358, %dma_wait3A_359, %dma_wait3A_360] : memref<3x64x4x128xf32, #tpu.memory_space<vmem>> -> memref<1x64x1x128xf32, #tpu.memory_space<vmem>>
    %dma_wait3A_362 = tpu.memref_squeeze %dma_wait3A_361 : memref<1x64x1x128xf32, #tpu.memory_space<vmem>> -> memref<64x1x128xf32, #tpu.memory_space<vmem>>
    %dma_wait3A_363 = arith.constant 0 : i32
    %dma_wait3A_364 = arith.constant 0 : i32
    %dma_wait3A_365 = arith.constant 0 : i32
    %dma_wait3A_366 = tpu.memref_slice %arg2[%dma_wait3A_363, %dma_wait3A_364, %dma_wait3A_365] : memref<16384x8x128xf32, #tpu.memory_space<hbm>> -> memref<64x1x128xf32, #tpu.memory_space<hbm>>
    tpu.wait_dma2 semaphore(%arg6 : memref<!tpu.dma_semaphore, #tpu.memory_space<semaphore_mem>>) src(%dma_wait3A_366 : memref<64x1x128xf32, #tpu.memory_space<hbm>>) dst(%dma_wait3A_362 : memref<64x1x128xf32, #tpu.memory_space<vmem>>)
    %add3A_367 = arith.constant 0 : i32
    %add3A_368 = arith.addi %mul3A_2, %add3A_367 : i32
    %dma_start3A_369 = arith.constant 0 : i32
    %dma_start3A_370 = arith.constant 0 : i32
    %dma_start3A_371 = arith.constant 0 : i32
    %dma_start3A_372 = arith.constant 0 : i32
    %dma_start3A_373 = tpu.memref_slice %arg4[%dma_start3A_369, %dma_start3A_370, %dma_start3A_371, %dma_start3A_372] : memref<3x64x4x128xf32, #tpu.memory_space<vmem>> -> memref<1x64x4x128xf32, #tpu.memory_space<vmem>>
    %dma_start3A_374 = tpu.memref_squeeze %dma_start3A_373 : memref<1x64x4x128xf32, #tpu.memory_space<vmem>> -> memref<64x4x128xf32, #tpu.memory_space<vmem>>
    %dma_start3A_375 = arith.constant 0 : i32
    %dma_start3A_376 = arith.constant 0 : i32
    %dma_start3A_377 = tpu.memref_slice %arg3[%add3A_368, %dma_start3A_375, %dma_start3A_376] : memref<16384x4x128xf32, #tpu.memory_space<hbm>> -> memref<64x4x128xf32, #tpu.memory_space<hbm>>
    %dma_start3A_378 = arith.constant 0 : i32
    %dma_start3A_379 = arith.constant 0 : i32
    %dma_start3A_380 = tpu.memref_slice %arg3[%add3A_368, %dma_start3A_378, %dma_start3A_379] : memref<16384x4x128xf32, #tpu.memory_space<hbm>> -> memref<64x4x128xf32, #tpu.memory_space<hbm>>
    %dma_start3A_381 = arith.constant 0 : i32
    %dma_start3A_382 = arith.constant 0 : i32
    %dma_start3A_383 = arith.constant 0 : i32
    %dma_start3A_384 = tpu.memref_slice %arg4[%dma_start3A_369, %dma_start3A_381, %dma_start3A_382, %dma_start3A_383] : memref<3x64x4x128xf32, #tpu.memory_space<vmem>> -> memref<1x64x4x128xf32, #tpu.memory_space<vmem>>
    %dma_start3A_385 = tpu.memref_squeeze %dma_start3A_384 : memref<1x64x4x128xf32, #tpu.memory_space<vmem>> -> memref<64x4x128xf32, #tpu.memory_space<vmem>>
    tpu.enqueue_dma source(%dma_start3A_385 : memref<64x4x128xf32, #tpu.memory_space<vmem>>) target(%dma_start3A_380 : memref<64x4x128xf32, #tpu.memory_space<hbm>>) target_semaphore(%arg7 : memref<!tpu.dma_semaphore, #tpu.memory_space<semaphore_mem>>)
    %dma_wait3A_386 = arith.constant 0 : i32
    %dma_wait3A_387 = arith.constant 0 : i32
    %dma_wait3A_388 = arith.constant 0 : i32
    %dma_wait3A_389 = arith.constant 0 : i32
    %dma_wait3A_390 = tpu.memref_slice %arg4[%dma_wait3A_386, %dma_wait3A_387, %dma_wait3A_388, %dma_wait3A_389] : memref<3x64x4x128xf32, #tpu.memory_space<vmem>> -> memref<1x64x4x128xf32, #tpu.memory_space<vmem>>
    %dma_wait3A_391 = tpu.memref_squeeze %dma_wait3A_390 : memref<1x64x4x128xf32, #tpu.memory_space<vmem>> -> memref<64x4x128xf32, #tpu.memory_space<vmem>>
    %dma_wait3A_392 = arith.constant 0 : i32
    %dma_wait3A_393 = arith.constant 0 : i32
    %dma_wait3A_394 = arith.constant 0 : i32
    %dma_wait3A_395 = tpu.memref_slice %arg3[%dma_wait3A_392, %dma_wait3A_393, %dma_wait3A_394] : memref<16384x4x128xf32, #tpu.memory_space<hbm>> -> memref<64x4x128xf32, #tpu.memory_space<hbm>>
    %dma_wait3A_396 = arith.constant 0 : i32
    %dma_wait3A_397 = arith.constant 0 : i32
    %dma_wait3A_398 = arith.constant 0 : i32
    %dma_wait3A_399 = tpu.memref_slice %arg3[%dma_wait3A_396, %dma_wait3A_397, %dma_wait3A_398] : memref<16384x4x128xf32, #tpu.memory_space<hbm>> -> memref<64x4x128xf32, #tpu.memory_space<hbm>>
    %dma_wait3A_400 = arith.constant 0 : i32
    %dma_wait3A_401 = arith.constant 0 : i32
    %dma_wait3A_402 = arith.constant 0 : i32
    %dma_wait3A_403 = tpu.memref_slice %arg4[%dma_wait3A_386, %dma_wait3A_400, %dma_wait3A_401, %dma_wait3A_402] : memref<3x64x4x128xf32, #tpu.memory_space<vmem>> -> memref<1x64x4x128xf32, #tpu.memory_space<vmem>>
    %dma_wait3A_404 = tpu.memref_squeeze %dma_wait3A_403 : memref<1x64x4x128xf32, #tpu.memory_space<vmem>> -> memref<64x4x128xf32, #tpu.memory_space<vmem>>
    tpu.wait_dma2 semaphore(%arg7 : memref<!tpu.dma_semaphore, #tpu.memory_space<semaphore_mem>>) src(%dma_wait3A_404 : memref<64x4x128xf32, #tpu.memory_space<vmem>>) dst(%dma_wait3A_399 : memref<64x4x128xf32, #tpu.memory_space<hbm>>)
    %add3A_405 = arith.constant 192 : i32
    %add3A_406 = arith.addi %mul3A_2, %add3A_405 : i32
    %dma_start3A_407 = arith.constant 0 : i32
    %dma_start3A_408 = arith.constant 0 : i32
    %dma_start3A_409 = arith.constant 0 : i32
    %dma_start3A_410 = arith.constant 0 : i32
    %dma_start3A_411 = tpu.memref_slice %arg4[%dma_start3A_407, %dma_start3A_408, %dma_start3A_409, %dma_start3A_410] : memref<3x64x4x128xf32, #tpu.memory_space<vmem>> -> memref<1x64x1x128xf32, #tpu.memory_space<vmem>>
    %dma_start3A_412 = tpu.memref_squeeze %dma_start3A_411 : memref<1x64x1x128xf32, #tpu.memory_space<vmem>> -> memref<64x1x128xf32, #tpu.memory_space<vmem>>
    %dma_start3A_413 = arith.constant 7 : i32
    %dma_start3A_414 = arith.constant 0 : i32
    %dma_start3A_415 = tpu.memref_slice %arg2[%add3A_406, %dma_start3A_413, %dma_start3A_414] : memref<16384x8x128xf32, #tpu.memory_space<hbm>> -> memref<64x1x128xf32, #tpu.memory_space<hbm>>
    %dma_start3A_416 = arith.constant 0 : i32
    %dma_start3A_417 = arith.constant 0 : i32
    %dma_start3A_418 = arith.constant 0 : i32
    %dma_start3A_419 = tpu.memref_slice %arg4[%dma_start3A_407, %dma_start3A_416, %dma_start3A_417, %dma_start3A_418] : memref<3x64x4x128xf32, #tpu.memory_space<vmem>> -> memref<1x64x1x128xf32, #tpu.memory_space<vmem>>
    %dma_start3A_420 = tpu.memref_squeeze %dma_start3A_419 : memref<1x64x1x128xf32, #tpu.memory_space<vmem>> -> memref<64x1x128xf32, #tpu.memory_space<vmem>>
    %dma_start3A_421 = arith.constant 7 : i32
    %dma_start3A_422 = arith.constant 0 : i32
    %dma_start3A_423 = tpu.memref_slice %arg2[%add3A_406, %dma_start3A_421, %dma_start3A_422] : memref<16384x8x128xf32, #tpu.memory_space<hbm>> -> memref<64x1x128xf32, #tpu.memory_space<hbm>>
    tpu.enqueue_dma source(%dma_start3A_423 : memref<64x1x128xf32, #tpu.memory_space<hbm>>) target(%dma_start3A_420 : memref<64x1x128xf32, #tpu.memory_space<vmem>>) target_semaphore(%arg6 : memref<!tpu.dma_semaphore, #tpu.memory_space<semaphore_mem>>)
    %dma_start3A_424 = arith.constant 0 : i32
    %dma_start3A_425 = arith.constant 0 : i32
    %dma_start3A_426 = arith.constant 1 : i32
    %dma_start3A_427 = arith.constant 0 : i32
    %dma_start3A_428 = tpu.memref_slice %arg4[%dma_start3A_424, %dma_start3A_425, %dma_start3A_426, %dma_start3A_427] : memref<3x64x4x128xf32, #tpu.memory_space<vmem>> -> memref<1x64x1x128xf32, #tpu.memory_space<vmem>>
    %dma_start3A_429 = tpu.memref_squeeze %dma_start3A_428 : memref<1x64x1x128xf32, #tpu.memory_space<vmem>> -> memref<64x1x128xf32, #tpu.memory_space<vmem>>
    %dma_start3A_430 = arith.constant 4 : i32
    %dma_start3A_431 = arith.constant 0 : i32
    %dma_start3A_432 = tpu.memref_slice %arg2[%add3A_406, %dma_start3A_430, %dma_start3A_431] : memref<16384x8x128xf32, #tpu.memory_space<hbm>> -> memref<64x1x128xf32, #tpu.memory_space<hbm>>
    %dma_start3A_433 = arith.constant 0 : i32
    %dma_start3A_434 = arith.constant 1 : i32
    %dma_start3A_435 = arith.constant 0 : i32
    %dma_start3A_436 = tpu.memref_slice %arg4[%dma_start3A_424, %dma_start3A_433, %dma_start3A_434, %dma_start3A_435] : memref<3x64x4x128xf32, #tpu.memory_space<vmem>> -> memref<1x64x1x128xf32, #tpu.memory_space<vmem>>
    %dma_start3A_437 = tpu.memref_squeeze %dma_start3A_436 : memref<1x64x1x128xf32, #tpu.memory_space<vmem>> -> memref<64x1x128xf32, #tpu.memory_space<vmem>>
    %dma_start3A_438 = arith.constant 4 : i32
    %dma_start3A_439 = arith.constant 0 : i32
    %dma_start3A_440 = tpu.memref_slice %arg2[%add3A_406, %dma_start3A_438, %dma_start3A_439] : memref<16384x8x128xf32, #tpu.memory_space<hbm>> -> memref<64x1x128xf32, #tpu.memory_space<hbm>>
    tpu.enqueue_dma source(%dma_start3A_440 : memref<64x1x128xf32, #tpu.memory_space<hbm>>) target(%dma_start3A_437 : memref<64x1x128xf32, #tpu.memory_space<vmem>>) target_semaphore(%arg6 : memref<!tpu.dma_semaphore, #tpu.memory_space<semaphore_mem>>)
    %dma_start3A_441 = arith.constant 0 : i32
    %dma_start3A_442 = arith.constant 0 : i32
    %dma_start3A_443 = arith.constant 2 : i32
    %dma_start3A_444 = arith.constant 0 : i32
    %dma_start3A_445 = tpu.memref_slice %arg4[%dma_start3A_441, %dma_start3A_442, %dma_start3A_443, %dma_start3A_444] : memref<3x64x4x128xf32, #tpu.memory_space<vmem>> -> memref<1x64x1x128xf32, #tpu.memory_space<vmem>>
    %dma_start3A_446 = tpu.memref_squeeze %dma_start3A_445 : memref<1x64x1x128xf32, #tpu.memory_space<vmem>> -> memref<64x1x128xf32, #tpu.memory_space<vmem>>
    %dma_start3A_447 = arith.constant 2 : i32
    %dma_start3A_448 = arith.constant 0 : i32
    %dma_start3A_449 = tpu.memref_slice %arg2[%add3A_406, %dma_start3A_447, %dma_start3A_448] : memref<16384x8x128xf32, #tpu.memory_space<hbm>> -> memref<64x1x128xf32, #tpu.memory_space<hbm>>
    %dma_start3A_450 = arith.constant 0 : i32
    %dma_start3A_451 = arith.constant 2 : i32
    %dma_start3A_452 = arith.constant 0 : i32
    %dma_start3A_453 = tpu.memref_slice %arg4[%dma_start3A_441, %dma_start3A_450, %dma_start3A_451, %dma_start3A_452] : memref<3x64x4x128xf32, #tpu.memory_space<vmem>> -> memref<1x64x1x128xf32, #tpu.memory_space<vmem>>
    %dma_start3A_454 = tpu.memref_squeeze %dma_start3A_453 : memref<1x64x1x128xf32, #tpu.memory_space<vmem>> -> memref<64x1x128xf32, #tpu.memory_space<vmem>>
    %dma_start3A_455 = arith.constant 2 : i32
    %dma_start3A_456 = arith.constant 0 : i32
    %dma_start3A_457 = tpu.memref_slice %arg2[%add3A_406, %dma_start3A_455, %dma_start3A_456] : memref<16384x8x128xf32, #tpu.memory_space<hbm>> -> memref<64x1x128xf32, #tpu.memory_space<hbm>>
    tpu.enqueue_dma source(%dma_start3A_457 : memref<64x1x128xf32, #tpu.memory_space<hbm>>) target(%dma_start3A_454 : memref<64x1x128xf32, #tpu.memory_space<vmem>>) target_semaphore(%arg6 : memref<!tpu.dma_semaphore, #tpu.memory_space<semaphore_mem>>)
    %dma_start3A_458 = arith.constant 0 : i32
    %dma_start3A_459 = arith.constant 0 : i32
    %dma_start3A_460 = arith.constant 3 : i32
    %dma_start3A_461 = arith.constant 0 : i32
    %dma_start3A_462 = tpu.memref_slice %arg4[%dma_start3A_458, %dma_start3A_459, %dma_start3A_460, %dma_start3A_461] : memref<3x64x4x128xf32, #tpu.memory_space<vmem>> -> memref<1x64x1x128xf32, #tpu.memory_space<vmem>>
    %dma_start3A_463 = tpu.memref_squeeze %dma_start3A_462 : memref<1x64x1x128xf32, #tpu.memory_space<vmem>> -> memref<64x1x128xf32, #tpu.memory_space<vmem>>
    %dma_start3A_464 = arith.constant 5 : i32
    %dma_start3A_465 = arith.constant 0 : i32
    %dma_start3A_466 = tpu.memref_slice %arg2[%add3A_406, %dma_start3A_464, %dma_start3A_465] : memref<16384x8x128xf32, #tpu.memory_space<hbm>> -> memref<64x1x128xf32, #tpu.memory_space<hbm>>
    %dma_start3A_467 = arith.constant 0 : i32
    %dma_start3A_468 = arith.constant 3 : i32
    %dma_start3A_469 = arith.constant 0 : i32
    %dma_start3A_470 = tpu.memref_slice %arg4[%dma_start3A_458, %dma_start3A_467, %dma_start3A_468, %dma_start3A_469] : memref<3x64x4x128xf32, #tpu.memory_space<vmem>> -> memref<1x64x1x128xf32, #tpu.memory_space<vmem>>
    %dma_start3A_471 = tpu.memref_squeeze %dma_start3A_470 : memref<1x64x1x128xf32, #tpu.memory_space<vmem>> -> memref<64x1x128xf32, #tpu.memory_space<vmem>>
    %dma_start3A_472 = arith.constant 5 : i32
    %dma_start3A_473 = arith.constant 0 : i32
    %dma_start3A_474 = tpu.memref_slice %arg2[%add3A_406, %dma_start3A_472, %dma_start3A_473] : memref<16384x8x128xf32, #tpu.memory_space<hbm>> -> memref<64x1x128xf32, #tpu.memory_space<hbm>>
    tpu.enqueue_dma source(%dma_start3A_474 : memref<64x1x128xf32, #tpu.memory_space<hbm>>) target(%dma_start3A_471 : memref<64x1x128xf32, #tpu.memory_space<vmem>>) target_semaphore(%arg6 : memref<!tpu.dma_semaphore, #tpu.memory_space<semaphore_mem>>)
    %dma_wait3A_475 = arith.constant 0 : i32
    %dma_wait3A_476 = arith.constant 0 : i32
    %dma_wait3A_477 = arith.constant 0 : i32
    %dma_wait3A_478 = arith.constant 0 : i32
    %dma_wait3A_479 = tpu.memref_slice %arg4[%dma_wait3A_475, %dma_wait3A_476, %dma_wait3A_477, %dma_wait3A_478] : memref<3x64x4x128xf32, #tpu.memory_space<vmem>> -> memref<1x64x1x128xf32, #tpu.memory_space<vmem>>
    %dma_wait3A_480 = tpu.memref_squeeze %dma_wait3A_479 : memref<1x64x1x128xf32, #tpu.memory_space<vmem>> -> memref<64x1x128xf32, #tpu.memory_space<vmem>>
    %dma_wait3A_481 = arith.constant 0 : i32
    %dma_wait3A_482 = arith.constant 0 : i32
    %dma_wait3A_483 = arith.constant 0 : i32
    %dma_wait3A_484 = tpu.memref_slice %arg2[%dma_wait3A_481, %dma_wait3A_482, %dma_wait3A_483] : memref<16384x8x128xf32, #tpu.memory_space<hbm>> -> memref<64x1x128xf32, #tpu.memory_space<hbm>>
    %dma_wait3A_485 = arith.constant 0 : i32
    %dma_wait3A_486 = arith.constant 0 : i32
    %dma_wait3A_487 = arith.constant 0 : i32
    %dma_wait3A_488 = tpu.memref_slice %arg4[%dma_wait3A_475, %dma_wait3A_485, %dma_wait3A_486, %dma_wait3A_487] : memref<3x64x4x128xf32, #tpu.memory_space<vmem>> -> memref<1x64x1x128xf32, #tpu.memory_space<vmem>>
    %dma_wait3A_489 = tpu.memref_squeeze %dma_wait3A_488 : memref<1x64x1x128xf32, #tpu.memory_space<vmem>> -> memref<64x1x128xf32, #tpu.memory_space<vmem>>
    %dma_wait3A_490 = arith.constant 0 : i32
    %dma_wait3A_491 = arith.constant 0 : i32
    %dma_wait3A_492 = arith.constant 0 : i32
    %dma_wait3A_493 = tpu.memref_slice %arg2[%dma_wait3A_490, %dma_wait3A_491, %dma_wait3A_492] : memref<16384x8x128xf32, #tpu.memory_space<hbm>> -> memref<64x1x128xf32, #tpu.memory_space<hbm>>
    tpu.wait_dma2 semaphore(%arg6 : memref<!tpu.dma_semaphore, #tpu.memory_space<semaphore_mem>>) src(%dma_wait3A_493 : memref<64x1x128xf32, #tpu.memory_space<hbm>>) dst(%dma_wait3A_489 : memref<64x1x128xf32, #tpu.memory_space<vmem>>)
    %dma_wait3A_494 = arith.constant 0 : i32
    %dma_wait3A_495 = arith.constant 0 : i32
    %dma_wait3A_496 = arith.constant 0 : i32
    %dma_wait3A_497 = arith.constant 0 : i32
    %dma_wait3A_498 = tpu.memref_slice %arg4[%dma_wait3A_494, %dma_wait3A_495, %dma_wait3A_496, %dma_wait3A_497] : memref<3x64x4x128xf32, #tpu.memory_space<vmem>> -> memref<1x64x1x128xf32, #tpu.memory_space<vmem>>
    %dma_wait3A_499 = tpu.memref_squeeze %dma_wait3A_498 : memref<1x64x1x128xf32, #tpu.memory_space<vmem>> -> memref<64x1x128xf32, #tpu.memory_space<vmem>>
    %dma_wait3A_500 = arith.constant 0 : i32
    %dma_wait3A_501 = arith.constant 0 : i32
    %dma_wait3A_502 = arith.constant 0 : i32
    %dma_wait3A_503 = tpu.memref_slice %arg2[%dma_wait3A_500, %dma_wait3A_501, %dma_wait3A_502] : memref<16384x8x128xf32, #tpu.memory_space<hbm>> -> memref<64x1x128xf32, #tpu.memory_space<hbm>>
    %dma_wait3A_504 = arith.constant 0 : i32
    %dma_wait3A_505 = arith.constant 0 : i32
    %dma_wait3A_506 = arith.constant 0 : i32
    %dma_wait3A_507 = tpu.memref_slice %arg4[%dma_wait3A_494, %dma_wait3A_504, %dma_wait3A_505, %dma_wait3A_506] : memref<3x64x4x128xf32, #tpu.memory_space<vmem>> -> memref<1x64x1x128xf32, #tpu.memory_space<vmem>>
    %dma_wait3A_508 = tpu.memref_squeeze %dma_wait3A_507 : memref<1x64x1x128xf32, #tpu.memory_space<vmem>> -> memref<64x1x128xf32, #tpu.memory_space<vmem>>
    %dma_wait3A_509 = arith.constant 0 : i32
    %dma_wait3A_510 = arith.constant 0 : i32
    %dma_wait3A_511 = arith.constant 0 : i32
    %dma_wait3A_512 = tpu.memref_slice %arg2[%dma_wait3A_509, %dma_wait3A_510, %dma_wait3A_511] : memref<16384x8x128xf32, #tpu.memory_space<hbm>> -> memref<64x1x128xf32, #tpu.memory_space<hbm>>
    tpu.wait_dma2 semaphore(%arg6 : memref<!tpu.dma_semaphore, #tpu.memory_space<semaphore_mem>>) src(%dma_wait3A_512 : memref<64x1x128xf32, #tpu.memory_space<hbm>>) dst(%dma_wait3A_508 : memref<64x1x128xf32, #tpu.memory_space<vmem>>)
    %dma_wait3A_513 = arith.constant 0 : i32
    %dma_wait3A_514 = arith.constant 0 : i32
    %dma_wait3A_515 = arith.constant 0 : i32
    %dma_wait3A_516 = arith.constant 0 : i32
    %dma_wait3A_517 = tpu.memref_slice %arg4[%dma_wait3A_513, %dma_wait3A_514, %dma_wait3A_515, %dma_wait3A_516] : memref<3x64x4x128xf32, #tpu.memory_space<vmem>> -> memref<1x64x1x128xf32, #tpu.memory_space<vmem>>
    %dma_wait3A_518 = tpu.memref_squeeze %dma_wait3A_517 : memref<1x64x1x128xf32, #tpu.memory_space<vmem>> -> memref<64x1x128xf32, #tpu.memory_space<vmem>>
    %dma_wait3A_519 = arith.constant 0 : i32
    %dma_wait3A_520 = arith.constant 0 : i32
    %dma_wait3A_521 = arith.constant 0 : i32
    %dma_wait3A_522 = tpu.memref_slice %arg2[%dma_wait3A_519, %dma_wait3A_520, %dma_wait3A_521] : memref<16384x8x128xf32, #tpu.memory_space<hbm>> -> memref<64x1x128xf32, #tpu.memory_space<hbm>>
    %dma_wait3A_523 = arith.constant 0 : i32
    %dma_wait3A_524 = arith.constant 0 : i32
    %dma_wait3A_525 = arith.constant 0 : i32
    %dma_wait3A_526 = tpu.memref_slice %arg4[%dma_wait3A_513, %dma_wait3A_523, %dma_wait3A_524, %dma_wait3A_525] : memref<3x64x4x128xf32, #tpu.memory_space<vmem>> -> memref<1x64x1x128xf32, #tpu.memory_space<vmem>>
    %dma_wait3A_527 = tpu.memref_squeeze %dma_wait3A_526 : memref<1x64x1x128xf32, #tpu.memory_space<vmem>> -> memref<64x1x128xf32, #tpu.memory_space<vmem>>
    %dma_wait3A_528 = arith.constant 0 : i32
    %dma_wait3A_529 = arith.constant 0 : i32
    %dma_wait3A_530 = arith.constant 0 : i32
    %dma_wait3A_531 = tpu.memref_slice %arg2[%dma_wait3A_528, %dma_wait3A_529, %dma_wait3A_530] : memref<16384x8x128xf32, #tpu.memory_space<hbm>> -> memref<64x1x128xf32, #tpu.memory_space<hbm>>
    tpu.wait_dma2 semaphore(%arg6 : memref<!tpu.dma_semaphore, #tpu.memory_space<semaphore_mem>>) src(%dma_wait3A_531 : memref<64x1x128xf32, #tpu.memory_space<hbm>>) dst(%dma_wait3A_527 : memref<64x1x128xf32, #tpu.memory_space<vmem>>)
    %dma_wait3A_532 = arith.constant 0 : i32
    %dma_wait3A_533 = arith.constant 0 : i32
    %dma_wait3A_534 = arith.constant 0 : i32
    %dma_wait3A_535 = arith.constant 0 : i32
    %dma_wait3A_536 = tpu.memref_slice %arg4[%dma_wait3A_532, %dma_wait3A_533, %dma_wait3A_534, %dma_wait3A_535] : memref<3x64x4x128xf32, #tpu.memory_space<vmem>> -> memref<1x64x1x128xf32, #tpu.memory_space<vmem>>
    %dma_wait3A_537 = tpu.memref_squeeze %dma_wait3A_536 : memref<1x64x1x128xf32, #tpu.memory_space<vmem>> -> memref<64x1x128xf32, #tpu.memory_space<vmem>>
    %dma_wait3A_538 = arith.constant 0 : i32
    %dma_wait3A_539 = arith.constant 0 : i32
    %dma_wait3A_540 = arith.constant 0 : i32
    %dma_wait3A_541 = tpu.memref_slice %arg2[%dma_wait3A_538, %dma_wait3A_539, %dma_wait3A_540] : memref<16384x8x128xf32, #tpu.memory_space<hbm>> -> memref<64x1x128xf32, #tpu.memory_space<hbm>>
    %dma_wait3A_542 = arith.constant 0 : i32
    %dma_wait3A_543 = arith.constant 0 : i32
    %dma_wait3A_544 = arith.constant 0 : i32
    %dma_wait3A_545 = tpu.memref_slice %arg4[%dma_wait3A_532, %dma_wait3A_542, %dma_wait3A_543, %dma_wait3A_544] : memref<3x64x4x128xf32, #tpu.memory_space<vmem>> -> memref<1x64x1x128xf32, #tpu.memory_space<vmem>>
    %dma_wait3A_546 = tpu.memref_squeeze %dma_wait3A_545 : memref<1x64x1x128xf32, #tpu.memory_space<vmem>> -> memref<64x1x128xf32, #tpu.memory_space<vmem>>
    %dma_wait3A_547 = arith.constant 0 : i32
    %dma_wait3A_548 = arith.constant 0 : i32
    %dma_wait3A_549 = arith.constant 0 : i32
    %dma_wait3A_550 = tpu.memref_slice %arg2[%dma_wait3A_547, %dma_wait3A_548, %dma_wait3A_549] : memref<16384x8x128xf32, #tpu.memory_space<hbm>> -> memref<64x1x128xf32, #tpu.memory_space<hbm>>
    tpu.wait_dma2 semaphore(%arg6 : memref<!tpu.dma_semaphore, #tpu.memory_space<semaphore_mem>>) src(%dma_wait3A_550 : memref<64x1x128xf32, #tpu.memory_space<hbm>>) dst(%dma_wait3A_546 : memref<64x1x128xf32, #tpu.memory_space<vmem>>)
    %add3A_551 = arith.constant 64 : i32
    %add3A_552 = arith.addi %mul3A_2, %add3A_551 : i32
    %dma_start3A_553 = arith.constant 1 : i32
    %dma_start3A_554 = arith.constant 0 : i32
    %dma_start3A_555 = arith.constant 0 : i32
    %dma_start3A_556 = arith.constant 0 : i32
    %dma_start3A_557 = tpu.memref_slice %arg4[%dma_start3A_553, %dma_start3A_554, %dma_start3A_555, %dma_start3A_556] : memref<3x64x4x128xf32, #tpu.memory_space<vmem>> -> memref<1x64x4x128xf32, #tpu.memory_space<vmem>>
    %dma_start3A_558 = tpu.memref_squeeze %dma_start3A_557 : memref<1x64x4x128xf32, #tpu.memory_space<vmem>> -> memref<64x4x128xf32, #tpu.memory_space<vmem>>
    %dma_start3A_559 = arith.constant 0 : i32
    %dma_start3A_560 = arith.constant 0 : i32
    %dma_start3A_561 = tpu.memref_slice %arg3[%add3A_552, %dma_start3A_559, %dma_start3A_560] : memref<16384x4x128xf32, #tpu.memory_space<hbm>> -> memref<64x4x128xf32, #tpu.memory_space<hbm>>
    %dma_start3A_562 = arith.constant 0 : i32
    %dma_start3A_563 = arith.constant 0 : i32
    %dma_start3A_564 = tpu.memref_slice %arg3[%add3A_552, %dma_start3A_562, %dma_start3A_563] : memref<16384x4x128xf32, #tpu.memory_space<hbm>> -> memref<64x4x128xf32, #tpu.memory_space<hbm>>
    %dma_start3A_565 = arith.constant 0 : i32
    %dma_start3A_566 = arith.constant 0 : i32
    %dma_start3A_567 = arith.constant 0 : i32
    %dma_start3A_568 = tpu.memref_slice %arg4[%dma_start3A_553, %dma_start3A_565, %dma_start3A_566, %dma_start3A_567] : memref<3x64x4x128xf32, #tpu.memory_space<vmem>> -> memref<1x64x4x128xf32, #tpu.memory_space<vmem>>
    %dma_start3A_569 = tpu.memref_squeeze %dma_start3A_568 : memref<1x64x4x128xf32, #tpu.memory_space<vmem>> -> memref<64x4x128xf32, #tpu.memory_space<vmem>>
    tpu.enqueue_dma source(%dma_start3A_569 : memref<64x4x128xf32, #tpu.memory_space<vmem>>) target(%dma_start3A_564 : memref<64x4x128xf32, #tpu.memory_space<hbm>>) target_semaphore(%arg7 : memref<!tpu.dma_semaphore, #tpu.memory_space<semaphore_mem>>)
    %dma_wait3A_570 = arith.constant 0 : i32
    %dma_wait3A_571 = arith.constant 0 : i32
    %dma_wait3A_572 = arith.constant 0 : i32
    %dma_wait3A_573 = arith.constant 0 : i32
    %dma_wait3A_574 = tpu.memref_slice %arg5[%arg1, %dma_wait3A_570, %dma_wait3A_571, %dma_wait3A_572, %dma_wait3A_573] : memref<16x2x32x4x128xf32, #tpu.memory_space<vmem_shared>> -> memref<1x1x32x1x128xf32, #tpu.memory_space<vmem_shared>>
    %dma_wait3A_575 = tpu.memref_squeeze %dma_wait3A_574 : memref<1x1x32x1x128xf32, #tpu.memory_space<vmem_shared>> -> memref<32x1x128xf32, #tpu.memory_space<vmem_shared>>
    %dma_wait3A_576 = arith.constant 0 : i32
    %dma_wait3A_577 = arith.constant 0 : i32
    %dma_wait3A_578 = arith.constant 0 : i32
    %dma_wait3A_579 = tpu.memref_slice %arg2[%dma_wait3A_576, %dma_wait3A_577, %dma_wait3A_578] : memref<16384x8x128xf32, #tpu.memory_space<hbm>> -> memref<32x1x128xf32, #tpu.memory_space<hbm>>
    tpu.wait_dma2 semaphore(%arg8 : memref<!tpu.dma_semaphore, #tpu.memory_space<semaphore_mem>>) src(%dma_wait3A_579 : memref<32x1x128xf32, #tpu.memory_space<hbm>>) dst(%dma_wait3A_575 : memref<32x1x128xf32, #tpu.memory_space<vmem_shared>>)
    %dma_wait3A_580 = arith.constant 0 : i32
    %dma_wait3A_581 = arith.constant 0 : i32
    %dma_wait3A_582 = arith.constant 0 : i32
    %dma_wait3A_583 = arith.constant 0 : i32
    %dma_wait3A_584 = tpu.memref_slice %arg5[%arg1, %dma_wait3A_580, %dma_wait3A_581, %dma_wait3A_582, %dma_wait3A_583] : memref<16x2x32x4x128xf32, #tpu.memory_space<vmem_shared>> -> memref<1x1x32x1x128xf32, #tpu.memory_space<vmem_shared>>
    %dma_wait3A_585 = tpu.memref_squeeze %dma_wait3A_584 : memref<1x1x32x1x128xf32, #tpu.memory_space<vmem_shared>> -> memref<32x1x128xf32, #tpu.memory_space<vmem_shared>>
    %dma_wait3A_586 = arith.constant 0 : i32
    %dma_wait3A_587 = arith.constant 0 : i32
    %dma_wait3A_588 = arith.constant 0 : i32
    %dma_wait3A_589 = tpu.memref_slice %arg2[%dma_wait3A_586, %dma_wait3A_587, %dma_wait3A_588] : memref<16384x8x128xf32, #tpu.memory_space<hbm>> -> memref<32x1x128xf32, #tpu.memory_space<hbm>>
    tpu.wait_dma2 semaphore(%arg8 : memref<!tpu.dma_semaphore, #tpu.memory_space<semaphore_mem>>) src(%dma_wait3A_589 : memref<32x1x128xf32, #tpu.memory_space<hbm>>) dst(%dma_wait3A_585 : memref<32x1x128xf32, #tpu.memory_space<vmem_shared>>)
    %dma_wait3A_590 = arith.constant 0 : i32
    %dma_wait3A_591 = arith.constant 0 : i32
    %dma_wait3A_592 = arith.constant 0 : i32
    %dma_wait3A_593 = arith.constant 0 : i32
    %dma_wait3A_594 = tpu.memref_slice %arg5[%arg1, %dma_wait3A_590, %dma_wait3A_591, %dma_wait3A_592, %dma_wait3A_593] : memref<16x2x32x4x128xf32, #tpu.memory_space<vmem_shared>> -> memref<1x1x32x1x128xf32, #tpu.memory_space<vmem_shared>>
    %dma_wait3A_595 = tpu.memref_squeeze %dma_wait3A_594 : memref<1x1x32x1x128xf32, #tpu.memory_space<vmem_shared>> -> memref<32x1x128xf32, #tpu.memory_space<vmem_shared>>
    %dma_wait3A_596 = arith.constant 0 : i32
    %dma_wait3A_597 = arith.constant 0 : i32
    %dma_wait3A_598 = arith.constant 0 : i32
    %dma_wait3A_599 = tpu.memref_slice %arg2[%dma_wait3A_596, %dma_wait3A_597, %dma_wait3A_598] : memref<16384x8x128xf32, #tpu.memory_space<hbm>> -> memref<32x1x128xf32, #tpu.memory_space<hbm>>
    tpu.wait_dma2 semaphore(%arg8 : memref<!tpu.dma_semaphore, #tpu.memory_space<semaphore_mem>>) src(%dma_wait3A_599 : memref<32x1x128xf32, #tpu.memory_space<hbm>>) dst(%dma_wait3A_595 : memref<32x1x128xf32, #tpu.memory_space<vmem_shared>>)
    %dma_wait3A_600 = arith.constant 0 : i32
    %dma_wait3A_601 = arith.constant 0 : i32
    %dma_wait3A_602 = arith.constant 0 : i32
    %dma_wait3A_603 = arith.constant 0 : i32
    %dma_wait3A_604 = tpu.memref_slice %arg5[%arg1, %dma_wait3A_600, %dma_wait3A_601, %dma_wait3A_602, %dma_wait3A_603] : memref<16x2x32x4x128xf32, #tpu.memory_space<vmem_shared>> -> memref<1x1x32x1x128xf32, #tpu.memory_space<vmem_shared>>
    %dma_wait3A_605 = tpu.memref_squeeze %dma_wait3A_604 : memref<1x1x32x1x128xf32, #tpu.memory_space<vmem_shared>> -> memref<32x1x128xf32, #tpu.memory_space<vmem_shared>>
    %dma_wait3A_606 = arith.constant 0 : i32
    %dma_wait3A_607 = arith.constant 0 : i32
    %dma_wait3A_608 = arith.constant 0 : i32
    %dma_wait3A_609 = tpu.memref_slice %arg2[%dma_wait3A_606, %dma_wait3A_607, %dma_wait3A_608] : memref<16384x8x128xf32, #tpu.memory_space<hbm>> -> memref<32x1x128xf32, #tpu.memory_space<hbm>>
    tpu.wait_dma2 semaphore(%arg8 : memref<!tpu.dma_semaphore, #tpu.memory_space<semaphore_mem>>) src(%dma_wait3A_609 : memref<32x1x128xf32, #tpu.memory_space<hbm>>) dst(%dma_wait3A_605 : memref<32x1x128xf32, #tpu.memory_space<vmem_shared>>)
    %dma_wait3A_610 = arith.constant 0 : i32
    %dma_wait3A_611 = arith.constant 0 : i32
    %dma_wait3A_612 = arith.constant 0 : i32
    %dma_wait3A_613 = arith.constant 0 : i32
    %dma_wait3A_614 = tpu.memref_slice %arg5[%arg1, %dma_wait3A_610, %dma_wait3A_611, %dma_wait3A_612, %dma_wait3A_613] : memref<16x2x32x4x128xf32, #tpu.memory_space<vmem_shared>> -> memref<1x1x32x1x128xf32, #tpu.memory_space<vmem_shared>>
    %dma_wait3A_615 = tpu.memref_squeeze %dma_wait3A_614 : memref<1x1x32x1x128xf32, #tpu.memory_space<vmem_shared>> -> memref<32x1x128xf32, #tpu.memory_space<vmem_shared>>
    %dma_wait3A_616 = arith.constant 0 : i32
    %dma_wait3A_617 = arith.constant 0 : i32
    %dma_wait3A_618 = arith.constant 0 : i32
    %dma_wait3A_619 = tpu.memref_slice %arg2[%dma_wait3A_616, %dma_wait3A_617, %dma_wait3A_618] : memref<16384x8x128xf32, #tpu.memory_space<hbm>> -> memref<32x1x128xf32, #tpu.memory_space<hbm>>
    tpu.wait_dma2 semaphore(%arg8 : memref<!tpu.dma_semaphore, #tpu.memory_space<semaphore_mem>>) src(%dma_wait3A_619 : memref<32x1x128xf32, #tpu.memory_space<hbm>>) dst(%dma_wait3A_615 : memref<32x1x128xf32, #tpu.memory_space<vmem_shared>>)
    %dma_wait3A_620 = arith.constant 0 : i32
    %dma_wait3A_621 = arith.constant 0 : i32
    %dma_wait3A_622 = arith.constant 0 : i32
    %dma_wait3A_623 = arith.constant 0 : i32
    %dma_wait3A_624 = tpu.memref_slice %arg5[%arg1, %dma_wait3A_620, %dma_wait3A_621, %dma_wait3A_622, %dma_wait3A_623] : memref<16x2x32x4x128xf32, #tpu.memory_space<vmem_shared>> -> memref<1x1x32x1x128xf32, #tpu.memory_space<vmem_shared>>
    %dma_wait3A_625 = tpu.memref_squeeze %dma_wait3A_624 : memref<1x1x32x1x128xf32, #tpu.memory_space<vmem_shared>> -> memref<32x1x128xf32, #tpu.memory_space<vmem_shared>>
    %dma_wait3A_626 = arith.constant 0 : i32
    %dma_wait3A_627 = arith.constant 0 : i32
    %dma_wait3A_628 = arith.constant 0 : i32
    %dma_wait3A_629 = tpu.memref_slice %arg2[%dma_wait3A_626, %dma_wait3A_627, %dma_wait3A_628] : memref<16384x8x128xf32, #tpu.memory_space<hbm>> -> memref<32x1x128xf32, #tpu.memory_space<hbm>>
    tpu.wait_dma2 semaphore(%arg8 : memref<!tpu.dma_semaphore, #tpu.memory_space<semaphore_mem>>) src(%dma_wait3A_629 : memref<32x1x128xf32, #tpu.memory_space<hbm>>) dst(%dma_wait3A_625 : memref<32x1x128xf32, #tpu.memory_space<vmem_shared>>)
    %dma_wait3A_630 = arith.constant 0 : i32
    %dma_wait3A_631 = arith.constant 0 : i32
    %dma_wait3A_632 = arith.constant 0 : i32
    %dma_wait3A_633 = arith.constant 0 : i32
    %dma_wait3A_634 = tpu.memref_slice %arg5[%arg1, %dma_wait3A_630, %dma_wait3A_631, %dma_wait3A_632, %dma_wait3A_633] : memref<16x2x32x4x128xf32, #tpu.memory_space<vmem_shared>> -> memref<1x1x32x1x128xf32, #tpu.memory_space<vmem_shared>>
    %dma_wait3A_635 = tpu.memref_squeeze %dma_wait3A_634 : memref<1x1x32x1x128xf32, #tpu.memory_space<vmem_shared>> -> memref<32x1x128xf32, #tpu.memory_space<vmem_shared>>
    %dma_wait3A_636 = arith.constant 0 : i32
    %dma_wait3A_637 = arith.constant 0 : i32
    %dma_wait3A_638 = arith.constant 0 : i32
    %dma_wait3A_639 = tpu.memref_slice %arg2[%dma_wait3A_636, %dma_wait3A_637, %dma_wait3A_638] : memref<16384x8x128xf32, #tpu.memory_space<hbm>> -> memref<32x1x128xf32, #tpu.memory_space<hbm>>
    tpu.wait_dma2 semaphore(%arg8 : memref<!tpu.dma_semaphore, #tpu.memory_space<semaphore_mem>>) src(%dma_wait3A_639 : memref<32x1x128xf32, #tpu.memory_space<hbm>>) dst(%dma_wait3A_635 : memref<32x1x128xf32, #tpu.memory_space<vmem_shared>>)
    %dma_wait3A_640 = arith.constant 0 : i32
    %dma_wait3A_641 = arith.constant 0 : i32
    %dma_wait3A_642 = arith.constant 0 : i32
    %dma_wait3A_643 = arith.constant 0 : i32
    %dma_wait3A_644 = tpu.memref_slice %arg5[%arg1, %dma_wait3A_640, %dma_wait3A_641, %dma_wait3A_642, %dma_wait3A_643] : memref<16x2x32x4x128xf32, #tpu.memory_space<vmem_shared>> -> memref<1x1x32x1x128xf32, #tpu.memory_space<vmem_shared>>
    %dma_wait3A_645 = tpu.memref_squeeze %dma_wait3A_644 : memref<1x1x32x1x128xf32, #tpu.memory_space<vmem_shared>> -> memref<32x1x128xf32, #tpu.memory_space<vmem_shared>>
    %dma_wait3A_646 = arith.constant 0 : i32
    %dma_wait3A_647 = arith.constant 0 : i32
    %dma_wait3A_648 = arith.constant 0 : i32
    %dma_wait3A_649 = tpu.memref_slice %arg2[%dma_wait3A_646, %dma_wait3A_647, %dma_wait3A_648] : memref<16384x8x128xf32, #tpu.memory_space<hbm>> -> memref<32x1x128xf32, #tpu.memory_space<hbm>>
    tpu.wait_dma2 semaphore(%arg8 : memref<!tpu.dma_semaphore, #tpu.memory_space<semaphore_mem>>) src(%dma_wait3A_649 : memref<32x1x128xf32, #tpu.memory_space<hbm>>) dst(%dma_wait3A_645 : memref<32x1x128xf32, #tpu.memory_space<vmem_shared>>)
    %add3A_650 = arith.constant 384 : i32
    %add3A_651 = arith.addi %mul3A_2, %add3A_650 : i32
    %add3A_652 = arith.constant 0 : i32
    %add3A_653 = arith.addi %add3A_651, %add3A_652 : i32
    %dma_start3A_654 = arith.constant 0 : i32
    %dma_start3A_655 = arith.constant 0 : i32
    %dma_start3A_656 = arith.constant 0 : i32
    %dma_start3A_657 = tpu.memref_slice %arg3[%add3A_653, %dma_start3A_655, %dma_start3A_656] : memref<16384x4x128xf32, #tpu.memory_space<hbm>> -> memref<32x4x128xf32, #tpu.memory_space<hbm>>
    %dma_start3A_658 = arith.constant 0 : i32
    %dma_start3A_659 = arith.constant 0 : i32
    %dma_start3A_660 = arith.constant 0 : i32
    %dma_start3A_661 = tpu.memref_slice %arg5[%arg1, %dma_start3A_654, %dma_start3A_658, %dma_start3A_659, %dma_start3A_660] : memref<16x2x32x4x128xf32, #tpu.memory_space<vmem_shared>> -> memref<1x1x32x4x128xf32, #tpu.memory_space<vmem_shared>>
    %dma_start3A_662 = tpu.memref_squeeze %dma_start3A_661 : memref<1x1x32x4x128xf32, #tpu.memory_space<vmem_shared>> -> memref<32x4x128xf32, #tpu.memory_space<vmem_shared>>
    tpu.enqueue_dma source(%dma_start3A_662 : memref<32x4x128xf32, #tpu.memory_space<vmem_shared>>) target(%dma_start3A_657 : memref<32x4x128xf32, #tpu.memory_space<hbm>>) target_semaphore(%arg9 : memref<!tpu.dma_semaphore, #tpu.memory_space<semaphore_mem>>)
    %add3A_663 = arith.constant 384 : i32
    %add3A_664 = arith.addi %mul3A_2, %add3A_663 : i32
    %add3A_665 = arith.constant 32 : i32
    %add3A_666 = arith.addi %add3A_664, %add3A_665 : i32
    %dma_start3A_667 = arith.constant 1 : i32
    %dma_start3A_668 = arith.constant 0 : i32
    %dma_start3A_669 = arith.constant 0 : i32
    %dma_start3A_670 = tpu.memref_slice %arg3[%add3A_666, %dma_start3A_668, %dma_start3A_669] : memref<16384x4x128xf32, #tpu.memory_space<hbm>> -> memref<32x4x128xf32, #tpu.memory_space<hbm>>
    %dma_start3A_671 = arith.constant 0 : i32
    %dma_start3A_672 = arith.constant 0 : i32
    %dma_start3A_673 = arith.constant 0 : i32
    %dma_start3A_674 = tpu.memref_slice %arg5[%arg1, %dma_start3A_667, %dma_start3A_671, %dma_start3A_672, %dma_start3A_673] : memref<16x2x32x4x128xf32, #tpu.memory_space<vmem_shared>> -> memref<1x1x32x4x128xf32, #tpu.memory_space<vmem_shared>>
    %dma_start3A_675 = tpu.memref_squeeze %dma_start3A_674 : memref<1x1x32x4x128xf32, #tpu.memory_space<vmem_shared>> -> memref<32x4x128xf32, #tpu.memory_space<vmem_shared>>
    tpu.enqueue_dma source(%dma_start3A_675 : memref<32x4x128xf32, #tpu.memory_space<vmem_shared>>) target(%dma_start3A_670 : memref<32x4x128xf32, #tpu.memory_space<hbm>>) target_semaphore(%arg9 : memref<!tpu.dma_semaphore, #tpu.memory_space<semaphore_mem>>)
    %dma_wait3A_676 = arith.constant 0 : i32
    %dma_wait3A_677 = arith.constant 0 : i32
    %dma_wait3A_678 = arith.constant 0 : i32
    %dma_wait3A_679 = arith.constant 0 : i32
    %dma_wait3A_680 = tpu.memref_slice %arg4[%dma_wait3A_676, %dma_wait3A_677, %dma_wait3A_678, %dma_wait3A_679] : memref<3x64x4x128xf32, #tpu.memory_space<vmem>> -> memref<1x64x4x128xf32, #tpu.memory_space<vmem>>
    %dma_wait3A_681 = tpu.memref_squeeze %dma_wait3A_680 : memref<1x64x4x128xf32, #tpu.memory_space<vmem>> -> memref<64x4x128xf32, #tpu.memory_space<vmem>>
    %dma_wait3A_682 = arith.constant 0 : i32
    %dma_wait3A_683 = arith.constant 0 : i32
    %dma_wait3A_684 = arith.constant 0 : i32
    %dma_wait3A_685 = tpu.memref_slice %arg3[%dma_wait3A_682, %dma_wait3A_683, %dma_wait3A_684] : memref<16384x4x128xf32, #tpu.memory_space<hbm>> -> memref<64x4x128xf32, #tpu.memory_space<hbm>>
    %dma_wait3A_686 = arith.constant 0 : i32
    %dma_wait3A_687 = arith.constant 0 : i32
    %dma_wait3A_688 = arith.constant 0 : i32
    %dma_wait3A_689 = tpu.memref_slice %arg3[%dma_wait3A_686, %dma_wait3A_687, %dma_wait3A_688] : memref<16384x4x128xf32, #tpu.memory_space<hbm>> -> memref<64x4x128xf32, #tpu.memory_space<hbm>>
    %dma_wait3A_690 = arith.constant 0 : i32
    %dma_wait3A_691 = arith.constant 0 : i32
    %dma_wait3A_692 = arith.constant 0 : i32
    %dma_wait3A_693 = tpu.memref_slice %arg4[%dma_wait3A_676, %dma_wait3A_690, %dma_wait3A_691, %dma_wait3A_692] : memref<3x64x4x128xf32, #tpu.memory_space<vmem>> -> memref<1x64x4x128xf32, #tpu.memory_space<vmem>>
    %dma_wait3A_694 = tpu.memref_squeeze %dma_wait3A_693 : memref<1x64x4x128xf32, #tpu.memory_space<vmem>> -> memref<64x4x128xf32, #tpu.memory_space<vmem>>
    tpu.wait_dma2 semaphore(%arg7 : memref<!tpu.dma_semaphore, #tpu.memory_space<semaphore_mem>>) src(%dma_wait3A_694 : memref<64x4x128xf32, #tpu.memory_space<vmem>>) dst(%dma_wait3A_689 : memref<64x4x128xf32, #tpu.memory_space<hbm>>)
    %add3A_695 = arith.constant 256 : i32
    %add3A_696 = arith.addi %mul3A_2, %add3A_695 : i32
    %dma_start3A_697 = arith.constant 1 : i32
    %dma_start3A_698 = arith.constant 0 : i32
    %dma_start3A_699 = arith.constant 0 : i32
    %dma_start3A_700 = arith.constant 0 : i32
    %dma_start3A_701 = tpu.memref_slice %arg4[%dma_start3A_697, %dma_start3A_698, %dma_start3A_699, %dma_start3A_700] : memref<3x64x4x128xf32, #tpu.memory_space<vmem>> -> memref<1x64x1x128xf32, #tpu.memory_space<vmem>>
    %dma_start3A_702 = tpu.memref_squeeze %dma_start3A_701 : memref<1x64x1x128xf32, #tpu.memory_space<vmem>> -> memref<64x1x128xf32, #tpu.memory_space<vmem>>
    %dma_start3A_703 = arith.constant 7 : i32
    %dma_start3A_704 = arith.constant 0 : i32
    %dma_start3A_705 = tpu.memref_slice %arg2[%add3A_696, %dma_start3A_703, %dma_start3A_704] : memref<16384x8x128xf32, #tpu.memory_space<hbm>> -> memref<64x1x128xf32, #tpu.memory_space<hbm>>
    %dma_start3A_706 = arith.constant 0 : i32
    %dma_start3A_707 = arith.constant 0 : i32
    %dma_start3A_708 = arith.constant 0 : i32
    %dma_start3A_709 = tpu.memref_slice %arg4[%dma_start3A_697, %dma_start3A_706, %dma_start3A_707, %dma_start3A_708] : memref<3x64x4x128xf32, #tpu.memory_space<vmem>> -> memref<1x64x1x128xf32, #tpu.memory_space<vmem>>
    %dma_start3A_710 = tpu.memref_squeeze %dma_start3A_709 : memref<1x64x1x128xf32, #tpu.memory_space<vmem>> -> memref<64x1x128xf32, #tpu.memory_space<vmem>>
    %dma_start3A_711 = arith.constant 7 : i32
    %dma_start3A_712 = arith.constant 0 : i32
    %dma_start3A_713 = tpu.memref_slice %arg2[%add3A_696, %dma_start3A_711, %dma_start3A_712] : memref<16384x8x128xf32, #tpu.memory_space<hbm>> -> memref<64x1x128xf32, #tpu.memory_space<hbm>>
    tpu.enqueue_dma source(%dma_start3A_713 : memref<64x1x128xf32, #tpu.memory_space<hbm>>) target(%dma_start3A_710 : memref<64x1x128xf32, #tpu.memory_space<vmem>>) target_semaphore(%arg6 : memref<!tpu.dma_semaphore, #tpu.memory_space<semaphore_mem>>)
    %dma_start3A_714 = arith.constant 1 : i32
    %dma_start3A_715 = arith.constant 0 : i32
    %dma_start3A_716 = arith.constant 1 : i32
    %dma_start3A_717 = arith.constant 0 : i32
    %dma_start3A_718 = tpu.memref_slice %arg4[%dma_start3A_714, %dma_start3A_715, %dma_start3A_716, %dma_start3A_717] : memref<3x64x4x128xf32, #tpu.memory_space<vmem>> -> memref<1x64x1x128xf32, #tpu.memory_space<vmem>>
    %dma_start3A_719 = tpu.memref_squeeze %dma_start3A_718 : memref<1x64x1x128xf32, #tpu.memory_space<vmem>> -> memref<64x1x128xf32, #tpu.memory_space<vmem>>
    %dma_start3A_720 = arith.constant 4 : i32
    %dma_start3A_721 = arith.constant 0 : i32
    %dma_start3A_722 = tpu.memref_slice %arg2[%add3A_696, %dma_start3A_720, %dma_start3A_721] : memref<16384x8x128xf32, #tpu.memory_space<hbm>> -> memref<64x1x128xf32, #tpu.memory_space<hbm>>
    %dma_start3A_723 = arith.constant 0 : i32
    %dma_start3A_724 = arith.constant 1 : i32
    %dma_start3A_725 = arith.constant 0 : i32
    %dma_start3A_726 = tpu.memref_slice %arg4[%dma_start3A_714, %dma_start3A_723, %dma_start3A_724, %dma_start3A_725] : memref<3x64x4x128xf32, #tpu.memory_space<vmem>> -> memref<1x64x1x128xf32, #tpu.memory_space<vmem>>
    %dma_start3A_727 = tpu.memref_squeeze %dma_start3A_726 : memref<1x64x1x128xf32, #tpu.memory_space<vmem>> -> memref<64x1x128xf32, #tpu.memory_space<vmem>>
    %dma_start3A_728 = arith.constant 4 : i32
    %dma_start3A_729 = arith.constant 0 : i32
    %dma_start3A_730 = tpu.memref_slice %arg2[%add3A_696, %dma_start3A_728, %dma_start3A_729] : memref<16384x8x128xf32, #tpu.memory_space<hbm>> -> memref<64x1x128xf32, #tpu.memory_space<hbm>>
    tpu.enqueue_dma source(%dma_start3A_730 : memref<64x1x128xf32, #tpu.memory_space<hbm>>) target(%dma_start3A_727 : memref<64x1x128xf32, #tpu.memory_space<vmem>>) target_semaphore(%arg6 : memref<!tpu.dma_semaphore, #tpu.memory_space<semaphore_mem>>)
    %dma_start3A_731 = arith.constant 1 : i32
    %dma_start3A_732 = arith.constant 0 : i32
    %dma_start3A_733 = arith.constant 2 : i32
    %dma_start3A_734 = arith.constant 0 : i32
    %dma_start3A_735 = tpu.memref_slice %arg4[%dma_start3A_731, %dma_start3A_732, %dma_start3A_733, %dma_start3A_734] : memref<3x64x4x128xf32, #tpu.memory_space<vmem>> -> memref<1x64x1x128xf32, #tpu.memory_space<vmem>>
    %dma_start3A_736 = tpu.memref_squeeze %dma_start3A_735 : memref<1x64x1x128xf32, #tpu.memory_space<vmem>> -> memref<64x1x128xf32, #tpu.memory_space<vmem>>
    %dma_start3A_737 = arith.constant 2 : i32
    %dma_start3A_738 = arith.constant 0 : i32
    %dma_start3A_739 = tpu.memref_slice %arg2[%add3A_696, %dma_start3A_737, %dma_start3A_738] : memref<16384x8x128xf32, #tpu.memory_space<hbm>> -> memref<64x1x128xf32, #tpu.memory_space<hbm>>
    %dma_start3A_740 = arith.constant 0 : i32
    %dma_start3A_741 = arith.constant 2 : i32
    %dma_start3A_742 = arith.constant 0 : i32
    %dma_start3A_743 = tpu.memref_slice %arg4[%dma_start3A_731, %dma_start3A_740, %dma_start3A_741, %dma_start3A_742] : memref<3x64x4x128xf32, #tpu.memory_space<vmem>> -> memref<1x64x1x128xf32, #tpu.memory_space<vmem>>
    %dma_start3A_744 = tpu.memref_squeeze %dma_start3A_743 : memref<1x64x1x128xf32, #tpu.memory_space<vmem>> -> memref<64x1x128xf32, #tpu.memory_space<vmem>>
    %dma_start3A_745 = arith.constant 2 : i32
    %dma_start3A_746 = arith.constant 0 : i32
    %dma_start3A_747 = tpu.memref_slice %arg2[%add3A_696, %dma_start3A_745, %dma_start3A_746] : memref<16384x8x128xf32, #tpu.memory_space<hbm>> -> memref<64x1x128xf32, #tpu.memory_space<hbm>>
    tpu.enqueue_dma source(%dma_start3A_747 : memref<64x1x128xf32, #tpu.memory_space<hbm>>) target(%dma_start3A_744 : memref<64x1x128xf32, #tpu.memory_space<vmem>>) target_semaphore(%arg6 : memref<!tpu.dma_semaphore, #tpu.memory_space<semaphore_mem>>)
    %dma_start3A_748 = arith.constant 1 : i32
    %dma_start3A_749 = arith.constant 0 : i32
    %dma_start3A_750 = arith.constant 3 : i32
    %dma_start3A_751 = arith.constant 0 : i32
    %dma_start3A_752 = tpu.memref_slice %arg4[%dma_start3A_748, %dma_start3A_749, %dma_start3A_750, %dma_start3A_751] : memref<3x64x4x128xf32, #tpu.memory_space<vmem>> -> memref<1x64x1x128xf32, #tpu.memory_space<vmem>>
    %dma_start3A_753 = tpu.memref_squeeze %dma_start3A_752 : memref<1x64x1x128xf32, #tpu.memory_space<vmem>> -> memref<64x1x128xf32, #tpu.memory_space<vmem>>
    %dma_start3A_754 = arith.constant 5 : i32
    %dma_start3A_755 = arith.constant 0 : i32
    %dma_start3A_756 = tpu.memref_slice %arg2[%add3A_696, %dma_start3A_754, %dma_start3A_755] : memref<16384x8x128xf32, #tpu.memory_space<hbm>> -> memref<64x1x128xf32, #tpu.memory_space<hbm>>
    %dma_start3A_757 = arith.constant 0 : i32
    %dma_start3A_758 = arith.constant 3 : i32
    %dma_start3A_759 = arith.constant 0 : i32
    %dma_start3A_760 = tpu.memref_slice %arg4[%dma_start3A_748, %dma_start3A_757, %dma_start3A_758, %dma_start3A_759] : memref<3x64x4x128xf32, #tpu.memory_space<vmem>> -> memref<1x64x1x128xf32, #tpu.memory_space<vmem>>
    %dma_start3A_761 = tpu.memref_squeeze %dma_start3A_760 : memref<1x64x1x128xf32, #tpu.memory_space<vmem>> -> memref<64x1x128xf32, #tpu.memory_space<vmem>>
    %dma_start3A_762 = arith.constant 5 : i32
    %dma_start3A_763 = arith.constant 0 : i32
    %dma_start3A_764 = tpu.memref_slice %arg2[%add3A_696, %dma_start3A_762, %dma_start3A_763] : memref<16384x8x128xf32, #tpu.memory_space<hbm>> -> memref<64x1x128xf32, #tpu.memory_space<hbm>>
    tpu.enqueue_dma source(%dma_start3A_764 : memref<64x1x128xf32, #tpu.memory_space<hbm>>) target(%dma_start3A_761 : memref<64x1x128xf32, #tpu.memory_space<vmem>>) target_semaphore(%arg6 : memref<!tpu.dma_semaphore, #tpu.memory_space<semaphore_mem>>)
    %dma_wait3A_765 = arith.constant 0 : i32
    %dma_wait3A_766 = arith.constant 0 : i32
    %dma_wait3A_767 = arith.constant 0 : i32
    %dma_wait3A_768 = arith.constant 0 : i32
    %dma_wait3A_769 = tpu.memref_slice %arg4[%dma_wait3A_765, %dma_wait3A_766, %dma_wait3A_767, %dma_wait3A_768] : memref<3x64x4x128xf32, #tpu.memory_space<vmem>> -> memref<1x64x1x128xf32, #tpu.memory_space<vmem>>
    %dma_wait3A_770 = tpu.memref_squeeze %dma_wait3A_769 : memref<1x64x1x128xf32, #tpu.memory_space<vmem>> -> memref<64x1x128xf32, #tpu.memory_space<vmem>>
    %dma_wait3A_771 = arith.constant 0 : i32
    %dma_wait3A_772 = arith.constant 0 : i32
    %dma_wait3A_773 = arith.constant 0 : i32
    %dma_wait3A_774 = tpu.memref_slice %arg2[%dma_wait3A_771, %dma_wait3A_772, %dma_wait3A_773] : memref<16384x8x128xf32, #tpu.memory_space<hbm>> -> memref<64x1x128xf32, #tpu.memory_space<hbm>>
    %dma_wait3A_775 = arith.constant 0 : i32
    %dma_wait3A_776 = arith.constant 0 : i32
    %dma_wait3A_777 = arith.constant 0 : i32
    %dma_wait3A_778 = tpu.memref_slice %arg4[%dma_wait3A_765, %dma_wait3A_775, %dma_wait3A_776, %dma_wait3A_777] : memref<3x64x4x128xf32, #tpu.memory_space<vmem>> -> memref<1x64x1x128xf32, #tpu.memory_space<vmem>>
    %dma_wait3A_779 = tpu.memref_squeeze %dma_wait3A_778 : memref<1x64x1x128xf32, #tpu.memory_space<vmem>> -> memref<64x1x128xf32, #tpu.memory_space<vmem>>
    %dma_wait3A_780 = arith.constant 0 : i32
    %dma_wait3A_781 = arith.constant 0 : i32
    %dma_wait3A_782 = arith.constant 0 : i32
    %dma_wait3A_783 = tpu.memref_slice %arg2[%dma_wait3A_780, %dma_wait3A_781, %dma_wait3A_782] : memref<16384x8x128xf32, #tpu.memory_space<hbm>> -> memref<64x1x128xf32, #tpu.memory_space<hbm>>
    tpu.wait_dma2 semaphore(%arg6 : memref<!tpu.dma_semaphore, #tpu.memory_space<semaphore_mem>>) src(%dma_wait3A_783 : memref<64x1x128xf32, #tpu.memory_space<hbm>>) dst(%dma_wait3A_779 : memref<64x1x128xf32, #tpu.memory_space<vmem>>)
    %dma_wait3A_784 = arith.constant 0 : i32
    %dma_wait3A_785 = arith.constant 0 : i32
    %dma_wait3A_786 = arith.constant 0 : i32
    %dma_wait3A_787 = arith.constant 0 : i32
    %dma_wait3A_788 = tpu.memref_slice %arg4[%dma_wait3A_784, %dma_wait3A_785, %dma_wait3A_786, %dma_wait3A_787] : memref<3x64x4x128xf32, #tpu.memory_space<vmem>> -> memref<1x64x1x128xf32, #tpu.memory_space<vmem>>
    %dma_wait3A_789 = tpu.memref_squeeze %dma_wait3A_788 : memref<1x64x1x128xf32, #tpu.memory_space<vmem>> -> memref<64x1x128xf32, #tpu.memory_space<vmem>>
    %dma_wait3A_790 = arith.constant 0 : i32
    %dma_wait3A_791 = arith.constant 0 : i32
    %dma_wait3A_792 = arith.constant 0 : i32
    %dma_wait3A_793 = tpu.memref_slice %arg2[%dma_wait3A_790, %dma_wait3A_791, %dma_wait3A_792] : memref<16384x8x128xf32, #tpu.memory_space<hbm>> -> memref<64x1x128xf32, #tpu.memory_space<hbm>>
    %dma_wait3A_794 = arith.constant 0 : i32
    %dma_wait3A_795 = arith.constant 0 : i32
    %dma_wait3A_796 = arith.constant 0 : i32
    %dma_wait3A_797 = tpu.memref_slice %arg4[%dma_wait3A_784, %dma_wait3A_794, %dma_wait3A_795, %dma_wait3A_796] : memref<3x64x4x128xf32, #tpu.memory_space<vmem>> -> memref<1x64x1x128xf32, #tpu.memory_space<vmem>>
    %dma_wait3A_798 = tpu.memref_squeeze %dma_wait3A_797 : memref<1x64x1x128xf32, #tpu.memory_space<vmem>> -> memref<64x1x128xf32, #tpu.memory_space<vmem>>
    %dma_wait3A_799 = arith.constant 0 : i32
    %dma_wait3A_800 = arith.constant 0 : i32
    %dma_wait3A_801 = arith.constant 0 : i32
    %dma_wait3A_802 = tpu.memref_slice %arg2[%dma_wait3A_799, %dma_wait3A_800, %dma_wait3A_801] : memref<16384x8x128xf32, #tpu.memory_space<hbm>> -> memref<64x1x128xf32, #tpu.memory_space<hbm>>
    tpu.wait_dma2 semaphore(%arg6 : memref<!tpu.dma_semaphore, #tpu.memory_space<semaphore_mem>>) src(%dma_wait3A_802 : memref<64x1x128xf32, #tpu.memory_space<hbm>>) dst(%dma_wait3A_798 : memref<64x1x128xf32, #tpu.memory_space<vmem>>)
    %dma_wait3A_803 = arith.constant 0 : i32
    %dma_wait3A_804 = arith.constant 0 : i32
    %dma_wait3A_805 = arith.constant 0 : i32
    %dma_wait3A_806 = arith.constant 0 : i32
    %dma_wait3A_807 = tpu.memref_slice %arg4[%dma_wait3A_803, %dma_wait3A_804, %dma_wait3A_805, %dma_wait3A_806] : memref<3x64x4x128xf32, #tpu.memory_space<vmem>> -> memref<1x64x1x128xf32, #tpu.memory_space<vmem>>
    %dma_wait3A_808 = tpu.memref_squeeze %dma_wait3A_807 : memref<1x64x1x128xf32, #tpu.memory_space<vmem>> -> memref<64x1x128xf32, #tpu.memory_space<vmem>>
    %dma_wait3A_809 = arith.constant 0 : i32
    %dma_wait3A_810 = arith.constant 0 : i32
    %dma_wait3A_811 = arith.constant 0 : i32
    %dma_wait3A_812 = tpu.memref_slice %arg2[%dma_wait3A_809, %dma_wait3A_810, %dma_wait3A_811] : memref<16384x8x128xf32, #tpu.memory_space<hbm>> -> memref<64x1x128xf32, #tpu.memory_space<hbm>>
    %dma_wait3A_813 = arith.constant 0 : i32
    %dma_wait3A_814 = arith.constant 0 : i32
    %dma_wait3A_815 = arith.constant 0 : i32
    %dma_wait3A_816 = tpu.memref_slice %arg4[%dma_wait3A_803, %dma_wait3A_813, %dma_wait3A_814, %dma_wait3A_815] : memref<3x64x4x128xf32, #tpu.memory_space<vmem>> -> memref<1x64x1x128xf32, #tpu.memory_space<vmem>>
    %dma_wait3A_817 = tpu.memref_squeeze %dma_wait3A_816 : memref<1x64x1x128xf32, #tpu.memory_space<vmem>> -> memref<64x1x128xf32, #tpu.memory_space<vmem>>
    %dma_wait3A_818 = arith.constant 0 : i32
    %dma_wait3A_819 = arith.constant 0 : i32
    %dma_wait3A_820 = arith.constant 0 : i32
    %dma_wait3A_821 = tpu.memref_slice %arg2[%dma_wait3A_818, %dma_wait3A_819, %dma_wait3A_820] : memref<16384x8x128xf32, #tpu.memory_space<hbm>> -> memref<64x1x128xf32, #tpu.memory_space<hbm>>
    tpu.wait_dma2 semaphore(%arg6 : memref<!tpu.dma_semaphore, #tpu.memory_space<semaphore_mem>>) src(%dma_wait3A_821 : memref<64x1x128xf32, #tpu.memory_space<hbm>>) dst(%dma_wait3A_817 : memref<64x1x128xf32, #tpu.memory_space<vmem>>)
    %dma_wait3A_822 = arith.constant 0 : i32
    %dma_wait3A_823 = arith.constant 0 : i32
    %dma_wait3A_824 = arith.constant 0 : i32
    %dma_wait3A_825 = arith.constant 0 : i32
    %dma_wait3A_826 = tpu.memref_slice %arg4[%dma_wait3A_822, %dma_wait3A_823, %dma_wait3A_824, %dma_wait3A_825] : memref<3x64x4x128xf32, #tpu.memory_space<vmem>> -> memref<1x64x1x128xf32, #tpu.memory_space<vmem>>
    %dma_wait3A_827 = tpu.memref_squeeze %dma_wait3A_826 : memref<1x64x1x128xf32, #tpu.memory_space<vmem>> -> memref<64x1x128xf32, #tpu.memory_space<vmem>>
    %dma_wait3A_828 = arith.constant 0 : i32
    %dma_wait3A_829 = arith.constant 0 : i32
    %dma_wait3A_830 = arith.constant 0 : i32
    %dma_wait3A_831 = tpu.memref_slice %arg2[%dma_wait3A_828, %dma_wait3A_829, %dma_wait3A_830] : memref<16384x8x128xf32, #tpu.memory_space<hbm>> -> memref<64x1x128xf32, #tpu.memory_space<hbm>>
    %dma_wait3A_832 = arith.constant 0 : i32
    %dma_wait3A_833 = arith.constant 0 : i32
    %dma_wait3A_834 = arith.constant 0 : i32
    %dma_wait3A_835 = tpu.memref_slice %arg4[%dma_wait3A_822, %dma_wait3A_832, %dma_wait3A_833, %dma_wait3A_834] : memref<3x64x4x128xf32, #tpu.memory_space<vmem>> -> memref<1x64x1x128xf32, #tpu.memory_space<vmem>>
    %dma_wait3A_836 = tpu.memref_squeeze %dma_wait3A_835 : memref<1x64x1x128xf32, #tpu.memory_space<vmem>> -> memref<64x1x128xf32, #tpu.memory_space<vmem>>
    %dma_wait3A_837 = arith.constant 0 : i32
    %dma_wait3A_838 = arith.constant 0 : i32
    %dma_wait3A_839 = arith.constant 0 : i32
    %dma_wait3A_840 = tpu.memref_slice %arg2[%dma_wait3A_837, %dma_wait3A_838, %dma_wait3A_839] : memref<16384x8x128xf32, #tpu.memory_space<hbm>> -> memref<64x1x128xf32, #tpu.memory_space<hbm>>
    tpu.wait_dma2 semaphore(%arg6 : memref<!tpu.dma_semaphore, #tpu.memory_space<semaphore_mem>>) src(%dma_wait3A_840 : memref<64x1x128xf32, #tpu.memory_space<hbm>>) dst(%dma_wait3A_836 : memref<64x1x128xf32, #tpu.memory_space<vmem>>)
    %add3A_841 = arith.constant 128 : i32
    %add3A_842 = arith.addi %mul3A_2, %add3A_841 : i32
    %dma_start3A_843 = arith.constant 2 : i32
    %dma_start3A_844 = arith.constant 0 : i32
    %dma_start3A_845 = arith.constant 0 : i32
    %dma_start3A_846 = arith.constant 0 : i32
    %dma_start3A_847 = tpu.memref_slice %arg4[%dma_start3A_843, %dma_start3A_844, %dma_start3A_845, %dma_start3A_846] : memref<3x64x4x128xf32, #tpu.memory_space<vmem>> -> memref<1x64x4x128xf32, #tpu.memory_space<vmem>>
    %dma_start3A_848 = tpu.memref_squeeze %dma_start3A_847 : memref<1x64x4x128xf32, #tpu.memory_space<vmem>> -> memref<64x4x128xf32, #tpu.memory_space<vmem>>
    %dma_start3A_849 = arith.constant 0 : i32
    %dma_start3A_850 = arith.constant 0 : i32
    %dma_start3A_851 = tpu.memref_slice %arg3[%add3A_842, %dma_start3A_849, %dma_start3A_850] : memref<16384x4x128xf32, #tpu.memory_space<hbm>> -> memref<64x4x128xf32, #tpu.memory_space<hbm>>
    %dma_start3A_852 = arith.constant 0 : i32
    %dma_start3A_853 = arith.constant 0 : i32
    %dma_start3A_854 = tpu.memref_slice %arg3[%add3A_842, %dma_start3A_852, %dma_start3A_853] : memref<16384x4x128xf32, #tpu.memory_space<hbm>> -> memref<64x4x128xf32, #tpu.memory_space<hbm>>
    %dma_start3A_855 = arith.constant 0 : i32
    %dma_start3A_856 = arith.constant 0 : i32
    %dma_start3A_857 = arith.constant 0 : i32
    %dma_start3A_858 = tpu.memref_slice %arg4[%dma_start3A_843, %dma_start3A_855, %dma_start3A_856, %dma_start3A_857] : memref<3x64x4x128xf32, #tpu.memory_space<vmem>> -> memref<1x64x4x128xf32, #tpu.memory_space<vmem>>
    %dma_start3A_859 = tpu.memref_squeeze %dma_start3A_858 : memref<1x64x4x128xf32, #tpu.memory_space<vmem>> -> memref<64x4x128xf32, #tpu.memory_space<vmem>>
    tpu.enqueue_dma source(%dma_start3A_859 : memref<64x4x128xf32, #tpu.memory_space<vmem>>) target(%dma_start3A_854 : memref<64x4x128xf32, #tpu.memory_space<hbm>>) target_semaphore(%arg7 : memref<!tpu.dma_semaphore, #tpu.memory_space<semaphore_mem>>)
    %dma_wait3A_860 = arith.constant 0 : i32
    %dma_wait3A_861 = arith.constant 0 : i32
    %dma_wait3A_862 = arith.constant 0 : i32
    %dma_wait3A_863 = arith.constant 0 : i32
    %dma_wait3A_864 = tpu.memref_slice %arg4[%dma_wait3A_860, %dma_wait3A_861, %dma_wait3A_862, %dma_wait3A_863] : memref<3x64x4x128xf32, #tpu.memory_space<vmem>> -> memref<1x64x4x128xf32, #tpu.memory_space<vmem>>
    %dma_wait3A_865 = tpu.memref_squeeze %dma_wait3A_864 : memref<1x64x4x128xf32, #tpu.memory_space<vmem>> -> memref<64x4x128xf32, #tpu.memory_space<vmem>>
    %dma_wait3A_866 = arith.constant 0 : i32
    %dma_wait3A_867 = arith.constant 0 : i32
    %dma_wait3A_868 = arith.constant 0 : i32
    %dma_wait3A_869 = tpu.memref_slice %arg3[%dma_wait3A_866, %dma_wait3A_867, %dma_wait3A_868] : memref<16384x4x128xf32, #tpu.memory_space<hbm>> -> memref<64x4x128xf32, #tpu.memory_space<hbm>>
    %dma_wait3A_870 = arith.constant 0 : i32
    %dma_wait3A_871 = arith.constant 0 : i32
    %dma_wait3A_872 = arith.constant 0 : i32
    %dma_wait3A_873 = tpu.memref_slice %arg3[%dma_wait3A_870, %dma_wait3A_871, %dma_wait3A_872] : memref<16384x4x128xf32, #tpu.memory_space<hbm>> -> memref<64x4x128xf32, #tpu.memory_space<hbm>>
    %dma_wait3A_874 = arith.constant 0 : i32
    %dma_wait3A_875 = arith.constant 0 : i32
    %dma_wait3A_876 = arith.constant 0 : i32
    %dma_wait3A_877 = tpu.memref_slice %arg4[%dma_wait3A_860, %dma_wait3A_874, %dma_wait3A_875, %dma_wait3A_876] : memref<3x64x4x128xf32, #tpu.memory_space<vmem>> -> memref<1x64x4x128xf32, #tpu.memory_space<vmem>>
    %dma_wait3A_878 = tpu.memref_squeeze %dma_wait3A_877 : memref<1x64x4x128xf32, #tpu.memory_space<vmem>> -> memref<64x4x128xf32, #tpu.memory_space<vmem>>
    tpu.wait_dma2 semaphore(%arg7 : memref<!tpu.dma_semaphore, #tpu.memory_space<semaphore_mem>>) src(%dma_wait3A_878 : memref<64x4x128xf32, #tpu.memory_space<vmem>>) dst(%dma_wait3A_873 : memref<64x4x128xf32, #tpu.memory_space<hbm>>)
    %add3A_879 = arith.constant 320 : i32
    %add3A_880 = arith.addi %mul3A_2, %add3A_879 : i32
    %dma_start3A_881 = arith.constant 2 : i32
    %dma_start3A_882 = arith.constant 0 : i32
    %dma_start3A_883 = arith.constant 0 : i32
    %dma_start3A_884 = arith.constant 0 : i32
    %dma_start3A_885 = tpu.memref_slice %arg4[%dma_start3A_881, %dma_start3A_882, %dma_start3A_883, %dma_start3A_884] : memref<3x64x4x128xf32, #tpu.memory_space<vmem>> -> memref<1x64x1x128xf32, #tpu.memory_space<vmem>>
    %dma_start3A_886 = tpu.memref_squeeze %dma_start3A_885 : memref<1x64x1x128xf32, #tpu.memory_space<vmem>> -> memref<64x1x128xf32, #tpu.memory_space<vmem>>
    %dma_start3A_887 = arith.constant 7 : i32
    %dma_start3A_888 = arith.constant 0 : i32
    %dma_start3A_889 = tpu.memref_slice %arg2[%add3A_880, %dma_start3A_887, %dma_start3A_888] : memref<16384x8x128xf32, #tpu.memory_space<hbm>> -> memref<64x1x128xf32, #tpu.memory_space<hbm>>
    %dma_start3A_890 = arith.constant 0 : i32
    %dma_start3A_891 = arith.constant 0 : i32
    %dma_start3A_892 = arith.constant 0 : i32
    %dma_start3A_893 = tpu.memref_slice %arg4[%dma_start3A_881, %dma_start3A_890, %dma_start3A_891, %dma_start3A_892] : memref<3x64x4x128xf32, #tpu.memory_space<vmem>> -> memref<1x64x1x128xf32, #tpu.memory_space<vmem>>
    %dma_start3A_894 = tpu.memref_squeeze %dma_start3A_893 : memref<1x64x1x128xf32, #tpu.memory_space<vmem>> -> memref<64x1x128xf32, #tpu.memory_space<vmem>>
    %dma_start3A_895 = arith.constant 7 : i32
    %dma_start3A_896 = arith.constant 0 : i32
    %dma_start3A_897 = tpu.memref_slice %arg2[%add3A_880, %dma_start3A_895, %dma_start3A_896] : memref<16384x8x128xf32, #tpu.memory_space<hbm>> -> memref<64x1x128xf32, #tpu.memory_space<hbm>>
    tpu.enqueue_dma source(%dma_start3A_897 : memref<64x1x128xf32, #tpu.memory_space<hbm>>) target(%dma_start3A_894 : memref<64x1x128xf32, #tpu.memory_space<vmem>>) target_semaphore(%arg6 : memref<!tpu.dma_semaphore, #tpu.memory_space<semaphore_mem>>)
    %dma_start3A_898 = arith.constant 2 : i32
    %dma_start3A_899 = arith.constant 0 : i32
    %dma_start3A_900 = arith.constant 1 : i32
    %dma_start3A_901 = arith.constant 0 : i32
    %dma_start3A_902 = tpu.memref_slice %arg4[%dma_start3A_898, %dma_start3A_899, %dma_start3A_900, %dma_start3A_901] : memref<3x64x4x128xf32, #tpu.memory_space<vmem>> -> memref<1x64x1x128xf32, #tpu.memory_space<vmem>>
    %dma_start3A_903 = tpu.memref_squeeze %dma_start3A_902 : memref<1x64x1x128xf32, #tpu.memory_space<vmem>> -> memref<64x1x128xf32, #tpu.memory_space<vmem>>
    %dma_start3A_904 = arith.constant 4 : i32
    %dma_start3A_905 = arith.constant 0 : i32
    %dma_start3A_906 = tpu.memref_slice %arg2[%add3A_880, %dma_start3A_904, %dma_start3A_905] : memref<16384x8x128xf32, #tpu.memory_space<hbm>> -> memref<64x1x128xf32, #tpu.memory_space<hbm>>
    %dma_start3A_907 = arith.constant 0 : i32
    %dma_start3A_908 = arith.constant 1 : i32
    %dma_start3A_909 = arith.constant 0 : i32
    %dma_start3A_910 = tpu.memref_slice %arg4[%dma_start3A_898, %dma_start3A_907, %dma_start3A_908, %dma_start3A_909] : memref<3x64x4x128xf32, #tpu.memory_space<vmem>> -> memref<1x64x1x128xf32, #tpu.memory_space<vmem>>
    %dma_start3A_911 = tpu.memref_squeeze %dma_start3A_910 : memref<1x64x1x128xf32, #tpu.memory_space<vmem>> -> memref<64x1x128xf32, #tpu.memory_space<vmem>>
    %dma_start3A_912 = arith.constant 4 : i32
    %dma_start3A_913 = arith.constant 0 : i32
    %dma_start3A_914 = tpu.memref_slice %arg2[%add3A_880, %dma_start3A_912, %dma_start3A_913] : memref<16384x8x128xf32, #tpu.memory_space<hbm>> -> memref<64x1x128xf32, #tpu.memory_space<hbm>>
    tpu.enqueue_dma source(%dma_start3A_914 : memref<64x1x128xf32, #tpu.memory_space<hbm>>) target(%dma_start3A_911 : memref<64x1x128xf32, #tpu.memory_space<vmem>>) target_semaphore(%arg6 : memref<!tpu.dma_semaphore, #tpu.memory_space<semaphore_mem>>)
    %dma_start3A_915 = arith.constant 2 : i32
    %dma_start3A_916 = arith.constant 0 : i32
    %dma_start3A_917 = arith.constant 2 : i32
    %dma_start3A_918 = arith.constant 0 : i32
    %dma_start3A_919 = tpu.memref_slice %arg4[%dma_start3A_915, %dma_start3A_916, %dma_start3A_917, %dma_start3A_918] : memref<3x64x4x128xf32, #tpu.memory_space<vmem>> -> memref<1x64x1x128xf32, #tpu.memory_space<vmem>>
    %dma_start3A_920 = tpu.memref_squeeze %dma_start3A_919 : memref<1x64x1x128xf32, #tpu.memory_space<vmem>> -> memref<64x1x128xf32, #tpu.memory_space<vmem>>
    %dma_start3A_921 = arith.constant 2 : i32
    %dma_start3A_922 = arith.constant 0 : i32
    %dma_start3A_923 = tpu.memref_slice %arg2[%add3A_880, %dma_start3A_921, %dma_start3A_922] : memref<16384x8x128xf32, #tpu.memory_space<hbm>> -> memref<64x1x128xf32, #tpu.memory_space<hbm>>
    %dma_start3A_924 = arith.constant 0 : i32
    %dma_start3A_925 = arith.constant 2 : i32
    %dma_start3A_926 = arith.constant 0 : i32
    %dma_start3A_927 = tpu.memref_slice %arg4[%dma_start3A_915, %dma_start3A_924, %dma_start3A_925, %dma_start3A_926] : memref<3x64x4x128xf32, #tpu.memory_space<vmem>> -> memref<1x64x1x128xf32, #tpu.memory_space<vmem>>
    %dma_start3A_928 = tpu.memref_squeeze %dma_start3A_927 : memref<1x64x1x128xf32, #tpu.memory_space<vmem>> -> memref<64x1x128xf32, #tpu.memory_space<vmem>>
    %dma_start3A_929 = arith.constant 2 : i32
    %dma_start3A_930 = arith.constant 0 : i32
    %dma_start3A_931 = tpu.memref_slice %arg2[%add3A_880, %dma_start3A_929, %dma_start3A_930] : memref<16384x8x128xf32, #tpu.memory_space<hbm>> -> memref<64x1x128xf32, #tpu.memory_space<hbm>>
    tpu.enqueue_dma source(%dma_start3A_931 : memref<64x1x128xf32, #tpu.memory_space<hbm>>) target(%dma_start3A_928 : memref<64x1x128xf32, #tpu.memory_space<vmem>>) target_semaphore(%arg6 : memref<!tpu.dma_semaphore, #tpu.memory_space<semaphore_mem>>)
    %dma_start3A_932 = arith.constant 2 : i32
    %dma_start3A_933 = arith.constant 0 : i32
    %dma_start3A_934 = arith.constant 3 : i32
    %dma_start3A_935 = arith.constant 0 : i32
    %dma_start3A_936 = tpu.memref_slice %arg4[%dma_start3A_932, %dma_start3A_933, %dma_start3A_934, %dma_start3A_935] : memref<3x64x4x128xf32, #tpu.memory_space<vmem>> -> memref<1x64x1x128xf32, #tpu.memory_space<vmem>>
    %dma_start3A_937 = tpu.memref_squeeze %dma_start3A_936 : memref<1x64x1x128xf32, #tpu.memory_space<vmem>> -> memref<64x1x128xf32, #tpu.memory_space<vmem>>
    %dma_start3A_938 = arith.constant 5 : i32
    %dma_start3A_939 = arith.constant 0 : i32
    %dma_start3A_940 = tpu.memref_slice %arg2[%add3A_880, %dma_start3A_938, %dma_start3A_939] : memref<16384x8x128xf32, #tpu.memory_space<hbm>> -> memref<64x1x128xf32, #tpu.memory_space<hbm>>
    %dma_start3A_941 = arith.constant 0 : i32
    %dma_start3A_942 = arith.constant 3 : i32
    %dma_start3A_943 = arith.constant 0 : i32
    %dma_start3A_944 = tpu.memref_slice %arg4[%dma_start3A_932, %dma_start3A_941, %dma_start3A_942, %dma_start3A_943] : memref<3x64x4x128xf32, #tpu.memory_space<vmem>> -> memref<1x64x1x128xf32, #tpu.memory_space<vmem>>
    %dma_start3A_945 = tpu.memref_squeeze %dma_start3A_944 : memref<1x64x1x128xf32, #tpu.memory_space<vmem>> -> memref<64x1x128xf32, #tpu.memory_space<vmem>>
    %dma_start3A_946 = arith.constant 5 : i32
    %dma_start3A_947 = arith.constant 0 : i32
    %dma_start3A_948 = tpu.memref_slice %arg2[%add3A_880, %dma_start3A_946, %dma_start3A_947] : memref<16384x8x128xf32, #tpu.memory_space<hbm>> -> memref<64x1x128xf32, #tpu.memory_space<hbm>>
    tpu.enqueue_dma source(%dma_start3A_948 : memref<64x1x128xf32, #tpu.memory_space<hbm>>) target(%dma_start3A_945 : memref<64x1x128xf32, #tpu.memory_space<vmem>>) target_semaphore(%arg6 : memref<!tpu.dma_semaphore, #tpu.memory_space<semaphore_mem>>)
    %dma_wait3A_949 = arith.constant 0 : i32
    %dma_wait3A_950 = arith.constant 0 : i32
    %dma_wait3A_951 = arith.constant 0 : i32
    %dma_wait3A_952 = arith.constant 0 : i32
    %dma_wait3A_953 = tpu.memref_slice %arg4[%dma_wait3A_949, %dma_wait3A_950, %dma_wait3A_951, %dma_wait3A_952] : memref<3x64x4x128xf32, #tpu.memory_space<vmem>> -> memref<1x64x1x128xf32, #tpu.memory_space<vmem>>
    %dma_wait3A_954 = tpu.memref_squeeze %dma_wait3A_953 : memref<1x64x1x128xf32, #tpu.memory_space<vmem>> -> memref<64x1x128xf32, #tpu.memory_space<vmem>>
    %dma_wait3A_955 = arith.constant 0 : i32
    %dma_wait3A_956 = arith.constant 0 : i32
    %dma_wait3A_957 = arith.constant 0 : i32
    %dma_wait3A_958 = tpu.memref_slice %arg2[%dma_wait3A_955, %dma_wait3A_956, %dma_wait3A_957] : memref<16384x8x128xf32, #tpu.memory_space<hbm>> -> memref<64x1x128xf32, #tpu.memory_space<hbm>>
    %dma_wait3A_959 = arith.constant 0 : i32
    %dma_wait3A_960 = arith.constant 0 : i32
    %dma_wait3A_961 = arith.constant 0 : i32
    %dma_wait3A_962 = tpu.memref_slice %arg4[%dma_wait3A_949, %dma_wait3A_959, %dma_wait3A_960, %dma_wait3A_961] : memref<3x64x4x128xf32, #tpu.memory_space<vmem>> -> memref<1x64x1x128xf32, #tpu.memory_space<vmem>>
    %dma_wait3A_963 = tpu.memref_squeeze %dma_wait3A_962 : memref<1x64x1x128xf32, #tpu.memory_space<vmem>> -> memref<64x1x128xf32, #tpu.memory_space<vmem>>
    %dma_wait3A_964 = arith.constant 0 : i32
    %dma_wait3A_965 = arith.constant 0 : i32
    %dma_wait3A_966 = arith.constant 0 : i32
    %dma_wait3A_967 = tpu.memref_slice %arg2[%dma_wait3A_964, %dma_wait3A_965, %dma_wait3A_966] : memref<16384x8x128xf32, #tpu.memory_space<hbm>> -> memref<64x1x128xf32, #tpu.memory_space<hbm>>
    tpu.wait_dma2 semaphore(%arg6 : memref<!tpu.dma_semaphore, #tpu.memory_space<semaphore_mem>>) src(%dma_wait3A_967 : memref<64x1x128xf32, #tpu.memory_space<hbm>>) dst(%dma_wait3A_963 : memref<64x1x128xf32, #tpu.memory_space<vmem>>)
    %dma_wait3A_968 = arith.constant 0 : i32
    %dma_wait3A_969 = arith.constant 0 : i32
    %dma_wait3A_970 = arith.constant 0 : i32
    %dma_wait3A_971 = arith.constant 0 : i32
    %dma_wait3A_972 = tpu.memref_slice %arg4[%dma_wait3A_968, %dma_wait3A_969, %dma_wait3A_970, %dma_wait3A_971] : memref<3x64x4x128xf32, #tpu.memory_space<vmem>> -> memref<1x64x1x128xf32, #tpu.memory_space<vmem>>
    %dma_wait3A_973 = tpu.memref_squeeze %dma_wait3A_972 : memref<1x64x1x128xf32, #tpu.memory_space<vmem>> -> memref<64x1x128xf32, #tpu.memory_space<vmem>>
    %dma_wait3A_974 = arith.constant 0 : i32
    %dma_wait3A_975 = arith.constant 0 : i32
    %dma_wait3A_976 = arith.constant 0 : i32
    %dma_wait3A_977 = tpu.memref_slice %arg2[%dma_wait3A_974, %dma_wait3A_975, %dma_wait3A_976] : memref<16384x8x128xf32, #tpu.memory_space<hbm>> -> memref<64x1x128xf32, #tpu.memory_space<hbm>>
    %dma_wait3A_978 = arith.constant 0 : i32
    %dma_wait3A_979 = arith.constant 0 : i32
    %dma_wait3A_980 = arith.constant 0 : i32
    %dma_wait3A_981 = tpu.memref_slice %arg4[%dma_wait3A_968, %dma_wait3A_978, %dma_wait3A_979, %dma_wait3A_980] : memref<3x64x4x128xf32, #tpu.memory_space<vmem>> -> memref<1x64x1x128xf32, #tpu.memory_space<vmem>>
    %dma_wait3A_982 = tpu.memref_squeeze %dma_wait3A_981 : memref<1x64x1x128xf32, #tpu.memory_space<vmem>> -> memref<64x1x128xf32, #tpu.memory_space<vmem>>
    %dma_wait3A_983 = arith.constant 0 : i32
    %dma_wait3A_984 = arith.constant 0 : i32
    %dma_wait3A_985 = arith.constant 0 : i32
    %dma_wait3A_986 = tpu.memref_slice %arg2[%dma_wait3A_983, %dma_wait3A_984, %dma_wait3A_985] : memref<16384x8x128xf32, #tpu.memory_space<hbm>> -> memref<64x1x128xf32, #tpu.memory_space<hbm>>
    tpu.wait_dma2 semaphore(%arg6 : memref<!tpu.dma_semaphore, #tpu.memory_space<semaphore_mem>>) src(%dma_wait3A_986 : memref<64x1x128xf32, #tpu.memory_space<hbm>>) dst(%dma_wait3A_982 : memref<64x1x128xf32, #tpu.memory_space<vmem>>)
    %dma_wait3A_987 = arith.constant 0 : i32
    %dma_wait3A_988 = arith.constant 0 : i32
    %dma_wait3A_989 = arith.constant 0 : i32
    %dma_wait3A_990 = arith.constant 0 : i32
    %dma_wait3A_991 = tpu.memref_slice %arg4[%dma_wait3A_987, %dma_wait3A_988, %dma_wait3A_989, %dma_wait3A_990] : memref<3x64x4x128xf32, #tpu.memory_space<vmem>> -> memref<1x64x1x128xf32, #tpu.memory_space<vmem>>
    %dma_wait3A_992 = tpu.memref_squeeze %dma_wait3A_991 : memref<1x64x1x128xf32, #tpu.memory_space<vmem>> -> memref<64x1x128xf32, #tpu.memory_space<vmem>>
    %dma_wait3A_993 = arith.constant 0 : i32
    %dma_wait3A_994 = arith.constant 0 : i32
    %dma_wait3A_995 = arith.constant 0 : i32
    %dma_wait3A_996 = tpu.memref_slice %arg2[%dma_wait3A_993, %dma_wait3A_994, %dma_wait3A_995] : memref<16384x8x128xf32, #tpu.memory_space<hbm>> -> memref<64x1x128xf32, #tpu.memory_space<hbm>>
    %dma_wait3A_997 = arith.constant 0 : i32
    %dma_wait3A_998 = arith.constant 0 : i32
    %dma_wait3A_999 = arith.constant 0 : i32
    %dma_wait3A_1000 = tpu.memref_slice %arg4[%dma_wait3A_987, %dma_wait3A_997, %dma_wait3A_998, %dma_wait3A_999] : memref<3x64x4x128xf32, #tpu.memory_space<vmem>> -> memref<1x64x1x128xf32, #tpu.memory_space<vmem>>
    %dma_wait3A_1001 = tpu.memref_squeeze %dma_wait3A_1000 : memref<1x64x1x128xf32, #tpu.memory_space<vmem>> -> memref<64x1x128xf32, #tpu.memory_space<vmem>>
    %dma_wait3A_1002 = arith.constant 0 : i32
    %dma_wait3A_1003 = arith.constant 0 : i32
    %dma_wait3A_1004 = arith.constant 0 : i32
    %dma_wait3A_1005 = tpu.memref_slice %arg2[%dma_wait3A_1002, %dma_wait3A_1003, %dma_wait3A_1004] : memref<16384x8x128xf32, #tpu.memory_space<hbm>> -> memref<64x1x128xf32, #tpu.memory_space<hbm>>
    tpu.wait_dma2 semaphore(%arg6 : memref<!tpu.dma_semaphore, #tpu.memory_space<semaphore_mem>>) src(%dma_wait3A_1005 : memref<64x1x128xf32, #tpu.memory_space<hbm>>) dst(%dma_wait3A_1001 : memref<64x1x128xf32, #tpu.memory_space<vmem>>)
    %dma_wait3A_1006 = arith.constant 0 : i32
    %dma_wait3A_1007 = arith.constant 0 : i32
    %dma_wait3A_1008 = arith.constant 0 : i32
    %dma_wait3A_1009 = arith.constant 0 : i32
    %dma_wait3A_1010 = tpu.memref_slice %arg4[%dma_wait3A_1006, %dma_wait3A_1007, %dma_wait3A_1008, %dma_wait3A_1009] : memref<3x64x4x128xf32, #tpu.memory_space<vmem>> -> memref<1x64x1x128xf32, #tpu.memory_space<vmem>>
    %dma_wait3A_1011 = tpu.memref_squeeze %dma_wait3A_1010 : memref<1x64x1x128xf32, #tpu.memory_space<vmem>> -> memref<64x1x128xf32, #tpu.memory_space<vmem>>
    %dma_wait3A_1012 = arith.constant 0 : i32
    %dma_wait3A_1013 = arith.constant 0 : i32
    %dma_wait3A_1014 = arith.constant 0 : i32
    %dma_wait3A_1015 = tpu.memref_slice %arg2[%dma_wait3A_1012, %dma_wait3A_1013, %dma_wait3A_1014] : memref<16384x8x128xf32, #tpu.memory_space<hbm>> -> memref<64x1x128xf32, #tpu.memory_space<hbm>>
    %dma_wait3A_1016 = arith.constant 0 : i32
    %dma_wait3A_1017 = arith.constant 0 : i32
    %dma_wait3A_1018 = arith.constant 0 : i32
    %dma_wait3A_1019 = tpu.memref_slice %arg4[%dma_wait3A_1006, %dma_wait3A_1016, %dma_wait3A_1017, %dma_wait3A_1018] : memref<3x64x4x128xf32, #tpu.memory_space<vmem>> -> memref<1x64x1x128xf32, #tpu.memory_space<vmem>>
    %dma_wait3A_1020 = tpu.memref_squeeze %dma_wait3A_1019 : memref<1x64x1x128xf32, #tpu.memory_space<vmem>> -> memref<64x1x128xf32, #tpu.memory_space<vmem>>
    %dma_wait3A_1021 = arith.constant 0 : i32
    %dma_wait3A_1022 = arith.constant 0 : i32
    %dma_wait3A_1023 = arith.constant 0 : i32
    %dma_wait3A_1024 = tpu.memref_slice %arg2[%dma_wait3A_1021, %dma_wait3A_1022, %dma_wait3A_1023] : memref<16384x8x128xf32, #tpu.memory_space<hbm>> -> memref<64x1x128xf32, #tpu.memory_space<hbm>>
    tpu.wait_dma2 semaphore(%arg6 : memref<!tpu.dma_semaphore, #tpu.memory_space<semaphore_mem>>) src(%dma_wait3A_1024 : memref<64x1x128xf32, #tpu.memory_space<hbm>>) dst(%dma_wait3A_1020 : memref<64x1x128xf32, #tpu.memory_space<vmem>>)
    %add3A_1025 = arith.constant 192 : i32
    %add3A_1026 = arith.addi %mul3A_2, %add3A_1025 : i32
    %dma_start3A_1027 = arith.constant 0 : i32
    %dma_start3A_1028 = arith.constant 0 : i32
    %dma_start3A_1029 = arith.constant 0 : i32
    %dma_start3A_1030 = arith.constant 0 : i32
    %dma_start3A_1031 = tpu.memref_slice %arg4[%dma_start3A_1027, %dma_start3A_1028, %dma_start3A_1029, %dma_start3A_1030] : memref<3x64x4x128xf32, #tpu.memory_space<vmem>> -> memref<1x64x4x128xf32, #tpu.memory_space<vmem>>
    %dma_start3A_1032 = tpu.memref_squeeze %dma_start3A_1031 : memref<1x64x4x128xf32, #tpu.memory_space<vmem>> -> memref<64x4x128xf32, #tpu.memory_space<vmem>>
    %dma_start3A_1033 = arith.constant 0 : i32
    %dma_start3A_1034 = arith.constant 0 : i32
    %dma_start3A_1035 = tpu.memref_slice %arg3[%add3A_1026, %dma_start3A_1033, %dma_start3A_1034] : memref<16384x4x128xf32, #tpu.memory_space<hbm>> -> memref<64x4x128xf32, #tpu.memory_space<hbm>>
    %dma_start3A_1036 = arith.constant 0 : i32
    %dma_start3A_1037 = arith.constant 0 : i32
    %dma_start3A_1038 = tpu.memref_slice %arg3[%add3A_1026, %dma_start3A_1036, %dma_start3A_1037] : memref<16384x4x128xf32, #tpu.memory_space<hbm>> -> memref<64x4x128xf32, #tpu.memory_space<hbm>>
    %dma_start3A_1039 = arith.constant 0 : i32
    %dma_start3A_1040 = arith.constant 0 : i32
    %dma_start3A_1041 = arith.constant 0 : i32
    %dma_start3A_1042 = tpu.memref_slice %arg4[%dma_start3A_1027, %dma_start3A_1039, %dma_start3A_1040, %dma_start3A_1041] : memref<3x64x4x128xf32, #tpu.memory_space<vmem>> -> memref<1x64x4x128xf32, #tpu.memory_space<vmem>>
    %dma_start3A_1043 = tpu.memref_squeeze %dma_start3A_1042 : memref<1x64x4x128xf32, #tpu.memory_space<vmem>> -> memref<64x4x128xf32, #tpu.memory_space<vmem>>
    tpu.enqueue_dma source(%dma_start3A_1043 : memref<64x4x128xf32, #tpu.memory_space<vmem>>) target(%dma_start3A_1038 : memref<64x4x128xf32, #tpu.memory_space<hbm>>) target_semaphore(%arg7 : memref<!tpu.dma_semaphore, #tpu.memory_space<semaphore_mem>>)
    %dma_wait3A_1044 = arith.constant 0 : i32
    %dma_wait3A_1045 = arith.constant 0 : i32
    %dma_wait3A_1046 = arith.constant 0 : i32
    %dma_wait3A_1047 = arith.constant 0 : i32
    %dma_wait3A_1048 = tpu.memref_slice %arg3[%dma_wait3A_1045, %dma_wait3A_1046, %dma_wait3A_1047] : memref<16384x4x128xf32, #tpu.memory_space<hbm>> -> memref<32x4x128xf32, #tpu.memory_space<hbm>>
    %dma_wait3A_1049 = arith.constant 0 : i32
    %dma_wait3A_1050 = arith.constant 0 : i32
    %dma_wait3A_1051 = arith.constant 0 : i32
    %dma_wait3A_1052 = tpu.memref_slice %arg5[%arg1, %dma_wait3A_1044, %dma_wait3A_1049, %dma_wait3A_1050, %dma_wait3A_1051] : memref<16x2x32x4x128xf32, #tpu.memory_space<vmem_shared>> -> memref<1x1x32x4x128xf32, #tpu.memory_space<vmem_shared>>
    %dma_wait3A_1053 = tpu.memref_squeeze %dma_wait3A_1052 : memref<1x1x32x4x128xf32, #tpu.memory_space<vmem_shared>> -> memref<32x4x128xf32, #tpu.memory_space<vmem_shared>>
    tpu.wait_dma2 semaphore(%arg9 : memref<!tpu.dma_semaphore, #tpu.memory_space<semaphore_mem>>) src(%dma_wait3A_1053 : memref<32x4x128xf32, #tpu.memory_space<vmem_shared>>) dst(%dma_wait3A_1048 : memref<32x4x128xf32, #tpu.memory_space<hbm>>)
    %dma_wait3A_1054 = arith.constant 0 : i32
    %dma_wait3A_1055 = arith.constant 0 : i32
    %dma_wait3A_1056 = arith.constant 0 : i32
    %dma_wait3A_1057 = arith.constant 0 : i32
    %dma_wait3A_1058 = tpu.memref_slice %arg3[%dma_wait3A_1055, %dma_wait3A_1056, %dma_wait3A_1057] : memref<16384x4x128xf32, #tpu.memory_space<hbm>> -> memref<32x4x128xf32, #tpu.memory_space<hbm>>
    %dma_wait3A_1059 = arith.constant 0 : i32
    %dma_wait3A_1060 = arith.constant 0 : i32
    %dma_wait3A_1061 = arith.constant 0 : i32
    %dma_wait3A_1062 = tpu.memref_slice %arg5[%arg1, %dma_wait3A_1054, %dma_wait3A_1059, %dma_wait3A_1060, %dma_wait3A_1061] : memref<16x2x32x4x128xf32, #tpu.memory_space<vmem_shared>> -> memref<1x1x32x4x128xf32, #tpu.memory_space<vmem_shared>>
    %dma_wait3A_1063 = tpu.memref_squeeze %dma_wait3A_1062 : memref<1x1x32x4x128xf32, #tpu.memory_space<vmem_shared>> -> memref<32x4x128xf32, #tpu.memory_space<vmem_shared>>
    tpu.wait_dma2 semaphore(%arg9 : memref<!tpu.dma_semaphore, #tpu.memory_space<semaphore_mem>>) src(%dma_wait3A_1063 : memref<32x4x128xf32, #tpu.memory_space<vmem_shared>>) dst(%dma_wait3A_1058 : memref<32x4x128xf32, #tpu.memory_space<hbm>>)
    %add3A_1064 = arith.constant 384 : i32
    %add3A_1065 = arith.addi %mul3A_2, %add3A_1064 : i32
    %add3A_1066 = arith.constant 64 : i32
    %add3A_1067 = arith.addi %add3A_1065, %add3A_1066 : i32
    %dma_start3A_1068 = arith.constant 0 : i32
    %dma_start3A_1069 = arith.constant 0 : i32
    %dma_start3A_1070 = arith.constant 0 : i32
    %dma_start3A_1071 = arith.constant 0 : i32
    %dma_start3A_1072 = tpu.memref_slice %arg5[%arg1, %dma_start3A_1068, %dma_start3A_1069, %dma_start3A_1070, %dma_start3A_1071] : memref<16x2x32x4x128xf32, #tpu.memory_space<vmem_shared>> -> memref<1x1x32x1x128xf32, #tpu.memory_space<vmem_shared>>
    %dma_start3A_1073 = tpu.memref_squeeze %dma_start3A_1072 : memref<1x1x32x1x128xf32, #tpu.memory_space<vmem_shared>> -> memref<32x1x128xf32, #tpu.memory_space<vmem_shared>>
    %dma_start3A_1074 = arith.constant 7 : i32
    %dma_start3A_1075 = arith.constant 0 : i32
    %dma_start3A_1076 = tpu.memref_slice %arg2[%add3A_1067, %dma_start3A_1074, %dma_start3A_1075] : memref<16384x8x128xf32, #tpu.memory_space<hbm>> -> memref<32x1x128xf32, #tpu.memory_space<hbm>>
    tpu.enqueue_dma source(%dma_start3A_1076 : memref<32x1x128xf32, #tpu.memory_space<hbm>>) target(%dma_start3A_1073 : memref<32x1x128xf32, #tpu.memory_space<vmem_shared>>) target_semaphore(%arg8 : memref<!tpu.dma_semaphore, #tpu.memory_space<semaphore_mem>>)
    %dma_start3A_1077 = arith.constant 0 : i32
    %dma_start3A_1078 = arith.constant 0 : i32
    %dma_start3A_1079 = arith.constant 1 : i32
    %dma_start3A_1080 = arith.constant 0 : i32
    %dma_start3A_1081 = tpu.memref_slice %arg5[%arg1, %dma_start3A_1077, %dma_start3A_1078, %dma_start3A_1079, %dma_start3A_1080] : memref<16x2x32x4x128xf32, #tpu.memory_space<vmem_shared>> -> memref<1x1x32x1x128xf32, #tpu.memory_space<vmem_shared>>
    %dma_start3A_1082 = tpu.memref_squeeze %dma_start3A_1081 : memref<1x1x32x1x128xf32, #tpu.memory_space<vmem_shared>> -> memref<32x1x128xf32, #tpu.memory_space<vmem_shared>>
    %dma_start3A_1083 = arith.constant 4 : i32
    %dma_start3A_1084 = arith.constant 0 : i32
    %dma_start3A_1085 = tpu.memref_slice %arg2[%add3A_1067, %dma_start3A_1083, %dma_start3A_1084] : memref<16384x8x128xf32, #tpu.memory_space<hbm>> -> memref<32x1x128xf32, #tpu.memory_space<hbm>>
    tpu.enqueue_dma source(%dma_start3A_1085 : memref<32x1x128xf32, #tpu.memory_space<hbm>>) target(%dma_start3A_1082 : memref<32x1x128xf32, #tpu.memory_space<vmem_shared>>) target_semaphore(%arg8 : memref<!tpu.dma_semaphore, #tpu.memory_space<semaphore_mem>>)
    %dma_start3A_1086 = arith.constant 0 : i32
    %dma_start3A_1087 = arith.constant 0 : i32
    %dma_start3A_1088 = arith.constant 2 : i32
    %dma_start3A_1089 = arith.constant 0 : i32
    %dma_start3A_1090 = tpu.memref_slice %arg5[%arg1, %dma_start3A_1086, %dma_start3A_1087, %dma_start3A_1088, %dma_start3A_1089] : memref<16x2x32x4x128xf32, #tpu.memory_space<vmem_shared>> -> memref<1x1x32x1x128xf32, #tpu.memory_space<vmem_shared>>
    %dma_start3A_1091 = tpu.memref_squeeze %dma_start3A_1090 : memref<1x1x32x1x128xf32, #tpu.memory_space<vmem_shared>> -> memref<32x1x128xf32, #tpu.memory_space<vmem_shared>>
    %dma_start3A_1092 = arith.constant 2 : i32
    %dma_start3A_1093 = arith.constant 0 : i32
    %dma_start3A_1094 = tpu.memref_slice %arg2[%add3A_1067, %dma_start3A_1092, %dma_start3A_1093] : memref<16384x8x128xf32, #tpu.memory_space<hbm>> -> memref<32x1x128xf32, #tpu.memory_space<hbm>>
    tpu.enqueue_dma source(%dma_start3A_1094 : memref<32x1x128xf32, #tpu.memory_space<hbm>>) target(%dma_start3A_1091 : memref<32x1x128xf32, #tpu.memory_space<vmem_shared>>) target_semaphore(%arg8 : memref<!tpu.dma_semaphore, #tpu.memory_space<semaphore_mem>>)
    %dma_start3A_1095 = arith.constant 0 : i32
    %dma_start3A_1096 = arith.constant 0 : i32
    %dma_start3A_1097 = arith.constant 3 : i32
    %dma_start3A_1098 = arith.constant 0 : i32
    %dma_start3A_1099 = tpu.memref_slice %arg5[%arg1, %dma_start3A_1095, %dma_start3A_1096, %dma_start3A_1097, %dma_start3A_1098] : memref<16x2x32x4x128xf32, #tpu.memory_space<vmem_shared>> -> memref<1x1x32x1x128xf32, #tpu.memory_space<vmem_shared>>
    %dma_start3A_1100 = tpu.memref_squeeze %dma_start3A_1099 : memref<1x1x32x1x128xf32, #tpu.memory_space<vmem_shared>> -> memref<32x1x128xf32, #tpu.memory_space<vmem_shared>>
    %dma_start3A_1101 = arith.constant 5 : i32
    %dma_start3A_1102 = arith.constant 0 : i32
    %dma_start3A_1103 = tpu.memref_slice %arg2[%add3A_1067, %dma_start3A_1101, %dma_start3A_1102] : memref<16384x8x128xf32, #tpu.memory_space<hbm>> -> memref<32x1x128xf32, #tpu.memory_space<hbm>>
    tpu.enqueue_dma source(%dma_start3A_1103 : memref<32x1x128xf32, #tpu.memory_space<hbm>>) target(%dma_start3A_1100 : memref<32x1x128xf32, #tpu.memory_space<vmem_shared>>) target_semaphore(%arg8 : memref<!tpu.dma_semaphore, #tpu.memory_space<semaphore_mem>>)
    %add3A_1104 = arith.constant 384 : i32
    %add3A_1105 = arith.addi %mul3A_2, %add3A_1104 : i32
    %add3A_1106 = arith.constant 96 : i32
    %add3A_1107 = arith.addi %add3A_1105, %add3A_1106 : i32
    %dma_start3A_1108 = arith.constant 1 : i32
    %dma_start3A_1109 = arith.constant 0 : i32
    %dma_start3A_1110 = arith.constant 0 : i32
    %dma_start3A_1111 = arith.constant 0 : i32
    %dma_start3A_1112 = tpu.memref_slice %arg5[%arg1, %dma_start3A_1108, %dma_start3A_1109, %dma_start3A_1110, %dma_start3A_1111] : memref<16x2x32x4x128xf32, #tpu.memory_space<vmem_shared>> -> memref<1x1x32x1x128xf32, #tpu.memory_space<vmem_shared>>
    %dma_start3A_1113 = tpu.memref_squeeze %dma_start3A_1112 : memref<1x1x32x1x128xf32, #tpu.memory_space<vmem_shared>> -> memref<32x1x128xf32, #tpu.memory_space<vmem_shared>>
    %dma_start3A_1114 = arith.constant 7 : i32
    %dma_start3A_1115 = arith.constant 0 : i32
    %dma_start3A_1116 = tpu.memref_slice %arg2[%add3A_1107, %dma_start3A_1114, %dma_start3A_1115] : memref<16384x8x128xf32, #tpu.memory_space<hbm>> -> memref<32x1x128xf32, #tpu.memory_space<hbm>>
    tpu.enqueue_dma source(%dma_start3A_1116 : memref<32x1x128xf32, #tpu.memory_space<hbm>>) target(%dma_start3A_1113 : memref<32x1x128xf32, #tpu.memory_space<vmem_shared>>) target_semaphore(%arg8 : memref<!tpu.dma_semaphore, #tpu.memory_space<semaphore_mem>>)
    %dma_start3A_1117 = arith.constant 1 : i32
    %dma_start3A_1118 = arith.constant 0 : i32
    %dma_start3A_1119 = arith.constant 1 : i32
    %dma_start3A_1120 = arith.constant 0 : i32
    %dma_start3A_1121 = tpu.memref_slice %arg5[%arg1, %dma_start3A_1117, %dma_start3A_1118, %dma_start3A_1119, %dma_start3A_1120] : memref<16x2x32x4x128xf32, #tpu.memory_space<vmem_shared>> -> memref<1x1x32x1x128xf32, #tpu.memory_space<vmem_shared>>
    %dma_start3A_1122 = tpu.memref_squeeze %dma_start3A_1121 : memref<1x1x32x1x128xf32, #tpu.memory_space<vmem_shared>> -> memref<32x1x128xf32, #tpu.memory_space<vmem_shared>>
    %dma_start3A_1123 = arith.constant 4 : i32
    %dma_start3A_1124 = arith.constant 0 : i32
    %dma_start3A_1125 = tpu.memref_slice %arg2[%add3A_1107, %dma_start3A_1123, %dma_start3A_1124] : memref<16384x8x128xf32, #tpu.memory_space<hbm>> -> memref<32x1x128xf32, #tpu.memory_space<hbm>>
    tpu.enqueue_dma source(%dma_start3A_1125 : memref<32x1x128xf32, #tpu.memory_space<hbm>>) target(%dma_start3A_1122 : memref<32x1x128xf32, #tpu.memory_space<vmem_shared>>) target_semaphore(%arg8 : memref<!tpu.dma_semaphore, #tpu.memory_space<semaphore_mem>>)
    %dma_start3A_1126 = arith.constant 1 : i32
    %dma_start3A_1127 = arith.constant 0 : i32
    %dma_start3A_1128 = arith.constant 2 : i32
    %dma_start3A_1129 = arith.constant 0 : i32
    %dma_start3A_1130 = tpu.memref_slice %arg5[%arg1, %dma_start3A_1126, %dma_start3A_1127, %dma_start3A_1128, %dma_start3A_1129] : memref<16x2x32x4x128xf32, #tpu.memory_space<vmem_shared>> -> memref<1x1x32x1x128xf32, #tpu.memory_space<vmem_shared>>
    %dma_start3A_1131 = tpu.memref_squeeze %dma_start3A_1130 : memref<1x1x32x1x128xf32, #tpu.memory_space<vmem_shared>> -> memref<32x1x128xf32, #tpu.memory_space<vmem_shared>>
    %dma_start3A_1132 = arith.constant 2 : i32
    %dma_start3A_1133 = arith.constant 0 : i32
    %dma_start3A_1134 = tpu.memref_slice %arg2[%add3A_1107, %dma_start3A_1132, %dma_start3A_1133] : memref<16384x8x128xf32, #tpu.memory_space<hbm>> -> memref<32x1x128xf32, #tpu.memory_space<hbm>>
    tpu.enqueue_dma source(%dma_start3A_1134 : memref<32x1x128xf32, #tpu.memory_space<hbm>>) target(%dma_start3A_1131 : memref<32x1x128xf32, #tpu.memory_space<vmem_shared>>) target_semaphore(%arg8 : memref<!tpu.dma_semaphore, #tpu.memory_space<semaphore_mem>>)
    %dma_start3A_1135 = arith.constant 1 : i32
    %dma_start3A_1136 = arith.constant 0 : i32
    %dma_start3A_1137 = arith.constant 3 : i32
    %dma_start3A_1138 = arith.constant 0 : i32
    %dma_start3A_1139 = tpu.memref_slice %arg5[%arg1, %dma_start3A_1135, %dma_start3A_1136, %dma_start3A_1137, %dma_start3A_1138] : memref<16x2x32x4x128xf32, #tpu.memory_space<vmem_shared>> -> memref<1x1x32x1x128xf32, #tpu.memory_space<vmem_shared>>
    %dma_start3A_1140 = tpu.memref_squeeze %dma_start3A_1139 : memref<1x1x32x1x128xf32, #tpu.memory_space<vmem_shared>> -> memref<32x1x128xf32, #tpu.memory_space<vmem_shared>>
    %dma_start3A_1141 = arith.constant 5 : i32
    %dma_start3A_1142 = arith.constant 0 : i32
    %dma_start3A_1143 = tpu.memref_slice %arg2[%add3A_1107, %dma_start3A_1141, %dma_start3A_1142] : memref<16384x8x128xf32, #tpu.memory_space<hbm>> -> memref<32x1x128xf32, #tpu.memory_space<hbm>>
    tpu.enqueue_dma source(%dma_start3A_1143 : memref<32x1x128xf32, #tpu.memory_space<hbm>>) target(%dma_start3A_1140 : memref<32x1x128xf32, #tpu.memory_space<vmem_shared>>) target_semaphore(%arg8 : memref<!tpu.dma_semaphore, #tpu.memory_space<semaphore_mem>>)
    %dma_wait3A_1144 = arith.constant 0 : i32
    %dma_wait3A_1145 = arith.constant 0 : i32
    %dma_wait3A_1146 = arith.constant 0 : i32
    %dma_wait3A_1147 = arith.constant 0 : i32
    %dma_wait3A_1148 = tpu.memref_slice %arg4[%dma_wait3A_1144, %dma_wait3A_1145, %dma_wait3A_1146, %dma_wait3A_1147] : memref<3x64x4x128xf32, #tpu.memory_space<vmem>> -> memref<1x64x1x128xf32, #tpu.memory_space<vmem>>
    %dma_wait3A_1149 = tpu.memref_squeeze %dma_wait3A_1148 : memref<1x64x1x128xf32, #tpu.memory_space<vmem>> -> memref<64x1x128xf32, #tpu.memory_space<vmem>>
    %dma_wait3A_1150 = arith.constant 0 : i32
    %dma_wait3A_1151 = arith.constant 0 : i32
    %dma_wait3A_1152 = arith.constant 0 : i32
    %dma_wait3A_1153 = tpu.memref_slice %arg2[%dma_wait3A_1150, %dma_wait3A_1151, %dma_wait3A_1152] : memref<16384x8x128xf32, #tpu.memory_space<hbm>> -> memref<64x1x128xf32, #tpu.memory_space<hbm>>
    %dma_wait3A_1154 = arith.constant 0 : i32
    %dma_wait3A_1155 = arith.constant 0 : i32
    %dma_wait3A_1156 = arith.constant 0 : i32
    %dma_wait3A_1157 = tpu.memref_slice %arg4[%dma_wait3A_1144, %dma_wait3A_1154, %dma_wait3A_1155, %dma_wait3A_1156] : memref<3x64x4x128xf32, #tpu.memory_space<vmem>> -> memref<1x64x1x128xf32, #tpu.memory_space<vmem>>
    %dma_wait3A_1158 = tpu.memref_squeeze %dma_wait3A_1157 : memref<1x64x1x128xf32, #tpu.memory_space<vmem>> -> memref<64x1x128xf32, #tpu.memory_space<vmem>>
    %dma_wait3A_1159 = arith.constant 0 : i32
    %dma_wait3A_1160 = arith.constant 0 : i32
    %dma_wait3A_1161 = arith.constant 0 : i32
    %dma_wait3A_1162 = tpu.memref_slice %arg2[%dma_wait3A_1159, %dma_wait3A_1160, %dma_wait3A_1161] : memref<16384x8x128xf32, #tpu.memory_space<hbm>> -> memref<64x1x128xf32, #tpu.memory_space<hbm>>
    tpu.wait_dma2 semaphore(%arg6 : memref<!tpu.dma_semaphore, #tpu.memory_space<semaphore_mem>>) src(%dma_wait3A_1162 : memref<64x1x128xf32, #tpu.memory_space<hbm>>) dst(%dma_wait3A_1158 : memref<64x1x128xf32, #tpu.memory_space<vmem>>)
    %dma_wait3A_1163 = arith.constant 0 : i32
    %dma_wait3A_1164 = arith.constant 0 : i32
    %dma_wait3A_1165 = arith.constant 0 : i32
    %dma_wait3A_1166 = arith.constant 0 : i32
    %dma_wait3A_1167 = tpu.memref_slice %arg4[%dma_wait3A_1163, %dma_wait3A_1164, %dma_wait3A_1165, %dma_wait3A_1166] : memref<3x64x4x128xf32, #tpu.memory_space<vmem>> -> memref<1x64x1x128xf32, #tpu.memory_space<vmem>>
    %dma_wait3A_1168 = tpu.memref_squeeze %dma_wait3A_1167 : memref<1x64x1x128xf32, #tpu.memory_space<vmem>> -> memref<64x1x128xf32, #tpu.memory_space<vmem>>
    %dma_wait3A_1169 = arith.constant 0 : i32
    %dma_wait3A_1170 = arith.constant 0 : i32
    %dma_wait3A_1171 = arith.constant 0 : i32
    %dma_wait3A_1172 = tpu.memref_slice %arg2[%dma_wait3A_1169, %dma_wait3A_1170, %dma_wait3A_1171] : memref<16384x8x128xf32, #tpu.memory_space<hbm>> -> memref<64x1x128xf32, #tpu.memory_space<hbm>>
    %dma_wait3A_1173 = arith.constant 0 : i32
    %dma_wait3A_1174 = arith.constant 0 : i32
    %dma_wait3A_1175 = arith.constant 0 : i32
    %dma_wait3A_1176 = tpu.memref_slice %arg4[%dma_wait3A_1163, %dma_wait3A_1173, %dma_wait3A_1174, %dma_wait3A_1175] : memref<3x64x4x128xf32, #tpu.memory_space<vmem>> -> memref<1x64x1x128xf32, #tpu.memory_space<vmem>>
    %dma_wait3A_1177 = tpu.memref_squeeze %dma_wait3A_1176 : memref<1x64x1x128xf32, #tpu.memory_space<vmem>> -> memref<64x1x128xf32, #tpu.memory_space<vmem>>
    %dma_wait3A_1178 = arith.constant 0 : i32
    %dma_wait3A_1179 = arith.constant 0 : i32
    %dma_wait3A_1180 = arith.constant 0 : i32
    %dma_wait3A_1181 = tpu.memref_slice %arg2[%dma_wait3A_1178, %dma_wait3A_1179, %dma_wait3A_1180] : memref<16384x8x128xf32, #tpu.memory_space<hbm>> -> memref<64x1x128xf32, #tpu.memory_space<hbm>>
    tpu.wait_dma2 semaphore(%arg6 : memref<!tpu.dma_semaphore, #tpu.memory_space<semaphore_mem>>) src(%dma_wait3A_1181 : memref<64x1x128xf32, #tpu.memory_space<hbm>>) dst(%dma_wait3A_1177 : memref<64x1x128xf32, #tpu.memory_space<vmem>>)
    %dma_wait3A_1182 = arith.constant 0 : i32
    %dma_wait3A_1183 = arith.constant 0 : i32
    %dma_wait3A_1184 = arith.constant 0 : i32
    %dma_wait3A_1185 = arith.constant 0 : i32
    %dma_wait3A_1186 = tpu.memref_slice %arg4[%dma_wait3A_1182, %dma_wait3A_1183, %dma_wait3A_1184, %dma_wait3A_1185] : memref<3x64x4x128xf32, #tpu.memory_space<vmem>> -> memref<1x64x1x128xf32, #tpu.memory_space<vmem>>
    %dma_wait3A_1187 = tpu.memref_squeeze %dma_wait3A_1186 : memref<1x64x1x128xf32, #tpu.memory_space<vmem>> -> memref<64x1x128xf32, #tpu.memory_space<vmem>>
    %dma_wait3A_1188 = arith.constant 0 : i32
    %dma_wait3A_1189 = arith.constant 0 : i32
    %dma_wait3A_1190 = arith.constant 0 : i32
    %dma_wait3A_1191 = tpu.memref_slice %arg2[%dma_wait3A_1188, %dma_wait3A_1189, %dma_wait3A_1190] : memref<16384x8x128xf32, #tpu.memory_space<hbm>> -> memref<64x1x128xf32, #tpu.memory_space<hbm>>
    %dma_wait3A_1192 = arith.constant 0 : i32
    %dma_wait3A_1193 = arith.constant 0 : i32
    %dma_wait3A_1194 = arith.constant 0 : i32
    %dma_wait3A_1195 = tpu.memref_slice %arg4[%dma_wait3A_1182, %dma_wait3A_1192, %dma_wait3A_1193, %dma_wait3A_1194] : memref<3x64x4x128xf32, #tpu.memory_space<vmem>> -> memref<1x64x1x128xf32, #tpu.memory_space<vmem>>
    %dma_wait3A_1196 = tpu.memref_squeeze %dma_wait3A_1195 : memref<1x64x1x128xf32, #tpu.memory_space<vmem>> -> memref<64x1x128xf32, #tpu.memory_space<vmem>>
    %dma_wait3A_1197 = arith.constant 0 : i32
    %dma_wait3A_1198 = arith.constant 0 : i32
    %dma_wait3A_1199 = arith.constant 0 : i32
    %dma_wait3A_1200 = tpu.memref_slice %arg2[%dma_wait3A_1197, %dma_wait3A_1198, %dma_wait3A_1199] : memref<16384x8x128xf32, #tpu.memory_space<hbm>> -> memref<64x1x128xf32, #tpu.memory_space<hbm>>
    tpu.wait_dma2 semaphore(%arg6 : memref<!tpu.dma_semaphore, #tpu.memory_space<semaphore_mem>>) src(%dma_wait3A_1200 : memref<64x1x128xf32, #tpu.memory_space<hbm>>) dst(%dma_wait3A_1196 : memref<64x1x128xf32, #tpu.memory_space<vmem>>)
    %dma_wait3A_1201 = arith.constant 0 : i32
    %dma_wait3A_1202 = arith.constant 0 : i32
    %dma_wait3A_1203 = arith.constant 0 : i32
    %dma_wait3A_1204 = arith.constant 0 : i32
    %dma_wait3A_1205 = tpu.memref_slice %arg4[%dma_wait3A_1201, %dma_wait3A_1202, %dma_wait3A_1203, %dma_wait3A_1204] : memref<3x64x4x128xf32, #tpu.memory_space<vmem>> -> memref<1x64x1x128xf32, #tpu.memory_space<vmem>>
    %dma_wait3A_1206 = tpu.memref_squeeze %dma_wait3A_1205 : memref<1x64x1x128xf32, #tpu.memory_space<vmem>> -> memref<64x1x128xf32, #tpu.memory_space<vmem>>
    %dma_wait3A_1207 = arith.constant 0 : i32
    %dma_wait3A_1208 = arith.constant 0 : i32
    %dma_wait3A_1209 = arith.constant 0 : i32
    %dma_wait3A_1210 = tpu.memref_slice %arg2[%dma_wait3A_1207, %dma_wait3A_1208, %dma_wait3A_1209] : memref<16384x8x128xf32, #tpu.memory_space<hbm>> -> memref<64x1x128xf32, #tpu.memory_space<hbm>>
    %dma_wait3A_1211 = arith.constant 0 : i32
    %dma_wait3A_1212 = arith.constant 0 : i32
    %dma_wait3A_1213 = arith.constant 0 : i32
    %dma_wait3A_1214 = tpu.memref_slice %arg4[%dma_wait3A_1201, %dma_wait3A_1211, %dma_wait3A_1212, %dma_wait3A_1213] : memref<3x64x4x128xf32, #tpu.memory_space<vmem>> -> memref<1x64x1x128xf32, #tpu.memory_space<vmem>>
    %dma_wait3A_1215 = tpu.memref_squeeze %dma_wait3A_1214 : memref<1x64x1x128xf32, #tpu.memory_space<vmem>> -> memref<64x1x128xf32, #tpu.memory_space<vmem>>
    %dma_wait3A_1216 = arith.constant 0 : i32
    %dma_wait3A_1217 = arith.constant 0 : i32
    %dma_wait3A_1218 = arith.constant 0 : i32
    %dma_wait3A_1219 = tpu.memref_slice %arg2[%dma_wait3A_1216, %dma_wait3A_1217, %dma_wait3A_1218] : memref<16384x8x128xf32, #tpu.memory_space<hbm>> -> memref<64x1x128xf32, #tpu.memory_space<hbm>>
    tpu.wait_dma2 semaphore(%arg6 : memref<!tpu.dma_semaphore, #tpu.memory_space<semaphore_mem>>) src(%dma_wait3A_1219 : memref<64x1x128xf32, #tpu.memory_space<hbm>>) dst(%dma_wait3A_1215 : memref<64x1x128xf32, #tpu.memory_space<vmem>>)
    %add3A_1220 = arith.constant 256 : i32
    %add3A_1221 = arith.addi %mul3A_2, %add3A_1220 : i32
    %dma_start3A_1222 = arith.constant 1 : i32
    %dma_start3A_1223 = arith.constant 0 : i32
    %dma_start3A_1224 = arith.constant 0 : i32
    %dma_start3A_1225 = arith.constant 0 : i32
    %dma_start3A_1226 = tpu.memref_slice %arg4[%dma_start3A_1222, %dma_start3A_1223, %dma_start3A_1224, %dma_start3A_1225] : memref<3x64x4x128xf32, #tpu.memory_space<vmem>> -> memref<1x64x4x128xf32, #tpu.memory_space<vmem>>
    %dma_start3A_1227 = tpu.memref_squeeze %dma_start3A_1226 : memref<1x64x4x128xf32, #tpu.memory_space<vmem>> -> memref<64x4x128xf32, #tpu.memory_space<vmem>>
    %dma_start3A_1228 = arith.constant 0 : i32
    %dma_start3A_1229 = arith.constant 0 : i32
    %dma_start3A_1230 = tpu.memref_slice %arg3[%add3A_1221, %dma_start3A_1228, %dma_start3A_1229] : memref<16384x4x128xf32, #tpu.memory_space<hbm>> -> memref<64x4x128xf32, #tpu.memory_space<hbm>>
    %dma_start3A_1231 = arith.constant 0 : i32
    %dma_start3A_1232 = arith.constant 0 : i32
    %dma_start3A_1233 = tpu.memref_slice %arg3[%add3A_1221, %dma_start3A_1231, %dma_start3A_1232] : memref<16384x4x128xf32, #tpu.memory_space<hbm>> -> memref<64x4x128xf32, #tpu.memory_space<hbm>>
    %dma_start3A_1234 = arith.constant 0 : i32
    %dma_start3A_1235 = arith.constant 0 : i32
    %dma_start3A_1236 = arith.constant 0 : i32
    %dma_start3A_1237 = tpu.memref_slice %arg4[%dma_start3A_1222, %dma_start3A_1234, %dma_start3A_1235, %dma_start3A_1236] : memref<3x64x4x128xf32, #tpu.memory_space<vmem>> -> memref<1x64x4x128xf32, #tpu.memory_space<vmem>>
    %dma_start3A_1238 = tpu.memref_squeeze %dma_start3A_1237 : memref<1x64x4x128xf32, #tpu.memory_space<vmem>> -> memref<64x4x128xf32, #tpu.memory_space<vmem>>
    tpu.enqueue_dma source(%dma_start3A_1238 : memref<64x4x128xf32, #tpu.memory_space<vmem>>) target(%dma_start3A_1233 : memref<64x4x128xf32, #tpu.memory_space<hbm>>) target_semaphore(%arg7 : memref<!tpu.dma_semaphore, #tpu.memory_space<semaphore_mem>>)
    %dma_wait3A_1239 = arith.constant 0 : i32
    %dma_wait3A_1240 = arith.constant 0 : i32
    %dma_wait3A_1241 = arith.constant 0 : i32
    %dma_wait3A_1242 = arith.constant 0 : i32
    %dma_wait3A_1243 = tpu.memref_slice %arg4[%dma_wait3A_1239, %dma_wait3A_1240, %dma_wait3A_1241, %dma_wait3A_1242] : memref<3x64x4x128xf32, #tpu.memory_space<vmem>> -> memref<1x64x1x128xf32, #tpu.memory_space<vmem>>
    %dma_wait3A_1244 = tpu.memref_squeeze %dma_wait3A_1243 : memref<1x64x1x128xf32, #tpu.memory_space<vmem>> -> memref<64x1x128xf32, #tpu.memory_space<vmem>>
    %dma_wait3A_1245 = arith.constant 0 : i32
    %dma_wait3A_1246 = arith.constant 0 : i32
    %dma_wait3A_1247 = arith.constant 0 : i32
    %dma_wait3A_1248 = tpu.memref_slice %arg2[%dma_wait3A_1245, %dma_wait3A_1246, %dma_wait3A_1247] : memref<16384x8x128xf32, #tpu.memory_space<hbm>> -> memref<64x1x128xf32, #tpu.memory_space<hbm>>
    %dma_wait3A_1249 = arith.constant 0 : i32
    %dma_wait3A_1250 = arith.constant 0 : i32
    %dma_wait3A_1251 = arith.constant 0 : i32
    %dma_wait3A_1252 = tpu.memref_slice %arg4[%dma_wait3A_1239, %dma_wait3A_1249, %dma_wait3A_1250, %dma_wait3A_1251] : memref<3x64x4x128xf32, #tpu.memory_space<vmem>> -> memref<1x64x1x128xf32, #tpu.memory_space<vmem>>
    %dma_wait3A_1253 = tpu.memref_squeeze %dma_wait3A_1252 : memref<1x64x1x128xf32, #tpu.memory_space<vmem>> -> memref<64x1x128xf32, #tpu.memory_space<vmem>>
    %dma_wait3A_1254 = arith.constant 0 : i32
    %dma_wait3A_1255 = arith.constant 0 : i32
    %dma_wait3A_1256 = arith.constant 0 : i32
    %dma_wait3A_1257 = tpu.memref_slice %arg2[%dma_wait3A_1254, %dma_wait3A_1255, %dma_wait3A_1256] : memref<16384x8x128xf32, #tpu.memory_space<hbm>> -> memref<64x1x128xf32, #tpu.memory_space<hbm>>
    tpu.wait_dma2 semaphore(%arg6 : memref<!tpu.dma_semaphore, #tpu.memory_space<semaphore_mem>>) src(%dma_wait3A_1257 : memref<64x1x128xf32, #tpu.memory_space<hbm>>) dst(%dma_wait3A_1253 : memref<64x1x128xf32, #tpu.memory_space<vmem>>)
    %dma_wait3A_1258 = arith.constant 0 : i32
    %dma_wait3A_1259 = arith.constant 0 : i32
    %dma_wait3A_1260 = arith.constant 0 : i32
    %dma_wait3A_1261 = arith.constant 0 : i32
    %dma_wait3A_1262 = tpu.memref_slice %arg4[%dma_wait3A_1258, %dma_wait3A_1259, %dma_wait3A_1260, %dma_wait3A_1261] : memref<3x64x4x128xf32, #tpu.memory_space<vmem>> -> memref<1x64x1x128xf32, #tpu.memory_space<vmem>>
    %dma_wait3A_1263 = tpu.memref_squeeze %dma_wait3A_1262 : memref<1x64x1x128xf32, #tpu.memory_space<vmem>> -> memref<64x1x128xf32, #tpu.memory_space<vmem>>
    %dma_wait3A_1264 = arith.constant 0 : i32
    %dma_wait3A_1265 = arith.constant 0 : i32
    %dma_wait3A_1266 = arith.constant 0 : i32
    %dma_wait3A_1267 = tpu.memref_slice %arg2[%dma_wait3A_1264, %dma_wait3A_1265, %dma_wait3A_1266] : memref<16384x8x128xf32, #tpu.memory_space<hbm>> -> memref<64x1x128xf32, #tpu.memory_space<hbm>>
    %dma_wait3A_1268 = arith.constant 0 : i32
    %dma_wait3A_1269 = arith.constant 0 : i32
    %dma_wait3A_1270 = arith.constant 0 : i32
    %dma_wait3A_1271 = tpu.memref_slice %arg4[%dma_wait3A_1258, %dma_wait3A_1268, %dma_wait3A_1269, %dma_wait3A_1270] : memref<3x64x4x128xf32, #tpu.memory_space<vmem>> -> memref<1x64x1x128xf32, #tpu.memory_space<vmem>>
    %dma_wait3A_1272 = tpu.memref_squeeze %dma_wait3A_1271 : memref<1x64x1x128xf32, #tpu.memory_space<vmem>> -> memref<64x1x128xf32, #tpu.memory_space<vmem>>
    %dma_wait3A_1273 = arith.constant 0 : i32
    %dma_wait3A_1274 = arith.constant 0 : i32
    %dma_wait3A_1275 = arith.constant 0 : i32
    %dma_wait3A_1276 = tpu.memref_slice %arg2[%dma_wait3A_1273, %dma_wait3A_1274, %dma_wait3A_1275] : memref<16384x8x128xf32, #tpu.memory_space<hbm>> -> memref<64x1x128xf32, #tpu.memory_space<hbm>>
    tpu.wait_dma2 semaphore(%arg6 : memref<!tpu.dma_semaphore, #tpu.memory_space<semaphore_mem>>) src(%dma_wait3A_1276 : memref<64x1x128xf32, #tpu.memory_space<hbm>>) dst(%dma_wait3A_1272 : memref<64x1x128xf32, #tpu.memory_space<vmem>>)
    %dma_wait3A_1277 = arith.constant 0 : i32
    %dma_wait3A_1278 = arith.constant 0 : i32
    %dma_wait3A_1279 = arith.constant 0 : i32
    %dma_wait3A_1280 = arith.constant 0 : i32
    %dma_wait3A_1281 = tpu.memref_slice %arg4[%dma_wait3A_1277, %dma_wait3A_1278, %dma_wait3A_1279, %dma_wait3A_1280] : memref<3x64x4x128xf32, #tpu.memory_space<vmem>> -> memref<1x64x1x128xf32, #tpu.memory_space<vmem>>
    %dma_wait3A_1282 = tpu.memref_squeeze %dma_wait3A_1281 : memref<1x64x1x128xf32, #tpu.memory_space<vmem>> -> memref<64x1x128xf32, #tpu.memory_space<vmem>>
    %dma_wait3A_1283 = arith.constant 0 : i32
    %dma_wait3A_1284 = arith.constant 0 : i32
    %dma_wait3A_1285 = arith.constant 0 : i32
    %dma_wait3A_1286 = tpu.memref_slice %arg2[%dma_wait3A_1283, %dma_wait3A_1284, %dma_wait3A_1285] : memref<16384x8x128xf32, #tpu.memory_space<hbm>> -> memref<64x1x128xf32, #tpu.memory_space<hbm>>
    %dma_wait3A_1287 = arith.constant 0 : i32
    %dma_wait3A_1288 = arith.constant 0 : i32
    %dma_wait3A_1289 = arith.constant 0 : i32
    %dma_wait3A_1290 = tpu.memref_slice %arg4[%dma_wait3A_1277, %dma_wait3A_1287, %dma_wait3A_1288, %dma_wait3A_1289] : memref<3x64x4x128xf32, #tpu.memory_space<vmem>> -> memref<1x64x1x128xf32, #tpu.memory_space<vmem>>
    %dma_wait3A_1291 = tpu.memref_squeeze %dma_wait3A_1290 : memref<1x64x1x128xf32, #tpu.memory_space<vmem>> -> memref<64x1x128xf32, #tpu.memory_space<vmem>>
    %dma_wait3A_1292 = arith.constant 0 : i32
    %dma_wait3A_1293 = arith.constant 0 : i32
    %dma_wait3A_1294 = arith.constant 0 : i32
    %dma_wait3A_1295 = tpu.memref_slice %arg2[%dma_wait3A_1292, %dma_wait3A_1293, %dma_wait3A_1294] : memref<16384x8x128xf32, #tpu.memory_space<hbm>> -> memref<64x1x128xf32, #tpu.memory_space<hbm>>
    tpu.wait_dma2 semaphore(%arg6 : memref<!tpu.dma_semaphore, #tpu.memory_space<semaphore_mem>>) src(%dma_wait3A_1295 : memref<64x1x128xf32, #tpu.memory_space<hbm>>) dst(%dma_wait3A_1291 : memref<64x1x128xf32, #tpu.memory_space<vmem>>)
    %dma_wait3A_1296 = arith.constant 0 : i32
    %dma_wait3A_1297 = arith.constant 0 : i32
    %dma_wait3A_1298 = arith.constant 0 : i32
    %dma_wait3A_1299 = arith.constant 0 : i32
    %dma_wait3A_1300 = tpu.memref_slice %arg4[%dma_wait3A_1296, %dma_wait3A_1297, %dma_wait3A_1298, %dma_wait3A_1299] : memref<3x64x4x128xf32, #tpu.memory_space<vmem>> -> memref<1x64x1x128xf32, #tpu.memory_space<vmem>>
    %dma_wait3A_1301 = tpu.memref_squeeze %dma_wait3A_1300 : memref<1x64x1x128xf32, #tpu.memory_space<vmem>> -> memref<64x1x128xf32, #tpu.memory_space<vmem>>
    %dma_wait3A_1302 = arith.constant 0 : i32
    %dma_wait3A_1303 = arith.constant 0 : i32
    %dma_wait3A_1304 = arith.constant 0 : i32
    %dma_wait3A_1305 = tpu.memref_slice %arg2[%dma_wait3A_1302, %dma_wait3A_1303, %dma_wait3A_1304] : memref<16384x8x128xf32, #tpu.memory_space<hbm>> -> memref<64x1x128xf32, #tpu.memory_space<hbm>>
    %dma_wait3A_1306 = arith.constant 0 : i32
    %dma_wait3A_1307 = arith.constant 0 : i32
    %dma_wait3A_1308 = arith.constant 0 : i32
    %dma_wait3A_1309 = tpu.memref_slice %arg4[%dma_wait3A_1296, %dma_wait3A_1306, %dma_wait3A_1307, %dma_wait3A_1308] : memref<3x64x4x128xf32, #tpu.memory_space<vmem>> -> memref<1x64x1x128xf32, #tpu.memory_space<vmem>>
    %dma_wait3A_1310 = tpu.memref_squeeze %dma_wait3A_1309 : memref<1x64x1x128xf32, #tpu.memory_space<vmem>> -> memref<64x1x128xf32, #tpu.memory_space<vmem>>
    %dma_wait3A_1311 = arith.constant 0 : i32
    %dma_wait3A_1312 = arith.constant 0 : i32
    %dma_wait3A_1313 = arith.constant 0 : i32
    %dma_wait3A_1314 = tpu.memref_slice %arg2[%dma_wait3A_1311, %dma_wait3A_1312, %dma_wait3A_1313] : memref<16384x8x128xf32, #tpu.memory_space<hbm>> -> memref<64x1x128xf32, #tpu.memory_space<hbm>>
    tpu.wait_dma2 semaphore(%arg6 : memref<!tpu.dma_semaphore, #tpu.memory_space<semaphore_mem>>) src(%dma_wait3A_1314 : memref<64x1x128xf32, #tpu.memory_space<hbm>>) dst(%dma_wait3A_1310 : memref<64x1x128xf32, #tpu.memory_space<vmem>>)
    %add3A_1315 = arith.constant 320 : i32
    %add3A_1316 = arith.addi %mul3A_2, %add3A_1315 : i32
    %dma_start3A_1317 = arith.constant 2 : i32
    %dma_start3A_1318 = arith.constant 0 : i32
    %dma_start3A_1319 = arith.constant 0 : i32
    %dma_start3A_1320 = arith.constant 0 : i32
    %dma_start3A_1321 = tpu.memref_slice %arg4[%dma_start3A_1317, %dma_start3A_1318, %dma_start3A_1319, %dma_start3A_1320] : memref<3x64x4x128xf32, #tpu.memory_space<vmem>> -> memref<1x64x4x128xf32, #tpu.memory_space<vmem>>
    %dma_start3A_1322 = tpu.memref_squeeze %dma_start3A_1321 : memref<1x64x4x128xf32, #tpu.memory_space<vmem>> -> memref<64x4x128xf32, #tpu.memory_space<vmem>>
    %dma_start3A_1323 = arith.constant 0 : i32
    %dma_start3A_1324 = arith.constant 0 : i32
    %dma_start3A_1325 = tpu.memref_slice %arg3[%add3A_1316, %dma_start3A_1323, %dma_start3A_1324] : memref<16384x4x128xf32, #tpu.memory_space<hbm>> -> memref<64x4x128xf32, #tpu.memory_space<hbm>>
    %dma_start3A_1326 = arith.constant 0 : i32
    %dma_start3A_1327 = arith.constant 0 : i32
    %dma_start3A_1328 = tpu.memref_slice %arg3[%add3A_1316, %dma_start3A_1326, %dma_start3A_1327] : memref<16384x4x128xf32, #tpu.memory_space<hbm>> -> memref<64x4x128xf32, #tpu.memory_space<hbm>>
    %dma_start3A_1329 = arith.constant 0 : i32
    %dma_start3A_1330 = arith.constant 0 : i32
    %dma_start3A_1331 = arith.constant 0 : i32
    %dma_start3A_1332 = tpu.memref_slice %arg4[%dma_start3A_1317, %dma_start3A_1329, %dma_start3A_1330, %dma_start3A_1331] : memref<3x64x4x128xf32, #tpu.memory_space<vmem>> -> memref<1x64x4x128xf32, #tpu.memory_space<vmem>>
    %dma_start3A_1333 = tpu.memref_squeeze %dma_start3A_1332 : memref<1x64x4x128xf32, #tpu.memory_space<vmem>> -> memref<64x4x128xf32, #tpu.memory_space<vmem>>
    tpu.enqueue_dma source(%dma_start3A_1333 : memref<64x4x128xf32, #tpu.memory_space<vmem>>) target(%dma_start3A_1328 : memref<64x4x128xf32, #tpu.memory_space<hbm>>) target_semaphore(%arg7 : memref<!tpu.dma_semaphore, #tpu.memory_space<semaphore_mem>>)
    %dma_wait3A_1334 = arith.constant 0 : i32
    %dma_wait3A_1335 = arith.constant 0 : i32
    %dma_wait3A_1336 = arith.constant 0 : i32
    %dma_wait3A_1337 = arith.constant 0 : i32
    %dma_wait3A_1338 = tpu.memref_slice %arg5[%arg1, %dma_wait3A_1334, %dma_wait3A_1335, %dma_wait3A_1336, %dma_wait3A_1337] : memref<16x2x32x4x128xf32, #tpu.memory_space<vmem_shared>> -> memref<1x1x32x1x128xf32, #tpu.memory_space<vmem_shared>>
    %dma_wait3A_1339 = tpu.memref_squeeze %dma_wait3A_1338 : memref<1x1x32x1x128xf32, #tpu.memory_space<vmem_shared>> -> memref<32x1x128xf32, #tpu.memory_space<vmem_shared>>
    %dma_wait3A_1340 = arith.constant 0 : i32
    %dma_wait3A_1341 = arith.constant 0 : i32
    %dma_wait3A_1342 = arith.constant 0 : i32
    %dma_wait3A_1343 = tpu.memref_slice %arg2[%dma_wait3A_1340, %dma_wait3A_1341, %dma_wait3A_1342] : memref<16384x8x128xf32, #tpu.memory_space<hbm>> -> memref<32x1x128xf32, #tpu.memory_space<hbm>>
    tpu.wait_dma2 semaphore(%arg8 : memref<!tpu.dma_semaphore, #tpu.memory_space<semaphore_mem>>) src(%dma_wait3A_1343 : memref<32x1x128xf32, #tpu.memory_space<hbm>>) dst(%dma_wait3A_1339 : memref<32x1x128xf32, #tpu.memory_space<vmem_shared>>)
    %dma_wait3A_1344 = arith.constant 0 : i32
    %dma_wait3A_1345 = arith.constant 0 : i32
    %dma_wait3A_1346 = arith.constant 0 : i32
    %dma_wait3A_1347 = arith.constant 0 : i32
    %dma_wait3A_1348 = tpu.memref_slice %arg5[%arg1, %dma_wait3A_1344, %dma_wait3A_1345, %dma_wait3A_1346, %dma_wait3A_1347] : memref<16x2x32x4x128xf32, #tpu.memory_space<vmem_shared>> -> memref<1x1x32x1x128xf32, #tpu.memory_space<vmem_shared>>
    %dma_wait3A_1349 = tpu.memref_squeeze %dma_wait3A_1348 : memref<1x1x32x1x128xf32, #tpu.memory_space<vmem_shared>> -> memref<32x1x128xf32, #tpu.memory_space<vmem_shared>>
    %dma_wait3A_1350 = arith.constant 0 : i32
    %dma_wait3A_1351 = arith.constant 0 : i32
    %dma_wait3A_1352 = arith.constant 0 : i32
    %dma_wait3A_1353 = tpu.memref_slice %arg2[%dma_wait3A_1350, %dma_wait3A_1351, %dma_wait3A_1352] : memref<16384x8x128xf32, #tpu.memory_space<hbm>> -> memref<32x1x128xf32, #tpu.memory_space<hbm>>
    tpu.wait_dma2 semaphore(%arg8 : memref<!tpu.dma_semaphore, #tpu.memory_space<semaphore_mem>>) src(%dma_wait3A_1353 : memref<32x1x128xf32, #tpu.memory_space<hbm>>) dst(%dma_wait3A_1349 : memref<32x1x128xf32, #tpu.memory_space<vmem_shared>>)
    %dma_wait3A_1354 = arith.constant 0 : i32
    %dma_wait3A_1355 = arith.constant 0 : i32
    %dma_wait3A_1356 = arith.constant 0 : i32
    %dma_wait3A_1357 = arith.constant 0 : i32
    %dma_wait3A_1358 = tpu.memref_slice %arg5[%arg1, %dma_wait3A_1354, %dma_wait3A_1355, %dma_wait3A_1356, %dma_wait3A_1357] : memref<16x2x32x4x128xf32, #tpu.memory_space<vmem_shared>> -> memref<1x1x32x1x128xf32, #tpu.memory_space<vmem_shared>>
    %dma_wait3A_1359 = tpu.memref_squeeze %dma_wait3A_1358 : memref<1x1x32x1x128xf32, #tpu.memory_space<vmem_shared>> -> memref<32x1x128xf32, #tpu.memory_space<vmem_shared>>
    %dma_wait3A_1360 = arith.constant 0 : i32
    %dma_wait3A_1361 = arith.constant 0 : i32
    %dma_wait3A_1362 = arith.constant 0 : i32
    %dma_wait3A_1363 = tpu.memref_slice %arg2[%dma_wait3A_1360, %dma_wait3A_1361, %dma_wait3A_1362] : memref<16384x8x128xf32, #tpu.memory_space<hbm>> -> memref<32x1x128xf32, #tpu.memory_space<hbm>>
    tpu.wait_dma2 semaphore(%arg8 : memref<!tpu.dma_semaphore, #tpu.memory_space<semaphore_mem>>) src(%dma_wait3A_1363 : memref<32x1x128xf32, #tpu.memory_space<hbm>>) dst(%dma_wait3A_1359 : memref<32x1x128xf32, #tpu.memory_space<vmem_shared>>)
    %dma_wait3A_1364 = arith.constant 0 : i32
    %dma_wait3A_1365 = arith.constant 0 : i32
    %dma_wait3A_1366 = arith.constant 0 : i32
    %dma_wait3A_1367 = arith.constant 0 : i32
    %dma_wait3A_1368 = tpu.memref_slice %arg5[%arg1, %dma_wait3A_1364, %dma_wait3A_1365, %dma_wait3A_1366, %dma_wait3A_1367] : memref<16x2x32x4x128xf32, #tpu.memory_space<vmem_shared>> -> memref<1x1x32x1x128xf32, #tpu.memory_space<vmem_shared>>
    %dma_wait3A_1369 = tpu.memref_squeeze %dma_wait3A_1368 : memref<1x1x32x1x128xf32, #tpu.memory_space<vmem_shared>> -> memref<32x1x128xf32, #tpu.memory_space<vmem_shared>>
    %dma_wait3A_1370 = arith.constant 0 : i32
    %dma_wait3A_1371 = arith.constant 0 : i32
    %dma_wait3A_1372 = arith.constant 0 : i32
    %dma_wait3A_1373 = tpu.memref_slice %arg2[%dma_wait3A_1370, %dma_wait3A_1371, %dma_wait3A_1372] : memref<16384x8x128xf32, #tpu.memory_space<hbm>> -> memref<32x1x128xf32, #tpu.memory_space<hbm>>
    tpu.wait_dma2 semaphore(%arg8 : memref<!tpu.dma_semaphore, #tpu.memory_space<semaphore_mem>>) src(%dma_wait3A_1373 : memref<32x1x128xf32, #tpu.memory_space<hbm>>) dst(%dma_wait3A_1369 : memref<32x1x128xf32, #tpu.memory_space<vmem_shared>>)
    %dma_wait3A_1374 = arith.constant 0 : i32
    %dma_wait3A_1375 = arith.constant 0 : i32
    %dma_wait3A_1376 = arith.constant 0 : i32
    %dma_wait3A_1377 = arith.constant 0 : i32
    %dma_wait3A_1378 = tpu.memref_slice %arg5[%arg1, %dma_wait3A_1374, %dma_wait3A_1375, %dma_wait3A_1376, %dma_wait3A_1377] : memref<16x2x32x4x128xf32, #tpu.memory_space<vmem_shared>> -> memref<1x1x32x1x128xf32, #tpu.memory_space<vmem_shared>>
    %dma_wait3A_1379 = tpu.memref_squeeze %dma_wait3A_1378 : memref<1x1x32x1x128xf32, #tpu.memory_space<vmem_shared>> -> memref<32x1x128xf32, #tpu.memory_space<vmem_shared>>
    %dma_wait3A_1380 = arith.constant 0 : i32
    %dma_wait3A_1381 = arith.constant 0 : i32
    %dma_wait3A_1382 = arith.constant 0 : i32
    %dma_wait3A_1383 = tpu.memref_slice %arg2[%dma_wait3A_1380, %dma_wait3A_1381, %dma_wait3A_1382] : memref<16384x8x128xf32, #tpu.memory_space<hbm>> -> memref<32x1x128xf32, #tpu.memory_space<hbm>>
    tpu.wait_dma2 semaphore(%arg8 : memref<!tpu.dma_semaphore, #tpu.memory_space<semaphore_mem>>) src(%dma_wait3A_1383 : memref<32x1x128xf32, #tpu.memory_space<hbm>>) dst(%dma_wait3A_1379 : memref<32x1x128xf32, #tpu.memory_space<vmem_shared>>)
    %dma_wait3A_1384 = arith.constant 0 : i32
    %dma_wait3A_1385 = arith.constant 0 : i32
    %dma_wait3A_1386 = arith.constant 0 : i32
    %dma_wait3A_1387 = arith.constant 0 : i32
    %dma_wait3A_1388 = tpu.memref_slice %arg5[%arg1, %dma_wait3A_1384, %dma_wait3A_1385, %dma_wait3A_1386, %dma_wait3A_1387] : memref<16x2x32x4x128xf32, #tpu.memory_space<vmem_shared>> -> memref<1x1x32x1x128xf32, #tpu.memory_space<vmem_shared>>
    %dma_wait3A_1389 = tpu.memref_squeeze %dma_wait3A_1388 : memref<1x1x32x1x128xf32, #tpu.memory_space<vmem_shared>> -> memref<32x1x128xf32, #tpu.memory_space<vmem_shared>>
    %dma_wait3A_1390 = arith.constant 0 : i32
    %dma_wait3A_1391 = arith.constant 0 : i32
    %dma_wait3A_1392 = arith.constant 0 : i32
    %dma_wait3A_1393 = tpu.memref_slice %arg2[%dma_wait3A_1390, %dma_wait3A_1391, %dma_wait3A_1392] : memref<16384x8x128xf32, #tpu.memory_space<hbm>> -> memref<32x1x128xf32, #tpu.memory_space<hbm>>
    tpu.wait_dma2 semaphore(%arg8 : memref<!tpu.dma_semaphore, #tpu.memory_space<semaphore_mem>>) src(%dma_wait3A_1393 : memref<32x1x128xf32, #tpu.memory_space<hbm>>) dst(%dma_wait3A_1389 : memref<32x1x128xf32, #tpu.memory_space<vmem_shared>>)
    %dma_wait3A_1394 = arith.constant 0 : i32
    %dma_wait3A_1395 = arith.constant 0 : i32
    %dma_wait3A_1396 = arith.constant 0 : i32
    %dma_wait3A_1397 = arith.constant 0 : i32
    %dma_wait3A_1398 = tpu.memref_slice %arg5[%arg1, %dma_wait3A_1394, %dma_wait3A_1395, %dma_wait3A_1396, %dma_wait3A_1397] : memref<16x2x32x4x128xf32, #tpu.memory_space<vmem_shared>> -> memref<1x1x32x1x128xf32, #tpu.memory_space<vmem_shared>>
    %dma_wait3A_1399 = tpu.memref_squeeze %dma_wait3A_1398 : memref<1x1x32x1x128xf32, #tpu.memory_space<vmem_shared>> -> memref<32x1x128xf32, #tpu.memory_space<vmem_shared>>
    %dma_wait3A_1400 = arith.constant 0 : i32
    %dma_wait3A_1401 = arith.constant 0 : i32
    %dma_wait3A_1402 = arith.constant 0 : i32
    %dma_wait3A_1403 = tpu.memref_slice %arg2[%dma_wait3A_1400, %dma_wait3A_1401, %dma_wait3A_1402] : memref<16384x8x128xf32, #tpu.memory_space<hbm>> -> memref<32x1x128xf32, #tpu.memory_space<hbm>>
    tpu.wait_dma2 semaphore(%arg8 : memref<!tpu.dma_semaphore, #tpu.memory_space<semaphore_mem>>) src(%dma_wait3A_1403 : memref<32x1x128xf32, #tpu.memory_space<hbm>>) dst(%dma_wait3A_1399 : memref<32x1x128xf32, #tpu.memory_space<vmem_shared>>)
    %dma_wait3A_1404 = arith.constant 0 : i32
    %dma_wait3A_1405 = arith.constant 0 : i32
    %dma_wait3A_1406 = arith.constant 0 : i32
    %dma_wait3A_1407 = arith.constant 0 : i32
    %dma_wait3A_1408 = tpu.memref_slice %arg5[%arg1, %dma_wait3A_1404, %dma_wait3A_1405, %dma_wait3A_1406, %dma_wait3A_1407] : memref<16x2x32x4x128xf32, #tpu.memory_space<vmem_shared>> -> memref<1x1x32x1x128xf32, #tpu.memory_space<vmem_shared>>
    %dma_wait3A_1409 = tpu.memref_squeeze %dma_wait3A_1408 : memref<1x1x32x1x128xf32, #tpu.memory_space<vmem_shared>> -> memref<32x1x128xf32, #tpu.memory_space<vmem_shared>>
    %dma_wait3A_1410 = arith.constant 0 : i32
    %dma_wait3A_1411 = arith.constant 0 : i32
    %dma_wait3A_1412 = arith.constant 0 : i32
    %dma_wait3A_1413 = tpu.memref_slice %arg2[%dma_wait3A_1410, %dma_wait3A_1411, %dma_wait3A_1412] : memref<16384x8x128xf32, #tpu.memory_space<hbm>> -> memref<32x1x128xf32, #tpu.memory_space<hbm>>
    tpu.wait_dma2 semaphore(%arg8 : memref<!tpu.dma_semaphore, #tpu.memory_space<semaphore_mem>>) src(%dma_wait3A_1413 : memref<32x1x128xf32, #tpu.memory_space<hbm>>) dst(%dma_wait3A_1409 : memref<32x1x128xf32, #tpu.memory_space<vmem_shared>>)
    %add3A_1414 = arith.constant 384 : i32
    %add3A_1415 = arith.addi %mul3A_2, %add3A_1414 : i32
    %add3A_1416 = arith.constant 64 : i32
    %add3A_1417 = arith.addi %add3A_1415, %add3A_1416 : i32
    %dma_start3A_1418 = arith.constant 0 : i32
    %dma_start3A_1419 = arith.constant 0 : i32
    %dma_start3A_1420 = arith.constant 0 : i32
    %dma_start3A_1421 = tpu.memref_slice %arg3[%add3A_1417, %dma_start3A_1419, %dma_start3A_1420] : memref<16384x4x128xf32, #tpu.memory_space<hbm>> -> memref<32x4x128xf32, #tpu.memory_space<hbm>>
    %dma_start3A_1422 = arith.constant 0 : i32
    %dma_start3A_1423 = arith.constant 0 : i32
    %dma_start3A_1424 = arith.constant 0 : i32
    %dma_start3A_1425 = tpu.memref_slice %arg5[%arg1, %dma_start3A_1418, %dma_start3A_1422, %dma_start3A_1423, %dma_start3A_1424] : memref<16x2x32x4x128xf32, #tpu.memory_space<vmem_shared>> -> memref<1x1x32x4x128xf32, #tpu.memory_space<vmem_shared>>
    %dma_start3A_1426 = tpu.memref_squeeze %dma_start3A_1425 : memref<1x1x32x4x128xf32, #tpu.memory_space<vmem_shared>> -> memref<32x4x128xf32, #tpu.memory_space<vmem_shared>>
    tpu.enqueue_dma source(%dma_start3A_1426 : memref<32x4x128xf32, #tpu.memory_space<vmem_shared>>) target(%dma_start3A_1421 : memref<32x4x128xf32, #tpu.memory_space<hbm>>) target_semaphore(%arg9 : memref<!tpu.dma_semaphore, #tpu.memory_space<semaphore_mem>>)
    %add3A_1427 = arith.constant 384 : i32
    %add3A_1428 = arith.addi %mul3A_2, %add3A_1427 : i32
    %add3A_1429 = arith.constant 96 : i32
    %add3A_1430 = arith.addi %add3A_1428, %add3A_1429 : i32
    %dma_start3A_1431 = arith.constant 1 : i32
    %dma_start3A_1432 = arith.constant 0 : i32
    %dma_start3A_1433 = arith.constant 0 : i32
    %dma_start3A_1434 = tpu.memref_slice %arg3[%add3A_1430, %dma_start3A_1432, %dma_start3A_1433] : memref<16384x4x128xf32, #tpu.memory_space<hbm>> -> memref<32x4x128xf32, #tpu.memory_space<hbm>>
    %dma_start3A_1435 = arith.constant 0 : i32
    %dma_start3A_1436 = arith.constant 0 : i32
    %dma_start3A_1437 = arith.constant 0 : i32
    %dma_start3A_1438 = tpu.memref_slice %arg5[%arg1, %dma_start3A_1431, %dma_start3A_1435, %dma_start3A_1436, %dma_start3A_1437] : memref<16x2x32x4x128xf32, #tpu.memory_space<vmem_shared>> -> memref<1x1x32x4x128xf32, #tpu.memory_space<vmem_shared>>
    %dma_start3A_1439 = tpu.memref_squeeze %dma_start3A_1438 : memref<1x1x32x4x128xf32, #tpu.memory_space<vmem_shared>> -> memref<32x4x128xf32, #tpu.memory_space<vmem_shared>>
    tpu.enqueue_dma source(%dma_start3A_1439 : memref<32x4x128xf32, #tpu.memory_space<vmem_shared>>) target(%dma_start3A_1434 : memref<32x4x128xf32, #tpu.memory_space<hbm>>) target_semaphore(%arg9 : memref<!tpu.dma_semaphore, #tpu.memory_space<semaphore_mem>>)
    %dma_wait3A_1440 = arith.constant 0 : i32
    %dma_wait3A_1441 = arith.constant 0 : i32
    %dma_wait3A_1442 = arith.constant 0 : i32
    %dma_wait3A_1443 = arith.constant 0 : i32
    %dma_wait3A_1444 = tpu.memref_slice %arg4[%dma_wait3A_1440, %dma_wait3A_1441, %dma_wait3A_1442, %dma_wait3A_1443] : memref<3x64x4x128xf32, #tpu.memory_space<vmem>> -> memref<1x64x4x128xf32, #tpu.memory_space<vmem>>
    %dma_wait3A_1445 = tpu.memref_squeeze %dma_wait3A_1444 : memref<1x64x4x128xf32, #tpu.memory_space<vmem>> -> memref<64x4x128xf32, #tpu.memory_space<vmem>>
    %dma_wait3A_1446 = arith.constant 0 : i32
    %dma_wait3A_1447 = arith.constant 0 : i32
    %dma_wait3A_1448 = arith.constant 0 : i32
    %dma_wait3A_1449 = tpu.memref_slice %arg3[%dma_wait3A_1446, %dma_wait3A_1447, %dma_wait3A_1448] : memref<16384x4x128xf32, #tpu.memory_space<hbm>> -> memref<64x4x128xf32, #tpu.memory_space<hbm>>
    %dma_wait3A_1450 = arith.constant 0 : i32
    %dma_wait3A_1451 = arith.constant 0 : i32
    %dma_wait3A_1452 = arith.constant 0 : i32
    %dma_wait3A_1453 = tpu.memref_slice %arg3[%dma_wait3A_1450, %dma_wait3A_1451, %dma_wait3A_1452] : memref<16384x4x128xf32, #tpu.memory_space<hbm>> -> memref<64x4x128xf32, #tpu.memory_space<hbm>>
    %dma_wait3A_1454 = arith.constant 0 : i32
    %dma_wait3A_1455 = arith.constant 0 : i32
    %dma_wait3A_1456 = arith.constant 0 : i32
    %dma_wait3A_1457 = tpu.memref_slice %arg4[%dma_wait3A_1440, %dma_wait3A_1454, %dma_wait3A_1455, %dma_wait3A_1456] : memref<3x64x4x128xf32, #tpu.memory_space<vmem>> -> memref<1x64x4x128xf32, #tpu.memory_space<vmem>>
    %dma_wait3A_1458 = tpu.memref_squeeze %dma_wait3A_1457 : memref<1x64x4x128xf32, #tpu.memory_space<vmem>> -> memref<64x4x128xf32, #tpu.memory_space<vmem>>
    tpu.wait_dma2 semaphore(%arg7 : memref<!tpu.dma_semaphore, #tpu.memory_space<semaphore_mem>>) src(%dma_wait3A_1458 : memref<64x4x128xf32, #tpu.memory_space<vmem>>) dst(%dma_wait3A_1453 : memref<64x4x128xf32, #tpu.memory_space<hbm>>)
    %dma_wait3A_1459 = arith.constant 0 : i32
    %dma_wait3A_1460 = arith.constant 0 : i32
    %dma_wait3A_1461 = arith.constant 0 : i32
    %dma_wait3A_1462 = arith.constant 0 : i32
    %dma_wait3A_1463 = tpu.memref_slice %arg4[%dma_wait3A_1459, %dma_wait3A_1460, %dma_wait3A_1461, %dma_wait3A_1462] : memref<3x64x4x128xf32, #tpu.memory_space<vmem>> -> memref<1x64x4x128xf32, #tpu.memory_space<vmem>>
    %dma_wait3A_1464 = tpu.memref_squeeze %dma_wait3A_1463 : memref<1x64x4x128xf32, #tpu.memory_space<vmem>> -> memref<64x4x128xf32, #tpu.memory_space<vmem>>
    %dma_wait3A_1465 = arith.constant 0 : i32
    %dma_wait3A_1466 = arith.constant 0 : i32
    %dma_wait3A_1467 = arith.constant 0 : i32
    %dma_wait3A_1468 = tpu.memref_slice %arg3[%dma_wait3A_1465, %dma_wait3A_1466, %dma_wait3A_1467] : memref<16384x4x128xf32, #tpu.memory_space<hbm>> -> memref<64x4x128xf32, #tpu.memory_space<hbm>>
    %dma_wait3A_1469 = arith.constant 0 : i32
    %dma_wait3A_1470 = arith.constant 0 : i32
    %dma_wait3A_1471 = arith.constant 0 : i32
    %dma_wait3A_1472 = tpu.memref_slice %arg3[%dma_wait3A_1469, %dma_wait3A_1470, %dma_wait3A_1471] : memref<16384x4x128xf32, #tpu.memory_space<hbm>> -> memref<64x4x128xf32, #tpu.memory_space<hbm>>
    %dma_wait3A_1473 = arith.constant 0 : i32
    %dma_wait3A_1474 = arith.constant 0 : i32
    %dma_wait3A_1475 = arith.constant 0 : i32
    %dma_wait3A_1476 = tpu.memref_slice %arg4[%dma_wait3A_1459, %dma_wait3A_1473, %dma_wait3A_1474, %dma_wait3A_1475] : memref<3x64x4x128xf32, #tpu.memory_space<vmem>> -> memref<1x64x4x128xf32, #tpu.memory_space<vmem>>
    %dma_wait3A_1477 = tpu.memref_squeeze %dma_wait3A_1476 : memref<1x64x4x128xf32, #tpu.memory_space<vmem>> -> memref<64x4x128xf32, #tpu.memory_space<vmem>>
    tpu.wait_dma2 semaphore(%arg7 : memref<!tpu.dma_semaphore, #tpu.memory_space<semaphore_mem>>) src(%dma_wait3A_1477 : memref<64x4x128xf32, #tpu.memory_space<vmem>>) dst(%dma_wait3A_1472 : memref<64x4x128xf32, #tpu.memory_space<hbm>>)
    %dma_wait3A_1478 = arith.constant 0 : i32
    %dma_wait3A_1479 = arith.constant 0 : i32
    %dma_wait3A_1480 = arith.constant 0 : i32
    %dma_wait3A_1481 = arith.constant 0 : i32
    %dma_wait3A_1482 = tpu.memref_slice %arg4[%dma_wait3A_1478, %dma_wait3A_1479, %dma_wait3A_1480, %dma_wait3A_1481] : memref<3x64x4x128xf32, #tpu.memory_space<vmem>> -> memref<1x64x4x128xf32, #tpu.memory_space<vmem>>
    %dma_wait3A_1483 = tpu.memref_squeeze %dma_wait3A_1482 : memref<1x64x4x128xf32, #tpu.memory_space<vmem>> -> memref<64x4x128xf32, #tpu.memory_space<vmem>>
    %dma_wait3A_1484 = arith.constant 0 : i32
    %dma_wait3A_1485 = arith.constant 0 : i32
    %dma_wait3A_1486 = arith.constant 0 : i32
    %dma_wait3A_1487 = tpu.memref_slice %arg3[%dma_wait3A_1484, %dma_wait3A_1485, %dma_wait3A_1486] : memref<16384x4x128xf32, #tpu.memory_space<hbm>> -> memref<64x4x128xf32, #tpu.memory_space<hbm>>
    %dma_wait3A_1488 = arith.constant 0 : i32
    %dma_wait3A_1489 = arith.constant 0 : i32
    %dma_wait3A_1490 = arith.constant 0 : i32
    %dma_wait3A_1491 = tpu.memref_slice %arg3[%dma_wait3A_1488, %dma_wait3A_1489, %dma_wait3A_1490] : memref<16384x4x128xf32, #tpu.memory_space<hbm>> -> memref<64x4x128xf32, #tpu.memory_space<hbm>>
    %dma_wait3A_1492 = arith.constant 0 : i32
    %dma_wait3A_1493 = arith.constant 0 : i32
    %dma_wait3A_1494 = arith.constant 0 : i32
    %dma_wait3A_1495 = tpu.memref_slice %arg4[%dma_wait3A_1478, %dma_wait3A_1492, %dma_wait3A_1493, %dma_wait3A_1494] : memref<3x64x4x128xf32, #tpu.memory_space<vmem>> -> memref<1x64x4x128xf32, #tpu.memory_space<vmem>>
    %dma_wait3A_1496 = tpu.memref_squeeze %dma_wait3A_1495 : memref<1x64x4x128xf32, #tpu.memory_space<vmem>> -> memref<64x4x128xf32, #tpu.memory_space<vmem>>
    tpu.wait_dma2 semaphore(%arg7 : memref<!tpu.dma_semaphore, #tpu.memory_space<semaphore_mem>>) src(%dma_wait3A_1496 : memref<64x4x128xf32, #tpu.memory_space<vmem>>) dst(%dma_wait3A_1491 : memref<64x4x128xf32, #tpu.memory_space<hbm>>)
    %dma_wait3A_1497 = arith.constant 0 : i32
    %dma_wait3A_1498 = arith.constant 0 : i32
    %dma_wait3A_1499 = arith.constant 0 : i32
    %dma_wait3A_1500 = arith.constant 0 : i32
    %dma_wait3A_1501 = tpu.memref_slice %arg3[%dma_wait3A_1498, %dma_wait3A_1499, %dma_wait3A_1500] : memref<16384x4x128xf32, #tpu.memory_space<hbm>> -> memref<32x4x128xf32, #tpu.memory_space<hbm>>
    %dma_wait3A_1502 = arith.constant 0 : i32
    %dma_wait3A_1503 = arith.constant 0 : i32
    %dma_wait3A_1504 = arith.constant 0 : i32
    %dma_wait3A_1505 = tpu.memref_slice %arg5[%arg1, %dma_wait3A_1497, %dma_wait3A_1502, %dma_wait3A_1503, %dma_wait3A_1504] : memref<16x2x32x4x128xf32, #tpu.memory_space<vmem_shared>> -> memref<1x1x32x4x128xf32, #tpu.memory_space<vmem_shared>>
    %dma_wait3A_1506 = tpu.memref_squeeze %dma_wait3A_1505 : memref<1x1x32x4x128xf32, #tpu.memory_space<vmem_shared>> -> memref<32x4x128xf32, #tpu.memory_space<vmem_shared>>
    tpu.wait_dma2 semaphore(%arg9 : memref<!tpu.dma_semaphore, #tpu.memory_space<semaphore_mem>>) src(%dma_wait3A_1506 : memref<32x4x128xf32, #tpu.memory_space<vmem_shared>>) dst(%dma_wait3A_1501 : memref<32x4x128xf32, #tpu.memory_space<hbm>>)
    %dma_wait3A_1507 = arith.constant 0 : i32
    %dma_wait3A_1508 = arith.constant 0 : i32
    %dma_wait3A_1509 = arith.constant 0 : i32
    %dma_wait3A_1510 = arith.constant 0 : i32
    %dma_wait3A_1511 = tpu.memref_slice %arg3[%dma_wait3A_1508, %dma_wait3A_1509, %dma_wait3A_1510] : memref<16384x4x128xf32, #tpu.memory_space<hbm>> -> memref<32x4x128xf32, #tpu.memory_space<hbm>>
    %dma_wait3A_1512 = arith.constant 0 : i32
    %dma_wait3A_1513 = arith.constant 0 : i32
    %dma_wait3A_1514 = arith.constant 0 : i32
    %dma_wait3A_1515 = tpu.memref_slice %arg5[%arg1, %dma_wait3A_1507, %dma_wait3A_1512, %dma_wait3A_1513, %dma_wait3A_1514] : memref<16x2x32x4x128xf32, #tpu.memory_space<vmem_shared>> -> memref<1x1x32x4x128xf32, #tpu.memory_space<vmem_shared>>
    %dma_wait3A_1516 = tpu.memref_squeeze %dma_wait3A_1515 : memref<1x1x32x4x128xf32, #tpu.memory_space<vmem_shared>> -> memref<32x4x128xf32, #tpu.memory_space<vmem_shared>>
    tpu.wait_dma2 semaphore(%arg9 : memref<!tpu.dma_semaphore, #tpu.memory_space<semaphore_mem>>) src(%dma_wait3A_1516 : memref<32x4x128xf32, #tpu.memory_space<vmem_shared>>) dst(%dma_wait3A_1511 : memref<32x4x128xf32, #tpu.memory_space<hbm>>)
    return
  }
}

</mosaic_0001>

<sc_bundles>
// kernel: kernel.3.cloned.1.call-start
scs
__scs_entry_jumppad:
0x0: {  	(pc) =	sbr.rel $0x88, $3  }
0x1: {  	(tag) =	ssettag $0x0;
	lr =	simm.s32 $0x1  }
0x2: {  	[smem:$0x3FA0] =	sst lr;
	_ =	strace $0xD0000000  }
0x3: {  	_ = 	snop  }
0x4: {  	_ = 	snop  }
0x5: {  	_ = 	snop  }
0x6: {  	_ = 	snop  }
0x7: {  	_ = 	snop  }
__scs_overlays_trampoline_lowered:
0x8: {  	[smem:$0x3FAF] =	sst s0  }
0x9: {  	[smem:$0x3FB0] =	sst s1  }
0xa: {  	[smem:$0x3FB1] =	sst s2  }
0xb: {  	[smem:$0x3FB2] =	sst s3  }
0xc: {  	[smem:$0x3FB3] =	sst s4  }
0xd: {  	[smem:$0x3FB4] =	sst s5  }
0xe: {  	[smem:$0x3FB5] =	sst s6  }
0xf: {  	[smem:$0x3FB6] =	sst s7  }
0x10: {  	[smem:$0x3FB7] =	sst s8  }
0x11: {  	[smem:$0x3FB8] =	sst s9;
	s0 =	simm.s32 @!p0 $0x0  }
0x12: {  	s1 =	sld [smem:$0x3F9E];
	s0 =	simm.s32 @p0 $0x1  }
0x13: {  	[smem:$0x3FB9] =	sst s0;
	s0 =	simm.s32 @!p1 $0x0  }
0x14: {  	s2 =	sld [smem:$0x3F9D];
	s0 =	simm.s32 @p1 $0x1  }
0x15: {  	[smem:$0x3FBA] =	sst s0;
	s0 =	simm.s32 @!p2 $0x0  }
0x16: {  	s3 =	sld [smem:$0x3FDB];
	s0 =	simm.s32 @p2 $0x1  }
0x17: {  	s4 =	simm.s32 $0x1BF5;
	[smem:$0x3FBC] =	sst s0  }
0x18: {  	s0 =	sld [smem:$0x3F9F];
	_ =	swait.ge [sflag:s4], $0x0  }
0x19: {  	s7 =	sld [smem:$0x3FA0]  }
0x1a: {  	s8 =	sadd.s32 $0xFFFFE003, lr  }
0x1b: {  	s9 =	sadd.s32 $0xFFFFFEF7, lr;
	s5 =	simm.s32 $0xFFFFFFFF;
	p2 =	slt.u32 s8, $0xFFFFF086  }
0x1c: {  	p1 =	slt.u32 s9, $0xF7A;
	s5 =	simm.s32 @!p2 $0x0  }
0x1d: {  	s5 =	simm.s32 @p1 $0x1;
	p0 =	seq.s32 s7, s2  }
0x1e: {  	s7 =	smul.u32 @!p0 $0xF7A, s2;
	p2 =	seq.s32 @!p0 s5, $0x0  }
0x1f: {  	s9 =	smul.u32 $0xF7A, s1;
	s8 =	simm.s32 @!p0 $0x1BF5;
	p2 =	por !p2, p0  }
0x20: {  	[sflag:s8] =	ssyncset.s32 @!p0 $0xFFFFF086;
	s6 =	sadd.s32 @!p0 s3, s7;
	s7 =	simm.s32 @!p0 $0x108  }
0x21: {  	s3 =	sadd.s32 s3, s9;
	s6 =	sadd.s32 @!p0 $0x88, s6;
	s7 =	simm.s32 @p2 $0x1082  }
0x22: {  	[simem:s7], [sflag:s8] =	dma.local @!p0 [hbm:s6], $0xF7A  }
0x23: {  	s9 =	sor.u32 $0xD0000000, s2;
	s6 =	simm.s32 $0x108;
	_ =	swait.ge @!p0 [sflag:s8], $0x0  }
0x24: {  	s3 =	sadd.s32 $0x88, s3;
	s6 =	simm.s32 @!p1 $0x1082;
	[sflag:s4] =	ssyncset.s32 $0xFFFFF086  }
0x25: {  	[simem:s6], [sflag:s4] =	dma.local [hbm:s3], $0xF7A  }
0x26: {  	[smem:$0x3FA0] =	sst s1;
	(tag) =	ssettag s2;
	_ =	strace s9  }
0x27: {  	s1 =	sld [smem:$0x3FB0]  }
0x28: {  	s2 =	sld [smem:$0x3FB1]  }
0x29: {  	s4 =	sld [smem:$0x3FB3]  }
0x2a: {  	p0 =	seq.s32 s5, $0x0;
	s5 =	sld [smem:$0x3FB4]  }
0x2b: {  	s6 =	sld [smem:$0x3FB5]  }
0x2c: {  	s7 =	sld [smem:$0x3FB6]  }
0x2d: {  	s3 =	simm.s32 $0x108;
	s8 =	sld [smem:$0x3FB7]  }
0x2e: {  	s3 =	simm.s32 @!p0 $0x1082;
	s9 =	sld [smem:$0x3FB8]  }
0x2f: {  	lr =	sadd.s32 s0, s3;
	s0 =	sld [smem:$0x3FAF]  }
0x30: {  	s3 =	sld [smem:$0x3FB2]  }
0x31: {  	[smem:$0x3FBB] =	sst s10  }
0x32: {  	s10 =	sld [smem:$0x3FB9];
	_ =	sdelay $0x3  }
0x33: {  	p0 =	seq.s32 s10, $0x1;
	s10 =	sld [smem:$0x3FBB];
	_ =	sdelay $0x3  }
0x34: {  	[smem:$0x3FBB] =	sst s10  }
0x35: {  	s10 =	sld [smem:$0x3FBA];
	_ =	sdelay $0x3  }
0x36: {  	p1 =	seq.s32 s10, $0x1;
	s10 =	sld [smem:$0x3FBB];
	_ =	sdelay $0x3  }
0x37: {  	[smem:$0x3FBB] =	sst s10  }
0x38: {  	s10 =	sld [smem:$0x3FBC]  }
0x39: {  	_ = 	snop;
	(pc) =	sbr.ind lr, $3  }
0x3a: {  	_ = 	snop  }
0x3b: {  	_ = 	snop  }
0x3c: {  	p2 =	seq.s32 s10, $0x1;
	s10 =	sld [smem:$0x3FBB]  }
0x3d: {  	_ =	shalt  }
0x3e: {  	_ =	shalt  }
0x3f: {  	_ =	shalt  }
0x40: {  	_ =	shalt  }
0x41: {  	_ =	shalt  }
0x42: {  	_ =	shalt  }
0x43: {  	_ =	shalt  }
0x44: {  	_ =	shalt  }
0x45: {  	_ =	shalt  }
0x46: {  	_ =	shalt  }
0x47: {  	_ =	shalt  }
0x48: {  	_ =	shalt  }
0x49: {  	_ =	shalt  }
0x4a: {  	_ =	shalt  }
0x4b: {  	_ =	shalt  }
0x4c: {  	_ =	shalt  }
0x4d: {  	_ =	shalt  }
0x4e: {  	_ =	shalt  }
0x4f: {  	_ =	shalt  }
0x50: {  	_ =	shalt  }
0x51: {  	_ =	shalt  }
0x52: {  	_ =	shalt  }
0x53: {  	_ =	shalt  }
0x54: {  	_ =	shalt  }
0x55: {  	_ =	shalt  }
0x56: {  	_ =	shalt  }
0x57: {  	_ =	shalt  }
0x58: {  	_ =	shalt  }
0x59: {  	_ =	shalt  }
0x5a: {  	_ =	shalt  }
0x5b: {  	_ =	shalt  }
0x5c: {  	_ =	shalt  }
0x5d: {  	_ =	shalt  }
0x5e: {  	_ =	shalt  }
0x5f: {  	_ =	shalt  }
0x60: {  	_ =	shalt  }
0x61: {  	_ =	shalt  }
0x62: {  	_ =	shalt  }
0x63: {  	_ =	shalt  }
0x64: {  	_ =	shalt  }
0x65: {  	_ =	shalt  }
0x66: {  	_ =	shalt  }
0x67: {  	_ =	shalt  }
0x68: {  	_ =	shalt  }
0x69: {  	_ =	shalt  }
0x6a: {  	_ =	shalt  }
0x6b: {  	_ =	shalt  }
0x6c: {  	_ =	shalt  }
0x6d: {  	_ =	shalt  }
0x6e: {  	_ =	shalt  }
0x6f: {  	_ =	shalt  }
0x70: {  	_ =	shalt  }
0x71: {  	_ =	shalt  }
0x72: {  	_ =	shalt  }
0x73: {  	_ =	shalt  }
0x74: {  	_ =	shalt  }
0x75: {  	_ =	shalt  }
0x76: {  	_ =	shalt  }
0x77: {  	_ =	shalt  }
0x78: {  	_ =	shalt  }
0x79: {  	_ =	shalt  }
0x7a: {  	_ =	shalt  }
0x7b: {  	_ =	shalt  }
0x7c: {  	_ =	shalt  }
0x7d: {  	_ =	shalt  }
0x7e: {  	_ =	shalt  }
0x7f: {  	_ =	shalt  }
0x80: {  	_ =	shalt  }
0x81: {  	_ =	shalt  }
0x82: {  	_ =	shalt  }
0x83: {  	_ =	shalt  }
0x84: {  	_ =	shalt  }
0x85: {  	_ =	shalt  }
0x86: {  	_ =	shalt  }
0x87: {  	_ =	shalt  }
.Lfunc_end0:
.L_simem_size_0:
called_computation_lowered:
.L_overlay_start_0:
0x88: {  	s2 =	sld [smem:$0x3FD9]  }
0x89: {  	s3 =	sld [smem:$0x3FFE];
	_ =	sdelay $0x1  }
0x8a: {  	s1 =	srdreg.scid  }
0x8b: {  	s0 =	sand.u32 $0x1, s1  }
0x8c: {  	s18 =	sshll.u32 s0, $0xA;
	s2 =	sadd.s32 s3, s2  }
0x8d: {  	s2 =	sadd.s32 s2, s18  }
0x8e: {  	[smem:$0x3FC7] =	sst s2  }
0x8f: {  	_ = 	snop  }
0x90: {  	s2 =	sld [smem:$0x3FC9]  }
0x91: {  	s19 =	sld [smem:$0x3FD0];
	(tm) =	ssettm $0x1  }
0x92: {  	s4 =	sld [smem:$0x3FFB];
	_ =	sdelay $0x3  }
0x93: {  	_ =	strace s4  }
0x94: {  	s4 =	sld [smem:$0x3FFC];
	_ =	sdelay $0x3  }
0x95: {  	_ =	strace s4  }
0x96: {  	s4 =	sld [smem:$0x3FFD];
	_ =	sdelay $0x3  }
0x97: {  	_ =	strace s4  }
0x98: {  	_ =	strace $0x8FFFFFFF  }
0x99: {  	s20 =	sld [smem:$0x3FDB];
	_ =	sdelay $0x1  }
0x9a: {  	s5 =	simm.s32 $_scs_section_size  }
0x9b: {  	s6 =	simm.s32 $_size__tile_overlayer_lowered;
	s7 =	simm.s32 $_tile_overlayer_lowered  }
0x9c: {  	s23 =	simm.s32 $0x1BFF;
	s22 =	sshll.u32 s7, $0x1;
	s4 =	sadd.s32 s5, s20  }
0x9d: {  	s8 =	simm.s32 $0x0;
	s21 =	sshll.u32 s6, $0x1;
	s6 =	sadd.s32 s22, s4  }
0x9e: {  	[timem:s8], [sflag:s23] =	dma.local [hbm:s6], s21  }
0x9f: {  	_ =	swait.ge [sflag:s23], s21  }
0xa0: {  	s5 =	ssub.s32 $0x0, s21;
	[sflag:s23] =	ssyncset.done $0x0  }
0xa1: {  	[sflag:s23] =	ssyncadd.s32 s5;
	_ =	sdelay $0x1  }
0xa2: {  	s24 =	simm.s32 $0x1B8B  }
0xa3: {  	_ =	swait.ge [sflag:s24], $0x1  }
0xa4: {  	[sflag:s24] =	ssyncset.done $0x0  }
0xa5: {  	s25 =	simm.s32 $0x1B8E;
	[sflag:s24] =	ssyncadd.s32 $0xFFFFFFFF  }
0xa6: {  	s26 =	simm.s32 $execute0_lowered;
	[smem:$0x3FD2] =	sst s25  }
0xa7: {  	s5 =	sshll.u32 s26, $0x1;
	_ =	strace $0x80000046;
	[dreg:$0x1] =	wrdreg $0xFFFFFFFF  }
0xa8: {  	s28 =	simm.s32 $_size_execute0_lowered;
	s4 =	sadd.s32 s4, s5;
	[dreg:$0x0] =	wrdreg $0x0  }
0xa9: {  	s5 =	sshll.u32 s28, $0x1;
	[dreg:$0x2] =	wrdreg s4  }
0xaa: {  	[dreg:$0x3] =	wrdreg s5  }
0xab: {  	[dreg:$0x4] =	wrdreg $0xC0  }
0xac: {  	_ =	task [dreg:s8], $0x5FFFF  }
0xad: {  	[dreg:$0x1] =	wrdreg $0xFFFFFFFF  }
0xae: {  	[dreg:$0x0] =	wrdreg $0x60  }
0xaf: {  	[dreg:$0x2] =	wrdreg s2  }
0xb0: {  	[dreg:$0x3] =	wrdreg s19  }
0xb1: {  	[dreg:$0x4] =	wrdreg $0x180000  }
0xb2: {  	[dreg:$0x5] =	wrdreg $0x9  }
0xb3: {  	_ =	task.clear_ibuf [dreg:s8], $0x6FFFF;
	_ =	strace $0x90000046  }
0xb4: {  	s29 =	simm.s32 $0x9;
	_ =	strace $0x80000048  }
0xb5: {  	_ =	swait.ge [sflag:s29], $0x1  }
0xb6: {  	[sflag:s29] =	ssyncadd.s32 $0xFFFFFFFF  }
0xb7: {  	_ =	strace $0x90000048  }
0xb8: {  	_ =	sfence  }
0xb9: {  	s30 =	sld [smem:$0x0];
	_ =	sdelay $0x2  }
0xba: {  	s31 =	sshll.u32 s1, $0xD;
	s1 =	sshrl.u32 s1, $0x2  }
0xbb: {  	s3 =	sand.u32 $0x4000, s31;
	s1 =	sadd.s32 s1, s30  }
0xbc: {  	s0 =	sor.u32 s3, s0;
	s1 =	sshll.u32 s1, $0x11  }
0xbd: {  	s0 =	sor.u32 s1, s0  }
0xbe: {  	s0 =	sadd.s32 $0x8F2B, s0  }
0xbf: {  	[sflag:s0] =	ssyncadd.remote.s32 $0x1  }
0xc0: {  	_ =	sfence.sel $0xFFFF  }
0xc1: {  	[dreg:$0x0] =	wrdreg $0xFFFFFFFF;
	(pc) =	sbr.abs _section_cstart, $3  }
0xc2: {  	[dreg:$0x1] =	wrdreg $0xFFFFFFFF  }
0xc3: {  	_ =	task.clear_ibuf [dreg:s8], $0x2FFFF;
	_ =	strace $0x9FFFFFFF  }
0xc4: {  	(tm) =	ssettm $0x7FFFFFFF  }
0xc5: {  	_ =	shalt  }
tec
execute0_lowered:
.L_overlay_start_1:
0x0: {  	(tag) =	ssettag $0x1  }
0x1: {  	s0 =	srdreg.scid  }
0x2: {  	s4 =	stileid.u32;
	s25 =	rddreg [dreg:$0x0]  }
0x3: {  	s3 =	rddreg [dreg:$0x2];
	s0 =	sand.u32 $0x1, s0;
	s1 =	sshll.u32 s4, $0x1  }
0x4: {  	s6 =	sshll.u32 s4, $0xF;
	s9 =	sadd.s32 $0x70, s25;
	s4 =	sadd.s32 $0x40, s25  }
0x5: {  	s2 =	ssub.s32 $0x2, s0;
	s10 =	sor.u32 s0, s1;
	s11 =	sadd.s32 s6, s3  }
0x6: {  	s6 =	sadd.s32 $0x20, s25;
	s26 =	sshrl.u32 s2, $0x1;
	[smem:$0x7EB] =	sst s10  }
0x7: {  	s7 =	sshll.u32 s10, $0x9;
	[dreg:$0x4] =	wrdreg s11;
	s21 =	sshll.u32 s10, $0x10  }
0x8: {  	s1 =	ssub.s32 s2, s26;
	s5 =	sor.u32 $0x180, s7;
	s14 =	sor.u32 $0x1A0, s7  }
0x9: {  	s10 =	sadd.s32 s21, s9;
	s11 =	sadd.s32 s21, s4;
	[smem:$0x7F4] =	sst s1  }
0xa: {  	s22 =	sor.u32 $0x40, s7;
	s24 =	sor.u32 $0x80, s7;
	[smem:$0x7ED] =	sst s5  }
0xb: {  	s26 =	sor.u32 $0xC0, s7;
	s2 =	sor.u32 $0x100, s7;
	[smem:$0x7EE] =	sst s14  }
0xc: {  	s8 =	sshll.u32 s5, $0x7;
	s5 =	sadd.s32 $0x50, s25;
	[smem:$0x7EC] =	sst s22  }
0xd: {  	s16 =	sshll.u32 s14, $0x7;
	s23 =	sshll.u32 s22, $0x7;
	[smem:$0x7EF] =	sst s24  }
0xe: {  	s25 =	sshll.u32 s24, $0x7;
	[smem:$0x7F0] =	sst s26;
	s1 =	sshll.u32 s26, $0x7  }
0xf: {  	[smem:$0x7F1] =	sst s2;
	s3 =	sshll.u32 s2, $0x7;
	s12 =	sadd.s32 s8, s9  }
0x10: {  	s13 =	sadd.s32 s8, s4;
	s15 =	sadd.s32 s8, s6;
	[dreg:$0x5] =	wrdreg s12  }
0x11: {  	s17 =	sadd.s32 s8, s5;
	s18 =	sadd.s32 s16, s9;
	[dreg:$0x6] =	wrdreg s13  }
0x12: {  	s19 =	sadd.s32 s16, s4;
	s20 =	sadd.s32 s16, s6;
	[dreg:$0x7] =	wrdreg s15  }
0x13: {  	s0 =	sadd.s32 s16, s5;
	s14 =	sadd.s32 s23, s9;
	[dreg:$0x8] =	wrdreg s17  }
0x14: {  	s16 =	sadd.s32 s23, s6;
	s22 =	sadd.s32 s1, s9;
	[dreg:$0x9] =	wrdreg s18  }
0x15: {  	s24 =	sadd.s32 s1, s6;
	s26 =	sadd.s32 s3, s9;
	[dreg:$0xa] =	wrdreg s19  }
0x16: {  	s28 =	sadd.s32 s3, s4;
	s8 =	sor.u32 $0x140, s7;
	[dreg:$0xb] =	wrdreg s20  }
0x17: {  	s29 =	sadd.s32 s3, s6;
	s30 =	sadd.s32 s3, s5;
	[dreg:$0xc] =	wrdreg s0  }
0x18: {  	s12 =	sadd.s32 s21, s6;
	s13 =	sadd.s32 s21, s5;
	s15 =	sadd.s32 s23, s4  }
0x19: {  	s17 =	sadd.s32 s23, s5;
	s18 =	sadd.s32 s25, s9;
	s19 =	sadd.s32 s25, s4  }
0x1a: {  	s20 =	sadd.s32 s25, s6;
	s21 =	sadd.s32 s25, s5;
	s23 =	sadd.s32 s1, s4  }
0x1b: {  	s25 =	sadd.s32 s1, s5;
	[smem:$0x7F2] =	sst s8;
	s1 =	sshll.u32 s8, $0x7  }
0x1c: {  	s8 =	sor.u32 $0x1C0, s7;
	s31 =	sadd.s32 s1, s9;
	s0 =	sadd.s32 s1, s4  }
0x1d: {  	s2 =	sadd.s32 s1, s6;
	s3 =	sadd.s32 s1, s5;
	s1 =	sshll.u32 s8, $0x7  }
0x1e: {  	[smem:$0x7F3] =	sst s8;
	s8 =	sadd.s32 s1, s9  }
0x1f: {  	s7 =	sor.u32 $0x1E0, s7;
	[dreg:$0xd] =	wrdreg s8;
	s8 =	sadd.s32 s1, s4  }
0x20: {  	[dreg:$0xe] =	wrdreg s8;
	s8 =	sadd.s32 s1, s6;
	s1 =	sadd.s32 s1, s5  }
0x21: {  	[dreg:$0x10] =	wrdreg s1;
	s1 =	sshll.u32 s7, $0x7  }
0x22: {  	[dreg:$0xf] =	wrdreg s8;
	s9 =	sadd.s32 s1, s9;
	s4 =	sadd.s32 s1, s4  }
0x23: {  	s6 =	sadd.s32 s1, s6;
	s1 =	sadd.s32 s1, s5;
	s5 =	sld [smem:$0x7EB]  }
0x24: {  	[dreg:$0x11] =	wrdreg s9  }
0x25: {  	[dreg:$0x13] =	wrdreg s6  }
0x26: {  	s6 =	sld [smem:$0x7EC]  }
0x27: {  	[dreg:$0x14] =	wrdreg s1  }
0x28: {  	s9 =	sld [smem:$0x7ED]  }
0x29: {  	s1 =	sshll.u32 s5, $0xF;
	s5 =	sshll.u32 s6, $0x6;
	s6 =	rddreg [dreg:$0x1]  }
0x2a: {  	s8 =	sadd.s32 s6, s5;
	s5 =	sld [smem:$0x7EE]  }
0x2b: {  	[dreg:$0x16] =	wrdreg s8  }
0x2c: {  	s1 =	sadd.s32 s6, s1;
	s8 =	sld [smem:$0x7EF]  }
0x2d: {  	[dreg:$0x15] =	wrdreg s1;
	s1 =	sshll.u32 s9, $0x6  }
0x2e: {  	[dreg:$0x12] =	wrdreg s4;
	s1 =	sadd.s32 s6, s1  }
0x2f: {  	[dreg:$0x17] =	wrdreg s1;
	s1 =	sshll.u32 s5, $0x6;
	s5 =	sshll.u32 s8, $0x6  }
0x30: {  	s9 =	sadd.s32 s6, s5;
	s5 =	sld [smem:$0x7F0]  }
0x31: {  	[dreg:$0x19] =	wrdreg s9  }
0x32: {  	s9 =	sld [smem:$0x7F2]  }
0x33: {  	s1 =	sadd.s32 s6, s1;
	s8 =	sld [smem:$0x7F1]  }
0x34: {  	[dreg:$0x18] =	wrdreg s1;
	s1 =	sshll.u32 s5, $0x6  }
0x35: {  	s1 =	sadd.s32 s6, s1;
	s5 =	sshll.u32 s9, $0x6;
	s9 =	sld [smem:$0x7F3]  }
0x36: {  	s4 =	simm.s32 $0x0;
	[dreg:$0x1a] =	wrdreg s1;
	s1 =	sshll.u32 s8, $0x6  }
0x37: {  	[smem:$0x7FF] =	sst s4;
	s1 =	sadd.s32 s6, s1  }
0x38: {  	s8 =	sadd.s32 s6, s5;
	[dreg:$0x1b] =	wrdreg s1;
	s1 =	sshll.u32 s9, $0x6  }
0x39: {  	s5 =	sshll.u32 s7, $0x6;
	[dreg:$0x1c] =	wrdreg s8;
	s1 =	sadd.s32 s6, s1  }
0x3a: {  	[dreg:$0x1d] =	wrdreg s1;
	s1 =	sadd.s32 s6, s5  }
0x3b: {  	[dreg:$0x1e] =	wrdreg s1  }
0x3c: {  	_ =	strace $0x80000047  }
0x3d: {  	s8 =	sld [smem:$0x7F4]  }
0x3e: {  	s7 =	stileid.u32  }
0x3f: {  	s1 =	sshll.u32 s7, $0x6  }
0x40: {  	[dreg:$0x1f] =	wrdreg s1;
	s5 =	smax.u32 s8, $0x1  }
0x41: {  	[smem:$0x7F5] =	sst s5  }
0x42: {  	s7 =	sor.u32 $0x1C03, s1;
	s5 =	rddreg [dreg:$0x4]  }
0x43: {  	[smem:$0x7FD] =	sst s7;
	s9 =	sadd.s32 $0x80, s5  }
0x44: {  	s6 =	sadd.s32 $0x100, s5;
	[smem:$0x7F6] =	sst s9  }
0x45: {  	s8 =	sadd.s32 $0x180, s5;
	[smem:$0x7F7] =	sst s6  }
0x46: {  	[smem:$0x7F8] =	sst s8;
	s9 =	sadd.s32 $0x4000, s5  }
0x47: {  	s6 =	sadd.s32 $0x4080, s5;
	[smem:$0x7F9] =	sst s9  }
0x48: {  	s8 =	sadd.s32 $0x4100, s5;
	[smem:$0x7FA] =	sst s6  }
0x49: {  	s1 =	simm.s32 $0x0;
	[smem:$0x7FB] =	sst s8;
	s9 =	sadd.s32 $0x4180, s5  }
0x4a: {  	s8 =	simm.s32 $0x40;
	[smem:$0x7FC] =	sst s9;
	s9 =	simm.s32 $0x80  }
.LBB2_1:
0x4b: {  	[smem:$0x7E2] =	sst s1  }
0x4c: {  	s5 =	rddreg [dreg:$0x4]  }
0x4d: {  	s1 =	sshrl.u32 s5, $0x3;
	s5 =	rddreg [dreg:$0x5]  }
0x4e: {  	s6 =	simm.s32 $0x1;
	[smem:$0x7E3] =	sst s1  }
0x4f: {  	[spmem:s1@s8], [sflag:s7] =	dma.strided [hbm:s5@s9], $0x200, s6, $0x10   }
0x50: {  	s5 =	sld [smem:$0x7F6];
	_ =	sdelay $0x2  }
0x51: {  	s1 =	sshrl.u32 s5, $0x3;
	s5 =	rddreg [dreg:$0x6]  }
0x52: {  	[smem:$0x7E4] =	sst s1  }
0x53: {  	[spmem:s1@s8], [sflag:s7] =	dma.strided [hbm:s5@s9], $0x200, s6, $0x10   }
0x54: {  	s5 =	sld [smem:$0x7F7];
	_ =	sdelay $0x2  }
0x55: {  	s1 =	sshrl.u32 s5, $0x3;
	s5 =	rddreg [dreg:$0x7]  }
0x56: {  	[smem:$0x7E5] =	sst s1  }
0x57: {  	[spmem:s1@s8], [sflag:s7] =	dma.strided [hbm:s5@s9], $0x200, s6, $0x10   }
0x58: {  	s5 =	sld [smem:$0x7F8];
	_ =	sdelay $0x2  }
0x59: {  	s1 =	sshrl.u32 s5, $0x3;
	s5 =	rddreg [dreg:$0x8]  }
0x5a: {  	[smem:$0x7E6] =	sst s1  }
0x5b: {  	[spmem:s1@s8], [sflag:s7] =	dma.strided [hbm:s5@s9], $0x200, s6, $0x10   }
0x5c: {  	s5 =	sld [smem:$0x7F9];
	_ =	sdelay $0x2  }
0x5d: {  	s1 =	sshrl.u32 s5, $0x3;
	s5 =	rddreg [dreg:$0x9]  }
0x5e: {  	[smem:$0x7E7] =	sst s1  }
0x5f: {  	[spmem:s1@s8], [sflag:s7] =	dma.strided [hbm:s5@s9], $0x200, s6, $0x10   }
0x60: {  	s5 =	sld [smem:$0x7FA];
	_ =	sdelay $0x2  }
0x61: {  	s1 =	sshrl.u32 s5, $0x3;
	s5 =	rddreg [dreg:$0xa]  }
0x62: {  	[smem:$0x7E8] =	sst s1  }
0x63: {  	[spmem:s1@s8], [sflag:s7] =	dma.strided [hbm:s5@s9], $0x200, s6, $0x10   }
0x64: {  	s5 =	sld [smem:$0x7FB];
	_ =	sdelay $0x2  }
0x65: {  	s1 =	sshrl.u32 s5, $0x3;
	s5 =	rddreg [dreg:$0xb]  }
0x66: {  	[smem:$0x7E9] =	sst s1  }
0x67: {  	[spmem:s1@s8], [sflag:s7] =	dma.strided [hbm:s5@s9], $0x200, s6, $0x10   }
0x68: {  	s5 =	sld [smem:$0x7FC];
	_ =	sdelay $0x2  }
0x69: {  	s1 =	sshrl.u32 s5, $0x3;
	s5 =	rddreg [dreg:$0xc]  }
0x6a: {  	[smem:$0x7EA] =	sst s1  }
0x6b: {  	[spmem:s1@s8], [sflag:s7] =	dma.strided [hbm:s5@s9], $0x200, s6, $0x10   }
0x6c: {  	s5 =	simm.s32 $0x80  }
0x6d: {  	s9 =	sadd.s32 $0x0, s10;
	s7 =	simm.s32 $0x200;
	s8 =	simm.s32 $0x0  }
.LBB2_2:
0x6e: {  	[tilespmem:s8], [sflag:$0x1] =	stream.linear.gather [hbm4b:s9+s4], $0x80, $0x38;
	v63 =	vld [tilespmem:$0x0]  }
0x6f: {  	s9 =	smov.u32 s5;
	s8 =	smov.u32 s7;
	p0 =	sne.s32 s5, $0x1F80  }
.Ltmp0:
0x70: {  	s5 =	sadd.s32 $0x80, s5;
	(pc) =	sbr.rel @p0 .LBB2_2-.Ltmp0, $2  }
0x71: {  	_ =	sdelay $0x2  }
0x72: {  	s7 =	sadd.s32 $0x200, s7;
	s9 =	sadd.s32 s9, s10  }
0x73: {  	[tilespmem:s8], [sflag:$0x1] =	stream.linear.gather [hbm4b:s9+s4], $0x80, $0x38;
	v63 =	vld [tilespmem:$0x0]  }
0x74: {  	s5 =	simm.s32 $0x80  }
0x75: {  	s8 =	simm.s32 $0x80;
	s9 =	sadd.s32 $0x0, s11;
	s7 =	simm.s32 $0x280  }
.LBB2_4:
0x76: {  	[tilespmem:s5], [sflag:$0x1] =	stream.linear.gather [hbm4b:s9+s4], $0x80, $0x38;
	v63 =	vld [tilespmem:$0x0]  }
0x77: {  	s9 =	smov.u32 s8;
	s5 =	smov.u32 s7;
	p0 =	sne.s32 s8, $0x1F80  }
.Ltmp1:
0x78: {  	s8 =	sadd.s32 $0x80, s8;
	(pc) =	sbr.rel @p0 .LBB2_4-.Ltmp1, $2  }
0x79: {  	_ =	sdelay $0x2  }
0x7a: {  	s7 =	sadd.s32 $0x200, s7;
	s9 =	sadd.s32 s9, s11  }
0x7b: {  	[tilespmem:s5], [sflag:$0x1] =	stream.linear.gather [hbm4b:s9+s4], $0x80, $0x38;
	v63 =	vld [tilespmem:$0x0]  }
0x7c: {  	s5 =	simm.s32 $0x100  }
0x7d: {  	s8 =	simm.s32 $0x80;
	s9 =	sadd.s32 $0x0, s12;
	s7 =	simm.s32 $0x300  }
.LBB2_6:
0x7e: {  	[tilespmem:s5], [sflag:$0x1] =	stream.linear.gather [hbm4b:s9+s4], $0x80, $0x38;
	v63 =	vld [tilespmem:$0x0]  }
0x7f: {  	s9 =	smov.u32 s8;
	s5 =	smov.u32 s7;
	p0 =	sne.s32 s8, $0x1F80  }
.Ltmp2:
0x80: {  	s8 =	sadd.s32 $0x80, s8;
	(pc) =	sbr.rel @p0 .LBB2_6-.Ltmp2, $2  }
0x81: {  	_ =	sdelay $0x2  }
0x82: {  	s7 =	sadd.s32 $0x200, s7;
	s9 =	sadd.s32 s9, s12  }
0x83: {  	[tilespmem:s5], [sflag:$0x1] =	stream.linear.gather [hbm4b:s9+s4], $0x80, $0x38;
	v63 =	vld [tilespmem:$0x0]  }
0x84: {  	s5 =	simm.s32 $0x180  }
0x85: {  	s8 =	simm.s32 $0x80;
	s9 =	sadd.s32 $0x0, s13;
	s7 =	simm.s32 $0x380  }
.LBB2_8:
0x86: {  	[tilespmem:s5], [sflag:$0x1] =	stream.linear.gather [hbm4b:s9+s4], $0x80, $0x38;
	v63 =	vld [tilespmem:$0x0]  }
0x87: {  	s9 =	smov.u32 s8;
	s5 =	smov.u32 s7;
	p0 =	sne.s32 s8, $0x1F80  }
.Ltmp3:
0x88: {  	s8 =	sadd.s32 $0x80, s8;
	(pc) =	sbr.rel @p0 .LBB2_8-.Ltmp3, $2  }
0x89: {  	_ =	sdelay $0x2  }
0x8a: {  	s7 =	sadd.s32 $0x200, s7;
	s9 =	sadd.s32 s9, s13  }
0x8b: {  	[tilespmem:s5], [sflag:$0x1] =	stream.linear.gather [hbm4b:s9+s4], $0x80, $0x38;
	v63 =	vld [tilespmem:$0x0]  }
0x8c: {  	s5 =	simm.s32 $0x8000  }
0x8d: {  	s8 =	simm.s32 $0x80;
	s9 =	sadd.s32 $0x0, s14;
	s7 =	simm.s32 $0x8200  }
.LBB2_10:
0x8e: {  	[tilespmem:s5], [sflag:$0x1] =	stream.linear.gather [hbm4b:s9+s4], $0x80, $0x38;
	v63 =	vld [tilespmem:$0x0]  }
0x8f: {  	s9 =	smov.u32 s8;
	s5 =	smov.u32 s7;
	p0 =	sne.s32 s8, $0x1F80  }
.Ltmp4:
0x90: {  	s8 =	sadd.s32 $0x80, s8;
	(pc) =	sbr.rel @p0 .LBB2_10-.Ltmp4, $2  }
0x91: {  	_ =	sdelay $0x2  }
0x92: {  	s7 =	sadd.s32 $0x200, s7;
	s9 =	sadd.s32 s9, s14  }
0x93: {  	[tilespmem:s5], [sflag:$0x1] =	stream.linear.gather [hbm4b:s9+s4], $0x80, $0x38;
	v63 =	vld [tilespmem:$0x0]  }
0x94: {  	s5 =	simm.s32 $0x8080  }
0x95: {  	s8 =	simm.s32 $0x80;
	s9 =	sadd.s32 $0x0, s15;
	s7 =	simm.s32 $0x8280  }
.LBB2_12:
0x96: {  	[tilespmem:s5], [sflag:$0x1] =	stream.linear.gather [hbm4b:s9+s4], $0x80, $0x38;
	v63 =	vld [tilespmem:$0x0]  }
0x97: {  	s9 =	smov.u32 s8;
	s5 =	smov.u32 s7;
	p0 =	sne.s32 s8, $0x1F80  }
.Ltmp5:
0x98: {  	s8 =	sadd.s32 $0x80, s8;
	(pc) =	sbr.rel @p0 .LBB2_12-.Ltmp5, $2  }
0x99: {  	_ =	sdelay $0x2  }
0x9a: {  	s7 =	sadd.s32 $0x200, s7;
	s9 =	sadd.s32 s9, s15  }
0x9b: {  	[tilespmem:s5], [sflag:$0x1] =	stream.linear.gather [hbm4b:s9+s4], $0x80, $0x38;
	v63 =	vld [tilespmem:$0x0]  }
0x9c: {  	s5 =	simm.s32 $0x8100  }
0x9d: {  	s8 =	simm.s32 $0x80;
	s9 =	sadd.s32 $0x0, s16;
	s7 =	simm.s32 $0x8300  }
.LBB2_14:
0x9e: {  	[tilespmem:s5], [sflag:$0x1] =	stream.linear.gather [hbm4b:s9+s4], $0x80, $0x38;
	v63 =	vld [tilespmem:$0x0]  }
0x9f: {  	s9 =	smov.u32 s8;
	s5 =	smov.u32 s7;
	p0 =	sne.s32 s8, $0x1F80  }
.Ltmp6:
0xa0: {  	s8 =	sadd.s32 $0x80, s8;
	(pc) =	sbr.rel @p0 .LBB2_14-.Ltmp6, $2  }
0xa1: {  	_ =	sdelay $0x2  }
0xa2: {  	s7 =	sadd.s32 $0x200, s7;
	s9 =	sadd.s32 s9, s16  }
0xa3: {  	[tilespmem:s5], [sflag:$0x1] =	stream.linear.gather [hbm4b:s9+s4], $0x80, $0x38;
	v63 =	vld [tilespmem:$0x0]  }
0xa4: {  	s5 =	simm.s32 $0x8180  }
0xa5: {  	s8 =	simm.s32 $0x80;
	s9 =	sadd.s32 $0x0, s17;
	s7 =	simm.s32 $0x8380  }
.LBB2_16:
0xa6: {  	[tilespmem:s5], [sflag:$0x1] =	stream.linear.gather [hbm4b:s9+s4], $0x80, $0x38;
	v63 =	vld [tilespmem:$0x0]  }
0xa7: {  	s9 =	smov.u32 s8;
	s5 =	smov.u32 s7;
	p0 =	sne.s32 s8, $0x1F80  }
.Ltmp7:
0xa8: {  	s8 =	sadd.s32 $0x80, s8;
	(pc) =	sbr.rel @p0 .LBB2_16-.Ltmp7, $2  }
0xa9: {  	_ =	sdelay $0x2  }
0xaa: {  	s7 =	sadd.s32 $0x200, s7;
	s9 =	sadd.s32 s9, s17  }
0xab: {  	[tilespmem:s5], [sflag:$0x1] =	stream.linear.gather [hbm4b:s9+s4], $0x80, $0x38;
	v63 =	vld [tilespmem:$0x0]  }
0xac: {  	s5 =	simm.s32 $0x10000  }
0xad: {  	s8 =	simm.s32 $0x80;
	s9 =	sadd.s32 $0x0, s18;
	s7 =	simm.s32 $0x10200  }
.LBB2_18:
0xae: {  	[tilespmem:s5], [sflag:$0x1] =	stream.linear.gather [hbm4b:s9+s4], $0x80, $0x38;
	v63 =	vld [tilespmem:$0x0]  }
0xaf: {  	s9 =	smov.u32 s8;
	s5 =	smov.u32 s7;
	p0 =	sne.s32 s8, $0x1F80  }
.Ltmp8:
0xb0: {  	s8 =	sadd.s32 $0x80, s8;
	(pc) =	sbr.rel @p0 .LBB2_18-.Ltmp8, $2  }
0xb1: {  	_ =	sdelay $0x2  }
0xb2: {  	s7 =	sadd.s32 $0x200, s7;
	s9 =	sadd.s32 s9, s18  }
0xb3: {  	[tilespmem:s5], [sflag:$0x1] =	stream.linear.gather [hbm4b:s9+s4], $0x80, $0x38;
	v63 =	vld [tilespmem:$0x0]  }
0xb4: {  	s5 =	simm.s32 $0x10080  }
0xb5: {  	s8 =	simm.s32 $0x80;
	s9 =	sadd.s32 $0x0, s19;
	s7 =	simm.s32 $0x10280  }
.LBB2_20:
0xb6: {  	[tilespmem:s5], [sflag:$0x1] =	stream.linear.gather [hbm4b:s9+s4], $0x80, $0x38;
	v63 =	vld [tilespmem:$0x0]  }
0xb7: {  	s9 =	smov.u32 s8;
	s5 =	smov.u32 s7;
	p0 =	sne.s32 s8, $0x1F80  }
.Ltmp9:
0xb8: {  	s8 =	sadd.s32 $0x80, s8;
	(pc) =	sbr.rel @p0 .LBB2_20-.Ltmp9, $2  }
0xb9: {  	_ =	sdelay $0x2  }
0xba: {  	s7 =	sadd.s32 $0x200, s7;
	s9 =	sadd.s32 s9, s19  }
0xbb: {  	[tilespmem:s5], [sflag:$0x1] =	stream.linear.gather [hbm4b:s9+s4], $0x80, $0x38;
	v63 =	vld [tilespmem:$0x0]  }
0xbc: {  	s5 =	simm.s32 $0x10100  }
0xbd: {  	s8 =	simm.s32 $0x80;
	s9 =	sadd.s32 $0x0, s20;
	s7 =	simm.s32 $0x10300  }
.LBB2_22:
0xbe: {  	[tilespmem:s5], [sflag:$0x1] =	stream.linear.gather [hbm4b:s9+s4], $0x80, $0x38;
	v63 =	vld [tilespmem:$0x0]  }
0xbf: {  	s9 =	smov.u32 s8;
	s5 =	smov.u32 s7;
	p0 =	sne.s32 s8, $0x1F80  }
.Ltmp10:
0xc0: {  	s8 =	sadd.s32 $0x80, s8;
	(pc) =	sbr.rel @p0 .LBB2_22-.Ltmp10, $2  }
0xc1: {  	_ =	sdelay $0x2  }
0xc2: {  	s7 =	sadd.s32 $0x200, s7;
	s9 =	sadd.s32 s9, s20  }
0xc3: {  	[tilespmem:s5], [sflag:$0x1] =	stream.linear.gather [hbm4b:s9+s4], $0x80, $0x38;
	v63 =	vld [tilespmem:$0x0]  }
0xc4: {  	s5 =	simm.s32 $0x10180  }
0xc5: {  	s8 =	simm.s32 $0x80;
	s9 =	sadd.s32 $0x0, s21;
	s7 =	simm.s32 $0x10380  }
.LBB2_24:
0xc6: {  	[tilespmem:s5], [sflag:$0x1] =	stream.linear.gather [hbm4b:s9+s4], $0x80, $0x38;
	v63 =	vld [tilespmem:$0x0]  }
0xc7: {  	s9 =	smov.u32 s8;
	s5 =	smov.u32 s7;
	p0 =	sne.s32 s8, $0x1F80  }
.Ltmp11:
0xc8: {  	s8 =	sadd.s32 $0x80, s8;
	(pc) =	sbr.rel @p0 .LBB2_24-.Ltmp11, $2  }
0xc9: {  	_ =	sdelay $0x2  }
0xca: {  	s7 =	sadd.s32 $0x200, s7;
	s9 =	sadd.s32 s9, s21  }
0xcb: {  	[tilespmem:s5], [sflag:$0x1] =	stream.linear.gather [hbm4b:s9+s4], $0x80, $0x38;
	v63 =	vld [tilespmem:$0x0]  }
0xcc: {  	s8 =	simm.s32 $0x1  }
0xcd: {  	_ =	swait.ge [sflag:s8], $0x2000  }
0xce: {  	[sflag:s8] =	ssyncset.done $0x0  }
0xcf: {  	[sflag:s8] =	ssyncadd.s32 $0xFFFFE000  }
0xd0: {  	_ =	swait.ge [sflag:s8], $0x2000  }
0xd1: {  	[sflag:s8] =	ssyncset.done $0x0  }
0xd2: {  	[sflag:s8] =	ssyncadd.s32 $0xFFFFE000  }
0xd3: {  	_ =	swait.ge [sflag:s8], $0x2000  }
0xd4: {  	[sflag:s8] =	ssyncset.done $0x0  }
0xd5: {  	[sflag:s8] =	ssyncadd.s32 $0xFFFFE000  }
0xd6: {  	_ =	swait.ge [sflag:s8], $0x2000  }
0xd7: {  	s5 =	simm.s32 $0x0;
	[sflag:s8] =	ssyncset.done $0x0  }
0xd8: {  	s9 =	simm.s32 $0x2;
	s7 =	rddreg [dreg:$0x15];
	[sflag:s8] =	ssyncadd.s32 $0xFFFFE000  }
0xd9: {  	[hbm4b:s7+s5] =	stream.linear.scatter [tilespmem:s5], [sflag:$0x2], $0x8000, $0x38;
	v63 =	vld [tilespmem:$0x0]  }
0xda: {  	_ =	swait.ge [sflag:s9], $0x8000  }
0xdb: {  	s8 =	simm.s32 $0x80;
	[sflag:s9] =	ssyncset.done $0x0  }
0xdc: {  	s7 =	simm.s32 $0x200;
	[sflag:s9] =	ssyncadd.s32 $0xFFFF8000;
	s9 =	sadd.s32 $0x0, s22  }
.LBB2_26:
0xdd: {  	[tilespmem:s5], [sflag:$0x1] =	stream.linear.gather [hbm4b:s9+s4], $0x80, $0x38;
	v63 =	vld [tilespmem:$0x0]  }
0xde: {  	s9 =	smov.u32 s8;
	s5 =	smov.u32 s7;
	p0 =	sne.s32 s8, $0x1F80  }
.Ltmp12:
0xdf: {  	s8 =	sadd.s32 $0x80, s8;
	(pc) =	sbr.rel @p0 .LBB2_26-.Ltmp12, $2  }
0xe0: {  	_ =	sdelay $0x2  }
0xe1: {  	s7 =	sadd.s32 $0x200, s7;
	s9 =	sadd.s32 s9, s22  }
0xe2: {  	[tilespmem:s5], [sflag:$0x1] =	stream.linear.gather [hbm4b:s9+s4], $0x80, $0x38;
	v63 =	vld [tilespmem:$0x0]  }
0xe3: {  	s5 =	simm.s32 $0x80  }
0xe4: {  	s8 =	simm.s32 $0x80;
	s9 =	sadd.s32 $0x0, s23;
	s7 =	simm.s32 $0x280  }
.LBB2_28:
0xe5: {  	[tilespmem:s5], [sflag:$0x1] =	stream.linear.gather [hbm4b:s9+s4], $0x80, $0x38;
	v63 =	vld [tilespmem:$0x0]  }
0xe6: {  	s9 =	smov.u32 s8;
	s5 =	smov.u32 s7;
	p0 =	sne.s32 s8, $0x1F80  }
.Ltmp13:
0xe7: {  	s8 =	sadd.s32 $0x80, s8;
	(pc) =	sbr.rel @p0 .LBB2_28-.Ltmp13, $2  }
0xe8: {  	_ =	sdelay $0x2  }
0xe9: {  	s7 =	sadd.s32 $0x200, s7;
	s9 =	sadd.s32 s9, s23  }
0xea: {  	[tilespmem:s5], [sflag:$0x1] =	stream.linear.gather [hbm4b:s9+s4], $0x80, $0x38;
	v63 =	vld [tilespmem:$0x0]  }
0xeb: {  	s5 =	simm.s32 $0x100  }
0xec: {  	s8 =	simm.s32 $0x80;
	s9 =	sadd.s32 $0x0, s24;
	s7 =	simm.s32 $0x300  }
.LBB2_30:
0xed: {  	[tilespmem:s5], [sflag:$0x1] =	stream.linear.gather [hbm4b:s9+s4], $0x80, $0x38;
	v63 =	vld [tilespmem:$0x0]  }
0xee: {  	s9 =	smov.u32 s8;
	s5 =	smov.u32 s7;
	p0 =	sne.s32 s8, $0x1F80  }
.Ltmp14:
0xef: {  	s8 =	sadd.s32 $0x80, s8;
	(pc) =	sbr.rel @p0 .LBB2_30-.Ltmp14, $2  }
0xf0: {  	_ =	sdelay $0x2  }
0xf1: {  	s7 =	sadd.s32 $0x200, s7;
	s9 =	sadd.s32 s9, s24  }
0xf2: {  	[tilespmem:s5], [sflag:$0x1] =	stream.linear.gather [hbm4b:s9+s4], $0x80, $0x38;
	v63 =	vld [tilespmem:$0x0]  }
0xf3: {  	s5 =	simm.s32 $0x180  }
0xf4: {  	s8 =	simm.s32 $0x80;
	s9 =	sadd.s32 $0x0, s25;
	s7 =	simm.s32 $0x380  }
.LBB2_32:
0xf5: {  	[tilespmem:s5], [sflag:$0x1] =	stream.linear.gather [hbm4b:s9+s4], $0x80, $0x38;
	v63 =	vld [tilespmem:$0x0]  }
0xf6: {  	s9 =	smov.u32 s8;
	s5 =	smov.u32 s7;
	p0 =	sne.s32 s8, $0x1F80  }
.Ltmp15:
0xf7: {  	s8 =	sadd.s32 $0x80, s8;
	(pc) =	sbr.rel @p0 .LBB2_32-.Ltmp15, $2  }
0xf8: {  	_ =	sdelay $0x2  }
0xf9: {  	s7 =	sadd.s32 $0x200, s7;
	s9 =	sadd.s32 s9, s25  }
0xfa: {  	[tilespmem:s5], [sflag:$0x1] =	stream.linear.gather [hbm4b:s9+s4], $0x80, $0x38;
	v63 =	vld [tilespmem:$0x0]  }
0xfb: {  	s1 =	simm.s32 $0x1  }
0xfc: {  	_ =	swait.ge [sflag:s1], $0x2000  }
0xfd: {  	[sflag:s1] =	ssyncset.done $0x0  }
0xfe: {  	[sflag:s1] =	ssyncadd.s32 $0xFFFFE000  }
0xff: {  	_ =	swait.ge [sflag:s1], $0x2000  }
0x100: {  	[sflag:s1] =	ssyncset.done $0x0  }
0x101: {  	[sflag:s1] =	ssyncadd.s32 $0xFFFFE000  }
0x102: {  	_ =	swait.ge [sflag:s1], $0x2000  }
0x103: {  	[sflag:s1] =	ssyncset.done $0x0  }
0x104: {  	[sflag:s1] =	ssyncadd.s32 $0xFFFFE000  }
0x105: {  	_ =	swait.ge [sflag:s1], $0x2000  }
0x106: {  	s7 =	simm.s32 $0x0;
	[sflag:s1] =	ssyncset.done $0x0  }
0x107: {  	s5 =	simm.s32 $0x8000;
	s8 =	rddreg [dreg:$0x16];
	[sflag:s1] =	ssyncadd.s32 $0xFFFFE000  }
0x108: {  	[hbm4b:s8+s7] =	stream.linear.scatter [tilespmem:s5], [sflag:$0x2], $0x8000, $0x38;
	v63 =	vld [tilespmem:$0x0]  }
0x109: {  	s7 =	simm.s32 $0x3  }
0x10a: {  	_ =	swait.ge [sflag:s7], $0x200  }
0x10b: {  	[sflag:s7] =	ssyncset.done $0x0  }
0x10c: {  	[sflag:s7] =	ssyncadd.s32 $0xFFFFFE00  }
0x10d: {  	_ =	swait.ge [sflag:s7], $0x200  }
0x10e: {  	[sflag:s7] =	ssyncset.done $0x0  }
0x10f: {  	[sflag:s7] =	ssyncadd.s32 $0xFFFFFE00  }
0x110: {  	_ =	swait.ge [sflag:s7], $0x200  }
0x111: {  	[sflag:s7] =	ssyncset.done $0x0  }
0x112: {  	[sflag:s7] =	ssyncadd.s32 $0xFFFFFE00  }
0x113: {  	_ =	swait.ge [sflag:s7], $0x200  }
0x114: {  	[sflag:s7] =	ssyncset.done $0x0  }
0x115: {  	[sflag:s7] =	ssyncadd.s32 $0xFFFFFE00  }
0x116: {  	_ =	swait.ge [sflag:s7], $0x200  }
0x117: {  	[sflag:s7] =	ssyncset.done $0x0  }
0x118: {  	[sflag:s7] =	ssyncadd.s32 $0xFFFFFE00  }
0x119: {  	_ =	swait.ge [sflag:s7], $0x200  }
0x11a: {  	[sflag:s7] =	ssyncset.done $0x0  }
0x11b: {  	[sflag:s7] =	ssyncadd.s32 $0xFFFFFE00  }
0x11c: {  	_ =	swait.ge [sflag:s7], $0x200  }
0x11d: {  	[sflag:s7] =	ssyncset.done $0x0  }
0x11e: {  	[sflag:s7] =	ssyncadd.s32 $0xFFFFFE00  }
0x11f: {  	_ =	swait.ge [sflag:s7], $0x200  }
0x120: {  	s6 =	sld [smem:$0x7E3]  }
0x121: {  	[sflag:s7] =	ssyncset.done $0x0;
	s8 =	rddreg [dreg:$0x1f]  }
0x122: {  	s1 =	rddreg [dreg:$0x17];
	[sflag:s7] =	ssyncadd.s32 $0xFFFFFE00;
	s9 =	sor.u32 $0x1C04, s8  }
0x123: {  	[hbm:s1], [sflag:s9] =	dma.local [spmem:s6], $0x800  }
0x124: {  	s1 =	sld [smem:$0x7E7]  }
0x125: {  	[smem:$0x7E1] =	sst s9  }
0x126: {  	s7 =	rddreg [dreg:$0x18]  }
0x127: {  	[hbm:s7], [sflag:s9] =	dma.local [spmem:s1], $0x800  }
0x128: {  	s9 =	simm.s32 $0x2  }
0x129: {  	_ =	swait.ge [sflag:s9], $0x8000  }
0x12a: {  	s8 =	simm.s32 $0x8200;
	[sflag:s9] =	ssyncset.done $0x0  }
0x12b: {  	s7 =	simm.s32 $0x80;
	[sflag:s9] =	ssyncadd.s32 $0xFFFF8000;
	s9 =	sadd.s32 $0x0, s26  }
.LBB2_34:
0x12c: {  	[tilespmem:s5], [sflag:$0x1] =	stream.linear.gather [hbm4b:s9+s4], $0x80, $0x38;
	v63 =	vld [tilespmem:$0x0]  }
0x12d: {  	s9 =	smov.u32 s7;
	s5 =	smov.u32 s8;
	p0 =	sne.s32 s7, $0x1F80  }
.Ltmp16:
0x12e: {  	s7 =	sadd.s32 $0x80, s7;
	(pc) =	sbr.rel @p0 .LBB2_34-.Ltmp16, $2  }
0x12f: {  	_ =	sdelay $0x2  }
0x130: {  	s8 =	sadd.s32 $0x200, s8;
	s9 =	sadd.s32 s9, s26  }
0x131: {  	[tilespmem:s5], [sflag:$0x1] =	stream.linear.gather [hbm4b:s9+s4], $0x80, $0x38;
	v63 =	vld [tilespmem:$0x0]  }
0x132: {  	s5 =	simm.s32 $0x8080  }
0x133: {  	s7 =	simm.s32 $0x80;
	s9 =	sadd.s32 $0x0, s28;
	s8 =	simm.s32 $0x8280  }
.LBB2_36:
0x134: {  	[tilespmem:s5], [sflag:$0x1] =	stream.linear.gather [hbm4b:s9+s4], $0x80, $0x38;
	v63 =	vld [tilespmem:$0x0]  }
0x135: {  	s9 =	smov.u32 s7;
	s5 =	smov.u32 s8;
	p0 =	sne.s32 s7, $0x1F80  }
.Ltmp17:
0x136: {  	s7 =	sadd.s32 $0x80, s7;
	(pc) =	sbr.rel @p0 .LBB2_36-.Ltmp17, $2  }
0x137: {  	_ =	sdelay $0x2  }
0x138: {  	s8 =	sadd.s32 $0x200, s8;
	s9 =	sadd.s32 s9, s28  }
0x139: {  	[tilespmem:s5], [sflag:$0x1] =	stream.linear.gather [hbm4b:s9+s4], $0x80, $0x38;
	v63 =	vld [tilespmem:$0x0]  }
0x13a: {  	s5 =	simm.s32 $0x8100  }
0x13b: {  	s7 =	simm.s32 $0x80;
	s9 =	sadd.s32 $0x0, s29;
	s8 =	simm.s32 $0x8300  }
.LBB2_38:
0x13c: {  	[tilespmem:s5], [sflag:$0x1] =	stream.linear.gather [hbm4b:s9+s4], $0x80, $0x38;
	v63 =	vld [tilespmem:$0x0]  }
0x13d: {  	s9 =	smov.u32 s7;
	s5 =	smov.u32 s8;
	p0 =	sne.s32 s7, $0x1F80  }
.Ltmp18:
0x13e: {  	s7 =	sadd.s32 $0x80, s7;
	(pc) =	sbr.rel @p0 .LBB2_38-.Ltmp18, $2  }
0x13f: {  	_ =	sdelay $0x2  }
0x140: {  	s8 =	sadd.s32 $0x200, s8;
	s9 =	sadd.s32 s9, s29  }
0x141: {  	[tilespmem:s5], [sflag:$0x1] =	stream.linear.gather [hbm4b:s9+s4], $0x80, $0x38;
	v63 =	vld [tilespmem:$0x0]  }
0x142: {  	s5 =	simm.s32 $0x8180  }
0x143: {  	s7 =	simm.s32 $0x80;
	s9 =	sadd.s32 $0x0, s30;
	s8 =	simm.s32 $0x8380  }
.LBB2_40:
0x144: {  	[tilespmem:s5], [sflag:$0x1] =	stream.linear.gather [hbm4b:s9+s4], $0x80, $0x38;
	v63 =	vld [tilespmem:$0x0]  }
0x145: {  	s9 =	smov.u32 s7;
	s5 =	smov.u32 s8;
	p0 =	sne.s32 s7, $0x1F80  }
.Ltmp19:
0x146: {  	s7 =	sadd.s32 $0x80, s7;
	(pc) =	sbr.rel @p0 .LBB2_40-.Ltmp19, $2  }
0x147: {  	_ =	sdelay $0x2  }
0x148: {  	s8 =	sadd.s32 $0x200, s8;
	s9 =	sadd.s32 s9, s30  }
0x149: {  	[tilespmem:s5], [sflag:$0x1] =	stream.linear.gather [hbm4b:s9+s4], $0x80, $0x38;
	v63 =	vld [tilespmem:$0x0]  }
0x14a: {  	s1 =	simm.s32 $0x1  }
0x14b: {  	_ =	swait.ge [sflag:s1], $0x2000  }
0x14c: {  	[sflag:s1] =	ssyncset.done $0x0  }
0x14d: {  	[sflag:s1] =	ssyncadd.s32 $0xFFFFE000  }
0x14e: {  	_ =	swait.ge [sflag:s1], $0x2000  }
0x14f: {  	[sflag:s1] =	ssyncset.done $0x0  }
0x150: {  	[sflag:s1] =	ssyncadd.s32 $0xFFFFE000  }
0x151: {  	_ =	swait.ge [sflag:s1], $0x2000  }
0x152: {  	[sflag:s1] =	ssyncset.done $0x0  }
0x153: {  	[sflag:s1] =	ssyncadd.s32 $0xFFFFE000  }
0x154: {  	_ =	swait.ge [sflag:s1], $0x2000  }
0x155: {  	s7 =	simm.s32 $0x0;
	s5 =	simm.s32 $0x10000;
	[sflag:s1] =	ssyncset.done $0x0  }
0x156: {  	s9 =	simm.s32 $0x2;
	s8 =	rddreg [dreg:$0x19];
	[sflag:s1] =	ssyncadd.s32 $0xFFFFE000  }
0x157: {  	[hbm4b:s8+s7] =	stream.linear.scatter [tilespmem:s5], [sflag:$0x2], $0x8000, $0x38;
	v63 =	vld [tilespmem:$0x0]  }
0x158: {  	_ =	swait.ge [sflag:s9], $0x8000  }
0x159: {  	s7 =	simm.s32 $0x80;
	[sflag:s9] =	ssyncset.done $0x0  }
0x15a: {  	s8 =	simm.s32 $0x10200;
	[sflag:s9] =	ssyncadd.s32 $0xFFFF8000;
	s9 =	sadd.s32 $0x0, s31  }
.LBB2_42:
0x15b: {  	[tilespmem:s5], [sflag:$0x1] =	stream.linear.gather [hbm4b:s9+s4], $0x80, $0x38;
	v63 =	vld [tilespmem:$0x0]  }
0x15c: {  	s9 =	smov.u32 s7;
	s5 =	smov.u32 s8;
	p0 =	sne.s32 s7, $0x1F80  }
.Ltmp20:
0x15d: {  	s7 =	sadd.s32 $0x80, s7;
	(pc) =	sbr.rel @p0 .LBB2_42-.Ltmp20, $2  }
0x15e: {  	_ =	sdelay $0x2  }
0x15f: {  	s8 =	sadd.s32 $0x200, s8;
	s9 =	sadd.s32 s9, s31  }
0x160: {  	[tilespmem:s5], [sflag:$0x1] =	stream.linear.gather [hbm4b:s9+s4], $0x80, $0x38;
	v63 =	vld [tilespmem:$0x0]  }
0x161: {  	s5 =	simm.s32 $0x10080  }
0x162: {  	s7 =	simm.s32 $0x80;
	s9 =	sadd.s32 $0x0, s0;
	s8 =	simm.s32 $0x10280  }
.LBB2_44:
0x163: {  	[tilespmem:s5], [sflag:$0x1] =	stream.linear.gather [hbm4b:s9+s4], $0x80, $0x38;
	v63 =	vld [tilespmem:$0x0]  }
0x164: {  	s9 =	smov.u32 s7;
	s5 =	smov.u32 s8;
	p0 =	sne.s32 s7, $0x1F80  }
.Ltmp21:
0x165: {  	s7 =	sadd.s32 $0x80, s7;
	(pc) =	sbr.rel @p0 .LBB2_44-.Ltmp21, $2  }
0x166: {  	_ =	sdelay $0x2  }
0x167: {  	s8 =	sadd.s32 $0x200, s8;
	s9 =	sadd.s32 s9, s0  }
0x168: {  	[tilespmem:s5], [sflag:$0x1] =	stream.linear.gather [hbm4b:s9+s4], $0x80, $0x38;
	v63 =	vld [tilespmem:$0x0]  }
0x169: {  	s5 =	simm.s32 $0x10100  }
0x16a: {  	s7 =	simm.s32 $0x80;
	s9 =	sadd.s32 $0x0, s2;
	s8 =	simm.s32 $0x10300  }
.LBB2_46:
0x16b: {  	[tilespmem:s5], [sflag:$0x1] =	stream.linear.gather [hbm4b:s9+s4], $0x80, $0x38;
	v63 =	vld [tilespmem:$0x0]  }
0x16c: {  	s9 =	smov.u32 s7;
	s5 =	smov.u32 s8;
	p0 =	sne.s32 s7, $0x1F80  }
.Ltmp22:
0x16d: {  	s7 =	sadd.s32 $0x80, s7;
	(pc) =	sbr.rel @p0 .LBB2_46-.Ltmp22, $2  }
0x16e: {  	_ =	sdelay $0x2  }
0x16f: {  	s8 =	sadd.s32 $0x200, s8;
	s9 =	sadd.s32 s9, s2  }
0x170: {  	[tilespmem:s5], [sflag:$0x1] =	stream.linear.gather [hbm4b:s9+s4], $0x80, $0x38;
	v63 =	vld [tilespmem:$0x0]  }
0x171: {  	s5 =	simm.s32 $0x10180  }
0x172: {  	s7 =	simm.s32 $0x80;
	s9 =	sadd.s32 $0x0, s3;
	s8 =	simm.s32 $0x10380  }
.LBB2_48:
0x173: {  	[tilespmem:s5], [sflag:$0x1] =	stream.linear.gather [hbm4b:s9+s4], $0x80, $0x38;
	v63 =	vld [tilespmem:$0x0]  }
0x174: {  	s9 =	smov.u32 s7;
	s5 =	smov.u32 s8;
	p0 =	sne.s32 s7, $0x1F80  }
.Ltmp23:
0x175: {  	s7 =	sadd.s32 $0x80, s7;
	(pc) =	sbr.rel @p0 .LBB2_48-.Ltmp23, $2  }
0x176: {  	_ =	sdelay $0x2  }
0x177: {  	s8 =	sadd.s32 $0x200, s8;
	s9 =	sadd.s32 s9, s3  }
0x178: {  	[tilespmem:s5], [sflag:$0x1] =	stream.linear.gather [hbm4b:s9+s4], $0x80, $0x38;
	v63 =	vld [tilespmem:$0x0]  }
0x179: {  	s6 =	simm.s32 $0x1  }
0x17a: {  	_ =	swait.ge [sflag:s6], $0x2000  }
0x17b: {  	[sflag:s6] =	ssyncset.done $0x0  }
0x17c: {  	[sflag:s6] =	ssyncadd.s32 $0xFFFFE000  }
0x17d: {  	_ =	swait.ge [sflag:s6], $0x2000  }
0x17e: {  	[sflag:s6] =	ssyncset.done $0x0  }
0x17f: {  	[sflag:s6] =	ssyncadd.s32 $0xFFFFE000  }
0x180: {  	_ =	swait.ge [sflag:s6], $0x2000  }
0x181: {  	[sflag:s6] =	ssyncset.done $0x0  }
0x182: {  	[sflag:s6] =	ssyncadd.s32 $0xFFFFE000  }
0x183: {  	_ =	swait.ge [sflag:s6], $0x2000  }
0x184: {  	[sflag:s6] =	ssyncset.done $0x0  }
0x185: {  	s1 =	rddreg [dreg:$0x1a];
	[sflag:s6] =	ssyncadd.s32 $0xFFFFE000  }
0x186: {  	[hbm4b:s1+s4] =	stream.linear.scatter [tilespmem:s4], [sflag:$0x2], $0x8000, $0x38;
	v63 =	vld [tilespmem:$0x0]  }
0x187: {  	s1 =	simm.s32 $0x4  }
0x188: {  	_ =	swait.ge [sflag:s1], $0x800  }
0x189: {  	[sflag:s1] =	ssyncset.done $0x0  }
0x18a: {  	[sflag:s1] =	ssyncadd.s32 $0xFFFFF800  }
0x18b: {  	_ =	swait.ge [sflag:s1], $0x800  }
0x18c: {  	[sflag:s1] =	ssyncset.done $0x0;
	s7 =	sld [smem:$0x7FD]  }
0x18d: {  	[sflag:s1] =	ssyncadd.s32 $0xFFFFF800;
	s1 =	sld [smem:$0x7E3];
	_ =	sdelay $0x1  }
0x18e: {  	s8 =	simm.s32 $0x40;
	s9 =	simm.s32 $0x80;
	s5 =	rddreg [dreg:$0xd]  }
0x18f: {  	[spmem:s1@s8], [sflag:s7] =	dma.strided [hbm:s5@s9], $0x200, s6, $0x10   }
0x190: {  	s1 =	sld [smem:$0x7E4];
	_ =	sdelay $0x1  }
0x191: {  	s5 =	rddreg [dreg:$0xe]  }
0x192: {  	[spmem:s1@s8], [sflag:s7] =	dma.strided [hbm:s5@s9], $0x200, s6, $0x10   }
0x193: {  	s1 =	sld [smem:$0x7E5];
	_ =	sdelay $0x1  }
0x194: {  	s5 =	rddreg [dreg:$0xf]  }
0x195: {  	[spmem:s1@s8], [sflag:s7] =	dma.strided [hbm:s5@s9], $0x200, s6, $0x10   }
0x196: {  	s1 =	sld [smem:$0x7E6];
	_ =	sdelay $0x1  }
0x197: {  	s5 =	rddreg [dreg:$0x10]  }
0x198: {  	[spmem:s1@s8], [sflag:s7] =	dma.strided [hbm:s5@s9], $0x200, s6, $0x10   }
0x199: {  	s1 =	sld [smem:$0x7E7];
	_ =	sdelay $0x1  }
0x19a: {  	s5 =	rddreg [dreg:$0x11]  }
0x19b: {  	[spmem:s1@s8], [sflag:s7] =	dma.strided [hbm:s5@s9], $0x200, s6, $0x10   }
0x19c: {  	s1 =	sld [smem:$0x7E8];
	_ =	sdelay $0x1  }
0x19d: {  	s5 =	rddreg [dreg:$0x12]  }
0x19e: {  	[spmem:s1@s8], [sflag:s7] =	dma.strided [hbm:s5@s9], $0x200, s6, $0x10   }
0x19f: {  	s1 =	sld [smem:$0x7E9];
	_ =	sdelay $0x1  }
0x1a0: {  	s5 =	rddreg [dreg:$0x13]  }
0x1a1: {  	[spmem:s1@s8], [sflag:s7] =	dma.strided [hbm:s5@s9], $0x200, s6, $0x10   }
0x1a2: {  	s1 =	sld [smem:$0x7EA];
	_ =	sdelay $0x1  }
0x1a3: {  	s5 =	rddreg [dreg:$0x14]  }
0x1a4: {  	[spmem:s1@s8], [sflag:s7] =	dma.strided [hbm:s5@s9], $0x200, s6, $0x10   }
0x1a5: {  	_ =	swait.ge [sflag:s6], $0x2000  }
0x1a6: {  	[sflag:s6] =	ssyncset.done $0x0  }
0x1a7: {  	[sflag:s6] =	ssyncadd.s32 $0xFFFFE000  }
0x1a8: {  	_ =	swait.ge [sflag:s6], $0x2000  }
0x1a9: {  	[sflag:s6] =	ssyncset.done $0x0  }
0x1aa: {  	[sflag:s6] =	ssyncadd.s32 $0xFFFFE000  }
0x1ab: {  	_ =	swait.ge [sflag:s6], $0x2000  }
0x1ac: {  	[sflag:s6] =	ssyncset.done $0x0  }
0x1ad: {  	[sflag:s6] =	ssyncadd.s32 $0xFFFFE000  }
0x1ae: {  	_ =	swait.ge [sflag:s6], $0x2000  }
0x1af: {  	[sflag:s6] =	ssyncset.done $0x0  }
0x1b0: {  	s1 =	simm.s32 $0x8000;
	[sflag:s6] =	ssyncadd.s32 $0xFFFFE000;
	s6 =	rddreg [dreg:$0x1b]  }
0x1b1: {  	[hbm4b:s6+s4] =	stream.linear.scatter [tilespmem:s1], [sflag:$0x2], $0x8000, $0x38;
	v63 =	vld [tilespmem:$0x0]  }
0x1b2: {  	s6 =	simm.s32 $0x1  }
0x1b3: {  	_ =	swait.ge [sflag:s6], $0x2000  }
0x1b4: {  	[sflag:s6] =	ssyncset.done $0x0  }
0x1b5: {  	[sflag:s6] =	ssyncadd.s32 $0xFFFFE000  }
0x1b6: {  	_ =	swait.ge [sflag:s6], $0x2000  }
0x1b7: {  	[sflag:s6] =	ssyncset.done $0x0  }
0x1b8: {  	[sflag:s6] =	ssyncadd.s32 $0xFFFFE000  }
0x1b9: {  	_ =	swait.ge [sflag:s6], $0x2000  }
0x1ba: {  	[sflag:s6] =	ssyncset.done $0x0  }
0x1bb: {  	[sflag:s6] =	ssyncadd.s32 $0xFFFFE000  }
0x1bc: {  	_ =	swait.ge [sflag:s6], $0x2000  }
0x1bd: {  	[sflag:s6] =	ssyncset.done $0x0  }
0x1be: {  	s1 =	rddreg [dreg:$0x1c];
	[sflag:s6] =	ssyncadd.s32 $0xFFFFE000;
	s6 =	simm.s32 $0x10000  }
0x1bf: {  	[hbm4b:s1+s4] =	stream.linear.scatter [tilespmem:s6], [sflag:$0x2], $0x8000, $0x38;
	v63 =	vld [tilespmem:$0x0]  }
0x1c0: {  	s6 =	simm.s32 $0x3  }
0x1c1: {  	_ =	swait.ge [sflag:s6], $0x200  }
0x1c2: {  	[sflag:s6] =	ssyncset.done $0x0  }
0x1c3: {  	[sflag:s6] =	ssyncadd.s32 $0xFFFFFE00  }
0x1c4: {  	_ =	swait.ge [sflag:s6], $0x200  }
0x1c5: {  	[sflag:s6] =	ssyncset.done $0x0  }
0x1c6: {  	[sflag:s6] =	ssyncadd.s32 $0xFFFFFE00  }
0x1c7: {  	_ =	swait.ge [sflag:s6], $0x200  }
0x1c8: {  	[sflag:s6] =	ssyncset.done $0x0  }
0x1c9: {  	[sflag:s6] =	ssyncadd.s32 $0xFFFFFE00  }
0x1ca: {  	_ =	swait.ge [sflag:s6], $0x200  }
0x1cb: {  	[sflag:s6] =	ssyncset.done $0x0  }
0x1cc: {  	[sflag:s6] =	ssyncadd.s32 $0xFFFFFE00  }
0x1cd: {  	_ =	swait.ge [sflag:s6], $0x200  }
0x1ce: {  	[sflag:s6] =	ssyncset.done $0x0  }
0x1cf: {  	[sflag:s6] =	ssyncadd.s32 $0xFFFFFE00  }
0x1d0: {  	_ =	swait.ge [sflag:s6], $0x200  }
0x1d1: {  	[sflag:s6] =	ssyncset.done $0x0  }
0x1d2: {  	[sflag:s6] =	ssyncadd.s32 $0xFFFFFE00  }
0x1d3: {  	_ =	swait.ge [sflag:s6], $0x200  }
0x1d4: {  	[sflag:s6] =	ssyncset.done $0x0  }
0x1d5: {  	[sflag:s6] =	ssyncadd.s32 $0xFFFFFE00  }
0x1d6: {  	_ =	swait.ge [sflag:s6], $0x200  }
0x1d7: {  	[sflag:s6] =	ssyncset.done $0x0;
	s1 =	sld [smem:$0x7E3]  }
0x1d8: {  	[sflag:s6] =	ssyncadd.s32 $0xFFFFFE00;
	s6 =	sld [smem:$0x7E1];
	_ =	sdelay $0x1  }
0x1d9: {  	s5 =	rddreg [dreg:$0x1d]  }
0x1da: {  	[hbm:s5], [sflag:s6] =	dma.local [spmem:s1], $0x800  }
0x1db: {  	s1 =	sld [smem:$0x7E7]  }
0x1dc: {  	s6 =	sld [smem:$0x7E1];
	_ =	sdelay $0x1  }
0x1dd: {  	s5 =	rddreg [dreg:$0x1e]  }
0x1de: {  	[hbm:s5], [sflag:s6] =	dma.local [spmem:s1], $0x800  }
0x1df: {  	s1 =	simm.s32 $0x2  }
0x1e0: {  	_ =	swait.ge [sflag:s1], $0x8000  }
0x1e1: {  	[sflag:s1] =	ssyncset.done $0x0  }
0x1e2: {  	[sflag:s1] =	ssyncadd.s32 $0xFFFF8000  }
0x1e3: {  	_ =	swait.ge [sflag:s1], $0x8000  }
0x1e4: {  	[sflag:s1] =	ssyncset.done $0x0  }
0x1e5: {  	[sflag:s1] =	ssyncadd.s32 $0xFFFF8000  }
0x1e6: {  	_ =	swait.ge [sflag:s1], $0x8000  }
0x1e7: {  	[sflag:s1] =	ssyncset.done $0x0  }
0x1e8: {  	s5 =	simm.s32 $0x4;
	[sflag:s1] =	ssyncadd.s32 $0xFFFF8000  }
0x1e9: {  	_ =	swait.ge [sflag:s5], $0x800  }
0x1ea: {  	[sflag:s5] =	ssyncset.done $0x0  }
0x1eb: {  	[sflag:s5] =	ssyncadd.s32 $0xFFFFF800  }
0x1ec: {  	_ =	swait.ge [sflag:s5], $0x800  }
0x1ed: {  	s6 =	sld [smem:$0x7E2]  }
0x1ee: {  	[sflag:s5] =	ssyncset.done $0x0;
	s5 =	sld [smem:$0x7F5];
	_ =	sdelay $0x1  }
0x1ef: {  	s1 =	sadd.s32 $0x1, s6  }
0x1f0: {  	p0 =	sne.s32 s1, s5  }
.Ltmp24:
0x1f1: {  	_ = 	snop;
	(pc) =	sbr.rel @p0 .LBB2_1-.Ltmp24, $3  }
0x1f2: {  	_ =	sdelay $0x1  }
0x1f3: {  	s6 =	simm.s32 $0x4  }
0x1f4: {  	[sflag:s6] =	ssyncadd.s32 $0xFFFFF800  }
0x1f5: {  	_ =	sfence.sel $0x180000  }
0x1f6: {  	[bflag:$0x0] =	sbarrier.arrive $0xFFFF  }
0x1f7: {  	_ =	strace $0x90000047  }
0x1f8: {  	s0 =	stileid.u32;
	[bflag:$0x2] =	sbarrier.arrive $0xFFFF  }
0x1f9: {  	p0 =	sne.s32 s0, $0x0;
	s0 =	rddreg [dreg:$0x3]  }
0x1fa: {  	s0 =	sadd.s32 @!p0 $0x100000, s0  }
0x1fb: {  	[sflag:s0] =	ssyncadd.tile.s32 @!p0 $0x1;
	_ =	shalt  }
.Lfunc_end2:
_tile_overlayer_lowered:
.L_overlay_start_2:
0x1fc: {  	(tag) =	ssettag $0x2  }
0x1fd: {  	s0 =	rddreg [dreg:$0x0];
	s2 =	stileid.u32  }
0x1fe: {  	s1 =	rddreg [dreg:$0x1];
	p0 =	sne.s32 s2, $0x0  }
0x1ff: {  	s3 =	rddreg [dreg:$0x2];
	[bflag:$0x3] =	sbarrier.arrive $0xFFFF;
	s2 =	simm.s32 @!p0 $0x1C05  }
0x200: {  	[timem:s3], [sflag:s2] =	dma.local @!p0 [hbm:s0], s1  }
0x201: {  	s0 =	simm.s32 @!p0 $0x5  }
0x202: {  	_ =	swait.ge @!p0 [sflag:s0], s1  }
0x203: {  	s1 =	ssub.s32 @!p0 $0x0, s1;
	[sflag:s0] =	ssyncset.done @!p0 $0x0  }
0x204: {  	[sflag:s0] =	ssyncadd.s32 @!p0 s1  }
0x205: {  	[bflag:$0x3] =	sbarrier.arrive $0xFFFF  }
0x206: {  	_ =	shalt  }

</sc_bundles>
